<compile_context>
chip_gen: v7x
topology: tpu7x:2x2x1
jax: 0.10.2.dev20260603
libtpu: 0.0.44.dev20260713+nightly
codegen_flags: <defaults>
</compile_context>

<pallas_src>
import dataclasses
import functools

import jax
import jax.numpy as jnp
from jax import lax
from jax.experimental import pallas as pl
from jax.experimental.pallas import tpu as pltpu
from jax.experimental.pallas import tpu_sc as plsc

N = 10000
D = 128
E = 320000

NC = 2
NS = 16
DH = D // NC
CHUNK = 128
NCHUNK = 158
E_PAD = NS * NCHUNK * CHUNK
N_PAD = 10112
SLICE = N_PAD // NS


def _sc_agg_body(x_hbm, pk_hbm, p_hbm, c_hbm,
                 pk_v, src_q, dst_q, rows0, rows1,
                 ones_v, zbuf, cbuf, acc, cacc, sg, ss, *, with_counts):
    c_idx = lax.axis_index("core")
    s_idx = lax.axis_index("subcore")
    row0 = s_idx * SLICE

    z16 = jnp.zeros((16,), jnp.float32)
    o16 = jnp.ones((16,), jnp.float32)

    @pl.loop(0, SLICE)
    def _(i):
        for j in range(DH // 16):
            zbuf[i, pl.ds(j * 16, 16)] = z16

    if with_counts:
        @pl.loop(0, SLICE, step=16)
        def _(i):
            cbuf[pl.ds(i, 16)] = z16

        for j in range(CHUNK // 16):
            ones_v[pl.ds(j * 16, 16)] = o16

    pltpu.sync_copy(zbuf, acc.at[pl.ds(row0, SLICE)])
    if with_counts:
        pltpu.sync_copy(cbuf, cacc.at[pl.ds(row0, SLICE)])

    pltpu.sync_copy(pk_hbm.at[s_idx], pk_v)

    plsc.subcore_barrier()

    xc = x_hbm.at[c_idx]

    def gather(j, r, rows, sem):
        for k in range(CHUNK // 16):
            e = pk_v[j, pl.ds(k * 16, 16)]
            src_q[r, pl.ds(k * 16, 16)] = e & 0x3FFF
            dst_q[r, pl.ds(k * 16, 16)] = lax.shift_right_logical(e, 14)
        pltpu.async_copy(xc.at[src_q.at[r]], rows, sem)

    def consume(r, rows, sem):
        pltpu.make_async_copy(xc.at[src_q.at[r]], rows, sem).wait()
        pltpu.sync_copy(rows, acc.at[dst_q.at[r]], add=True)
        if with_counts:
            pltpu.sync_copy(ones_v, cacc.at[dst_q.at[r]], add=True)

    gather(0, 0, rows0, sg)

    @pl.loop(0, NCHUNK - 2, step=2)
    def _(j):
        gather(j + 1, 1, rows1, ss)
        consume(0, rows0, sg)
        gather(j + 2, 0, rows0, sg)
        consume(1, rows1, ss)

    gather(NCHUNK - 1, 1, rows1, ss)
    consume(0, rows0, sg)
    consume(1, rows1, ss)

    plsc.subcore_barrier()

    pltpu.sync_copy(acc.at[pl.ds(row0, SLICE)], zbuf)
    pltpu.sync_copy(zbuf, p_hbm.at[c_idx].at[pl.ds(row0, SLICE)])
    if with_counts:
        pltpu.sync_copy(cacc.at[pl.ds(row0, SLICE)], cbuf)
        pltpu.sync_copy(cbuf, c_hbm.at[c_idx].at[pl.ds(row0, SLICE)])


def _sc_compiler_params():
    return pltpu.CompilerParams(use_tc_tiling_on_sc=False)


def _sc_aggregate(xsplit, packed, with_counts):
    mesh = plsc.VectorSubcoreMesh(core_axis_name="core", subcore_axis_name="subcore")
    k = functools.partial(
        pl.kernel,
        out_type=(jax.ShapeDtypeStruct((NC, N_PAD, DH), jnp.float32),
                  jax.ShapeDtypeStruct((NC, N_PAD), jnp.float32)),
        mesh=mesh,
        scratch_types=(
            [pltpu.VMEM((NCHUNK, CHUNK), jnp.int32)]
            + [pltpu.VMEM((2, CHUNK), jnp.int32)] * 2
            + [pltpu.VMEM((CHUNK, DH), jnp.float32)] * 2
            + [
                pltpu.VMEM((CHUNK,), jnp.float32),
                pltpu.VMEM((SLICE, DH), jnp.float32),
                pltpu.VMEM((SLICE,), jnp.float32),
                pltpu.VMEM_SHARED((N_PAD, DH), jnp.float32),
                pltpu.VMEM_SHARED((N_PAD,), jnp.float32),
            ]
            + [pltpu.SemaphoreType.DMA] * 2
        ),
        compiler_params=_sc_compiler_params(),
    )(functools.partial(_sc_agg_body, with_counts=with_counts))
    return k(xsplit, packed)


def _tc_body(p_ref, c_ref, x_ref, wl_ref, bl_ref, wr_ref, out_ref, *, sigmoid):
    cnt = jnp.clip(c_ref[0], 1.0, None)
    agg = jnp.concatenate([p_ref[0], p_ref[1]], axis=1)
    xin = jnp.concatenate([x_ref[0], x_ref[1]], axis=1)
    mean = agg / cnt
    r = (jnp.dot(mean, wl_ref[...], preferred_element_type=jnp.float32)
         + bl_ref[...]
         + jnp.dot(xin, wr_ref[...], preferred_element_type=jnp.float32))
    if sigmoid:
        out_ref[...] = jax.nn.sigmoid(r)
    else:
        out_ref[0] = r[:, :DH]
        out_ref[1] = r[:, DH:]


_TC_B = 2000


def _tc_layer(p, cnts, xin, wlT, bl2d, wrT, sigmoid):
    B = _TC_B
    out_shape = (jax.ShapeDtypeStruct((N, D), jnp.float32) if sigmoid else
                 jax.ShapeDtypeStruct((NC, N, DH), jnp.float32))
    out_spec = (pl.BlockSpec((B, D), lambda i: (i, 0)) if sigmoid else
                pl.BlockSpec((NC, B, DH), lambda i: (0, i, 0)))
    return pl.pallas_call(
        functools.partial(_tc_body, sigmoid=sigmoid),
        grid=(N // B,),
        in_specs=[
            pl.BlockSpec((NC, B, DH), lambda i: (0, i, 0)),
            pl.BlockSpec((NC, B, 1), lambda i: (0, i, 0)),
            pl.BlockSpec((NC, B, DH), lambda i: (0, i, 0)),
            pl.BlockSpec((D, D), lambda i: (0, 0)),
            pl.BlockSpec((1, D), lambda i: (0, 0)),
            pl.BlockSpec((D, D), lambda i: (0, 0)),
        ],
        out_specs=out_spec,
        out_shape=out_shape,
    )(p, cnts, xin, wlT, bl2d, wrT)


def kernel(x, edge_index, h, Wl1, bl1, Wr1, Wl2, bl2, Wr2):
    del h
    src = edge_index[0].astype(jnp.int32)
    dst = edge_index[1].astype(jnp.int32)
    pad = E_PAD - E
    packed = (dst << 14) | src
    packed = jnp.concatenate([packed, jnp.full((pad,), N << 14, jnp.int32)])
    packed = packed.reshape(NS, NCHUNK, CHUNK)

    xsplit = x.reshape(N, NC, DH).transpose(1, 0, 2)

    packed, xsplit = lax.optimization_barrier((packed, xsplit))

    p1, c1 = _sc_aggregate(xsplit, packed, with_counts=True)
    cnts = c1[:, :, None]
    out1 = _tc_layer(p1, cnts, xsplit, Wl1.T, bl1[None, :], Wr1.T, sigmoid=False)
    p2, _ = _sc_aggregate(out1, packed, with_counts=False)
    out2 = _tc_layer(p2, cnts, out1, Wl2.T, bl2[None, :], Wr2.T, sigmoid=True)
    return out2

# --- scband reference (transcript-rebuilt; emitter-appended) ---
"""Pipeline reference for scband-gate-34256659152986 (READ-ONLY COPY).

The authoritative reference and input builder live on the scoring server;
editing this copy changes nothing except your own understanding.
"""

import jax, jax.numpy as jnp
import numpy as np

N_NODES = 10000
N_EDGES = 320000
D = 128


def setup_inputs(seed: int = 0) -> dict:
    key = jax.random.key(seed)
    ks = jax.random.split(key, 10)
    x = jax.random.normal(ks[0], (N_NODES, D), dtype=jnp.float32)
    edge_index = jax.random.randint(ks[1], (2, N_EDGES), 0, N_NODES, dtype=jnp.int64)
    h = jax.random.normal(ks[2], (N_NODES, D), dtype=jnp.float32)
    # SAGEConv layer 1 params: lin_l (with bias), lin_r (no bias)
    Wl1 = jax.random.normal(ks[3], (D, D), dtype=jnp.float32) * 0.05
    bl1 = jnp.zeros((D,), dtype=jnp.float32)
    Wr1 = jax.random.normal(ks[4], (D, D), dtype=jnp.float32) * 0.05
    # SAGEConv layer 2 params
    Wl2 = jax.random.normal(ks[5], (D, D), dtype=jnp.float32) * 0.05
    bl2 = jnp.zeros((D,), dtype=jnp.float32)
    Wr2 = jax.random.normal(ks[6], (D, D), dtype=jnp.float32) * 0.05
    return {"x": x, "edge_index": edge_index, "h": h,
            "Wl1": Wl1, "bl1": bl1, "Wr1": Wr1,
            "Wl2": Wl2, "bl2": bl2, "Wr2": Wr2}


def _sage_conv(x, src, dst, Wl, bl, Wr):
    # PyG SAGEConv with mean aggregation:
    # out = lin_l(mean_{j in N(i)} x_j) + lin_r(x_i)
    msg = jnp.take(x, src, axis=0)                                   # gather [E, D]
    agg = jax.ops.segment_sum(msg, dst, num_segments=N_NODES)        # scatter-add [N, D]
    cnt = jax.ops.segment_sum(jnp.ones((msg.shape[0],), dtype=x.dtype), dst,
                              num_segments=N_NODES)
    mean = agg / jnp.clip(cnt, 1.0, None)[:, None]
    return mean @ Wl.T + bl + x @ Wr.T


def reference(x, edge_index, h, Wl1, bl1, Wr1, Wl2, bl2, Wr2):
    src = edge_index[0]
    dst = edge_index[1]
    out = _sage_conv(x, src, dst, Wl1, bl1, Wr1)
    out = _sage_conv(out, src, dst, Wl2, bl2, Wr2)
    out = jax.nn.sigmoid(out)
    return out

if __name__ == "__main__":
    import jax
    _d = setup_inputs()
    print(jax.jit(kernel)(*tuple(_d.values())))

</pallas_src>

<mosaic_0001>
#map = affine_map<(d0, d1) -> (0, 0, 0)>
#map1 = affine_map<(d0, d1) -> (0, 0)>
module attributes {stable_mosaic.version = 14 : i64} {
  func.func @_sc_agg_body(%arg0: i32, %arg1: i32, %arg2: memref<2x10000x64xf32, #tpu.memory_space<hbm>>, %arg3: memref<16x158x128xi32, #tpu.memory_space<hbm>>, %arg4: memref<2x10112x64xf32, #tpu.memory_space<hbm>>, %arg5: memref<2x10112xf32, #tpu.memory_space<hbm>>, %arg6: memref<158x128xi32, #tpu.memory_space<vmem>>, %arg7: memref<2x128xi32, #tpu.memory_space<vmem>>, %arg8: memref<2x128xi32, #tpu.memory_space<vmem>>, %arg9: memref<128x64xf32, #tpu.memory_space<vmem>>, %arg10: memref<128x64xf32, #tpu.memory_space<vmem>>, %arg11: memref<128xf32, #tpu.memory_space<vmem>>, %arg12: memref<632x64xf32, #tpu.memory_space<vmem>>, %arg13: memref<632xf32, #tpu.memory_space<vmem>>, %arg14: memref<10112x64xf32, #tpu.memory_space<vmem_shared>>, %arg15: memref<10112xf32, #tpu.memory_space<vmem_shared>>, %arg16: memref<!tpu.dma_semaphore, #tpu.memory_space<semaphore_mem>>, %arg17: memref<!tpu.dma_semaphore, #tpu.memory_space<semaphore_mem>>) attributes {dimension_semantics = [#tpu.dimension_semantics<core_parallel>, #tpu.dimension_semantics<subcore_parallel>], iteration_bounds = array<i64: 2, 16>, scalar_prefetch = 0 : i64, scratch_operands = 12 : i64, tpu.core_type = #tpu.core_type<sc_vector_subcore>, window_params = [{transform_indices = #map}, {transform_indices = #map}, {transform_indices = #map}, {transform_indices = #map1}]} {
    %mul3A = arith.constant 632 : i32
    %mul3A_0 = arith.muli %arg1, %mul3A : i32
    %broadcast_in_dim3A = arith.constant 0.000000e+00 : f32
    %broadcast_in_dim3A_1 = vector.broadcast %broadcast_in_dim3A : f32 to vector<16xf32>
    %broadcast_in_dim3A_2 = arith.constant 1.000000e+00 : f32
    %broadcast_in_dim3A_3 = vector.broadcast %broadcast_in_dim3A_2 : f32 to vector<16xf32>
    %scan3A = arith.constant 0 : i32
    %scan3A_4 = arith.constant 632 : i32
    %scan3A_5 = arith.addi %scan3A, %scan3A_4 : i32
    %scan3A_6 = arith.constant 1 : i32
    scf.for %scan3A_421 = %scan3A to %scan3A_5 step %scan3A_6  : i32 {
      %mul3A_422 = arith.constant 1 : i32
      %mul3A_423 = arith.muli %scan3A_421, %mul3A_422 : i32
      %add3A = arith.constant 0 : i32
      %add3A_424 = arith.addi %add3A, %mul3A_423 : i32
      %swap3A_425 = arith.index_cast %add3A_424 : i32 to index
      %swap3A_426 = arith.constant 0 : index
      %swap3A_427 = tpu.vector_load %arg12[%swap3A_425, %swap3A_426] {strides = array<i32>} : memref<632x64xf32, #tpu.memory_space<vmem>>, vector<1x16xf32>,
      %swap3A_428 = vector.shape_cast %swap3A_427 : vector<1x16xf32> to vector<16xf32>
      %swap3A_429 = vector.shape_cast %broadcast_in_dim3A_1 : vector<16xf32> to vector<1x16xf32>
      tpu.vector_store %arg12[%swap3A_425, %swap3A_426], %swap3A_429 {strides = array<i32>} : memref<632x64xf32, #tpu.memory_space<vmem>>, vector<1x16xf32>,
      %swap3A_430 = arith.index_cast %add3A_424 : i32 to index
      %swap3A_431 = arith.constant 16 : index
      %swap3A_432 = tpu.vector_load %arg12[%swap3A_430, %swap3A_431] {strides = array<i32>} : memref<632x64xf32, #tpu.memory_space<vmem>>, vector<1x16xf32>,
      %swap3A_433 = vector.shape_cast %swap3A_432 : vector<1x16xf32> to vector<16xf32>
      %swap3A_434 = vector.shape_cast %broadcast_in_dim3A_1 : vector<16xf32> to vector<1x16xf32>
      tpu.vector_store %arg12[%swap3A_430, %swap3A_431], %swap3A_434 {strides = array<i32>} : memref<632x64xf32, #tpu.memory_space<vmem>>, vector<1x16xf32>,
      %swap3A_435 = arith.index_cast %add3A_424 : i32 to index
      %swap3A_436 = arith.constant 32 : index
      %swap3A_437 = tpu.vector_load %arg12[%swap3A_435, %swap3A_436] {strides = array<i32>} : memref<632x64xf32, #tpu.memory_space<vmem>>, vector<1x16xf32>,
      %swap3A_438 = vector.shape_cast %swap3A_437 : vector<1x16xf32> to vector<16xf32>
      %swap3A_439 = vector.shape_cast %broadcast_in_dim3A_1 : vector<16xf32> to vector<1x16xf32>
      tpu.vector_store %arg12[%swap3A_435, %swap3A_436], %swap3A_439 {strides = array<i32>} : memref<632x64xf32, #tpu.memory_space<vmem>>, vector<1x16xf32>,
      %swap3A_440 = arith.index_cast %add3A_424 : i32 to index
      %swap3A_441 = arith.constant 48 : index
      %swap3A_442 = tpu.vector_load %arg12[%swap3A_440, %swap3A_441] {strides = array<i32>} : memref<632x64xf32, #tpu.memory_space<vmem>>, vector<1x16xf32>,
      %swap3A_443 = vector.shape_cast %swap3A_442 : vector<1x16xf32> to vector<16xf32>
      %swap3A_444 = vector.shape_cast %broadcast_in_dim3A_1 : vector<16xf32> to vector<1x16xf32>
      tpu.vector_store %arg12[%swap3A_440, %swap3A_441], %swap3A_444 {strides = array<i32>} : memref<632x64xf32, #tpu.memory_space<vmem>>, vector<1x16xf32>,
    }
    %scan3A_7 = arith.constant 632 : i32
    "tpu.region"() ({
      %run_scoped3A_421 = tpu.sem_alloc : memref<!tpu.dma_semaphore, #tpu.memory_space<semaphore_mem>>
      %dma_start3A_422 = arith.constant 0 : i32
      %dma_start3A_423 = tpu.memref_slice %arg14[%mul3A_0, %dma_start3A_422] : memref<10112x64xf32, #tpu.memory_space<vmem_shared>> -> memref<632x64xf32, #tpu.memory_space<vmem_shared>>
      %dma_start3A_424 = arith.constant 0 : i32
      %dma_start3A_425 = tpu.memref_slice %arg14[%mul3A_0, %dma_start3A_424] : memref<10112x64xf32, #tpu.memory_space<vmem_shared>> -> memref<632x64xf32, #tpu.memory_space<vmem_shared>>
      tpu.enqueue_dma source(%arg12 : memref<632x64xf32, #tpu.memory_space<vmem>>) target(%dma_start3A_425 : memref<632x64xf32, #tpu.memory_space<vmem_shared>>) target_semaphore(%run_scoped3A_421 : memref<!tpu.dma_semaphore, #tpu.memory_space<semaphore_mem>>)
      %dma_wait3A_426 = arith.constant 0 : i32
      %dma_wait3A_427 = tpu.memref_slice %arg14[%mul3A_0, %dma_wait3A_426] : memref<10112x64xf32, #tpu.memory_space<vmem_shared>> -> memref<632x64xf32, #tpu.memory_space<vmem_shared>>
      %dma_wait3A_428 = arith.constant 0 : i32
      %dma_wait3A_429 = tpu.memref_slice %arg14[%mul3A_0, %dma_wait3A_428] : memref<10112x64xf32, #tpu.memory_space<vmem_shared>> -> memref<632x64xf32, #tpu.memory_space<vmem_shared>>
      tpu.wait_dma2 semaphore(%run_scoped3A_421 : memref<!tpu.dma_semaphore, #tpu.memory_space<semaphore_mem>>) src(%arg12 : memref<632x64xf32, #tpu.memory_space<vmem>>) dst(%dma_wait3A_429 : memref<632x64xf32, #tpu.memory_space<vmem_shared>>)
      tpu.yield
    }) : () -> ()
    "tpu.region"() ({
      %run_scoped3A_421 = tpu.sem_alloc : memref<!tpu.dma_semaphore, #tpu.memory_space<semaphore_mem>>
      %dma_start3A_422 = arith.constant 0 : i32
      %dma_start3A_423 = arith.constant 0 : i32
      %dma_start3A_424 = tpu.memref_slice %arg3[%arg1, %dma_start3A_422, %dma_start3A_423] : memref<16x158x128xi32, #tpu.memory_space<hbm>> -> memref<1x158x128xi32, #tpu.memory_space<hbm>>
      %dma_start3A_425 = tpu.memref_squeeze %dma_start3A_424 : memref<1x158x128xi32, #tpu.memory_space<hbm>> -> memref<158x128xi32, #tpu.memory_space<hbm>>
      %dma_start3A_426 = arith.constant 0 : i32
      %dma_start3A_427 = arith.constant 0 : i32
      %dma_start3A_428 = tpu.memref_slice %arg3[%arg1, %dma_start3A_426, %dma_start3A_427] : memref<16x158x128xi32, #tpu.memory_space<hbm>> -> memref<1x158x128xi32, #tpu.memory_space<hbm>>
      %dma_start3A_429 = tpu.memref_squeeze %dma_start3A_428 : memref<1x158x128xi32, #tpu.memory_space<hbm>> -> memref<158x128xi32, #tpu.memory_space<hbm>>
      tpu.enqueue_dma source(%dma_start3A_429 : memref<158x128xi32, #tpu.memory_space<hbm>>) target(%arg6 : memref<158x128xi32, #tpu.memory_space<vmem>>) target_semaphore(%run_scoped3A_421 : memref<!tpu.dma_semaphore, #tpu.memory_space<semaphore_mem>>)
      %dma_wait3A_430 = arith.constant 0 : i32
      %dma_wait3A_431 = arith.constant 0 : i32
      %dma_wait3A_432 = tpu.memref_slice %arg3[%arg1, %dma_wait3A_430, %dma_wait3A_431] : memref<16x158x128xi32, #tpu.memory_space<hbm>> -> memref<1x158x128xi32, #tpu.memory_space<hbm>>
      %dma_wait3A_433 = tpu.memref_squeeze %dma_wait3A_432 : memref<1x158x128xi32, #tpu.memory_space<hbm>> -> memref<158x128xi32, #tpu.memory_space<hbm>>
      %dma_wait3A_434 = arith.constant 0 : i32
      %dma_wait3A_435 = arith.constant 0 : i32
      %dma_wait3A_436 = tpu.memref_slice %arg3[%arg1, %dma_wait3A_434, %dma_wait3A_435] : memref<16x158x128xi32, #tpu.memory_space<hbm>> -> memref<1x158x128xi32, #tpu.memory_space<hbm>>
      %dma_wait3A_437 = tpu.memref_squeeze %dma_wait3A_436 : memref<1x158x128xi32, #tpu.memory_space<hbm>> -> memref<158x128xi32, #tpu.memory_space<hbm>>
      tpu.wait_dma2 semaphore(%run_scoped3A_421 : memref<!tpu.dma_semaphore, #tpu.memory_space<semaphore_mem>>) src(%dma_wait3A_437 : memref<158x128xi32, #tpu.memory_space<hbm>>) dst(%arg6 : memref<158x128xi32, #tpu.memory_space<vmem>>)
      tpu.yield
    }) : () -> ()
    %barrier3A = arith.constant 0 : index
    tpu.barrier barrier_id(%barrier3A)
    %get3A = arith.constant 0 : i32
    %get3A_8 = arith.index_cast %get3A : i32 to index
    %get3A_9 = arith.constant 0 : index
    %get3A_10 = tpu.vector_load %arg6[%get3A_8, %get3A_9] {strides = array<i32>} : memref<158x128xi32, #tpu.memory_space<vmem>>, vector<1x16xi32>,
    %get3A_11 = vector.shape_cast %get3A_10 : vector<1x16xi32> to vector<16xi32>
    %and3A = arith.constant 16383 : i32
    %and3A_12 = vector.broadcast %and3A : i32 to vector<16xi32>
    %and3A_13 = arith.andi %get3A_11, %and3A_12 : vector<16xi32>
    %swap3A = arith.constant 0 : i32
    %swap3A_14 = arith.index_cast %swap3A : i32 to index
    %swap3A_15 = arith.constant 0 : index
    %swap3A_16 = tpu.vector_load %arg7[%swap3A_14, %swap3A_15] {strides = array<i32>} : memref<2x128xi32, #tpu.memory_space<vmem>>, vector<1x16xi32>,
    %swap3A_17 = vector.shape_cast %swap3A_16 : vector<1x16xi32> to vector<16xi32>
    %swap3A_18 = vector.shape_cast %and3A_13 : vector<16xi32> to vector<1x16xi32>
    tpu.vector_store %arg7[%swap3A_14, %swap3A_15], %swap3A_18 {strides = array<i32>} : memref<2x128xi32, #tpu.memory_space<vmem>>, vector<1x16xi32>,
    %shift_right_logical3A = arith.constant 14 : i32
    %shift_right_logical3A_19 = vector.broadcast %shift_right_logical3A : i32 to vector<16xi32>
    %shift_right_logical3A_20 = arith.shrui %get3A_11, %shift_right_logical3A_19 : vector<16xi32>
    %swap3A_21 = arith.constant 0 : i32
    %swap3A_22 = arith.index_cast %swap3A_21 : i32 to index
    %swap3A_23 = arith.constant 0 : index
    %swap3A_24 = tpu.vector_load %arg8[%swap3A_22, %swap3A_23] {strides = array<i32>} : memref<2x128xi32, #tpu.memory_space<vmem>>, vector<1x16xi32>,
    %swap3A_25 = vector.shape_cast %swap3A_24 : vector<1x16xi32> to vector<16xi32>
    %swap3A_26 = vector.shape_cast %shift_right_logical3A_20 : vector<16xi32> to vector<1x16xi32>
    tpu.vector_store %arg8[%swap3A_22, %swap3A_23], %swap3A_26 {strides = array<i32>} : memref<2x128xi32, #tpu.memory_space<vmem>>, vector<1x16xi32>,
    %get3A_27 = arith.constant 0 : i32
    %get3A_28 = arith.index_cast %get3A_27 : i32 to index
    %get3A_29 = arith.constant 16 : index
    %get3A_30 = tpu.vector_load %arg6[%get3A_28, %get3A_29] {strides = array<i32>} : memref<158x128xi32, #tpu.memory_space<vmem>>, vector<1x16xi32>,
    %get3A_31 = vector.shape_cast %get3A_30 : vector<1x16xi32> to vector<16xi32>
    %and3A_32 = arith.constant 16383 : i32
    %and3A_33 = vector.broadcast %and3A_32 : i32 to vector<16xi32>
    %and3A_34 = arith.andi %get3A_31, %and3A_33 : vector<16xi32>
    %swap3A_35 = arith.constant 0 : i32
    %swap3A_36 = arith.index_cast %swap3A_35 : i32 to index
    %swap3A_37 = arith.constant 16 : index
    %swap3A_38 = tpu.vector_load %arg7[%swap3A_36, %swap3A_37] {strides = array<i32>} : memref<2x128xi32, #tpu.memory_space<vmem>>, vector<1x16xi32>,
    %swap3A_39 = vector.shape_cast %swap3A_38 : vector<1x16xi32> to vector<16xi32>
    %swap3A_40 = vector.shape_cast %and3A_34 : vector<16xi32> to vector<1x16xi32>
    tpu.vector_store %arg7[%swap3A_36, %swap3A_37], %swap3A_40 {strides = array<i32>} : memref<2x128xi32, #tpu.memory_space<vmem>>, vector<1x16xi32>,
    %shift_right_logical3A_41 = arith.constant 14 : i32
    %shift_right_logical3A_42 = vector.broadcast %shift_right_logical3A_41 : i32 to vector<16xi32>
    %shift_right_logical3A_43 = arith.shrui %get3A_31, %shift_right_logical3A_42 : vector<16xi32>
    %swap3A_44 = arith.constant 0 : i32
    %swap3A_45 = arith.index_cast %swap3A_44 : i32 to index
    %swap3A_46 = arith.constant 16 : index
    %swap3A_47 = tpu.vector_load %arg8[%swap3A_45, %swap3A_46] {strides = array<i32>} : memref<2x128xi32, #tpu.memory_space<vmem>>, vector<1x16xi32>,
    %swap3A_48 = vector.shape_cast %swap3A_47 : vector<1x16xi32> to vector<16xi32>
    %swap3A_49 = vector.shape_cast %shift_right_logical3A_43 : vector<16xi32> to vector<1x16xi32>
    tpu.vector_store %arg8[%swap3A_45, %swap3A_46], %swap3A_49 {strides = array<i32>} : memref<2x128xi32, #tpu.memory_space<vmem>>, vector<1x16xi32>,
    %get3A_50 = arith.constant 0 : i32
    %get3A_51 = arith.index_cast %get3A_50 : i32 to index
    %get3A_52 = arith.constant 32 : index
    %get3A_53 = tpu.vector_load %arg6[%get3A_51, %get3A_52] {strides = array<i32>} : memref<158x128xi32, #tpu.memory_space<vmem>>, vector<1x16xi32>,
    %get3A_54 = vector.shape_cast %get3A_53 : vector<1x16xi32> to vector<16xi32>
    %and3A_55 = arith.constant 16383 : i32
    %and3A_56 = vector.broadcast %and3A_55 : i32 to vector<16xi32>
    %and3A_57 = arith.andi %get3A_54, %and3A_56 : vector<16xi32>
    %swap3A_58 = arith.constant 0 : i32
    %swap3A_59 = arith.index_cast %swap3A_58 : i32 to index
    %swap3A_60 = arith.constant 32 : index
    %swap3A_61 = tpu.vector_load %arg7[%swap3A_59, %swap3A_60] {strides = array<i32>} : memref<2x128xi32, #tpu.memory_space<vmem>>, vector<1x16xi32>,
    %swap3A_62 = vector.shape_cast %swap3A_61 : vector<1x16xi32> to vector<16xi32>
    %swap3A_63 = vector.shape_cast %and3A_57 : vector<16xi32> to vector<1x16xi32>
    tpu.vector_store %arg7[%swap3A_59, %swap3A_60], %swap3A_63 {strides = array<i32>} : memref<2x128xi32, #tpu.memory_space<vmem>>, vector<1x16xi32>,
    %shift_right_logical3A_64 = arith.constant 14 : i32
    %shift_right_logical3A_65 = vector.broadcast %shift_right_logical3A_64 : i32 to vector<16xi32>
    %shift_right_logical3A_66 = arith.shrui %get3A_54, %shift_right_logical3A_65 : vector<16xi32>
    %swap3A_67 = arith.constant 0 : i32
    %swap3A_68 = arith.index_cast %swap3A_67 : i32 to index
    %swap3A_69 = arith.constant 32 : index
    %swap3A_70 = tpu.vector_load %arg8[%swap3A_68, %swap3A_69] {strides = array<i32>} : memref<2x128xi32, #tpu.memory_space<vmem>>, vector<1x16xi32>,
    %swap3A_71 = vector.shape_cast %swap3A_70 : vector<1x16xi32> to vector<16xi32>
    %swap3A_72 = vector.shape_cast %shift_right_logical3A_66 : vector<16xi32> to vector<1x16xi32>
    tpu.vector_store %arg8[%swap3A_68, %swap3A_69], %swap3A_72 {strides = array<i32>} : memref<2x128xi32, #tpu.memory_space<vmem>>, vector<1x16xi32>,
    %get3A_73 = arith.constant 0 : i32
    %get3A_74 = arith.index_cast %get3A_73 : i32 to index
    %get3A_75 = arith.constant 48 : index
    %get3A_76 = tpu.vector_load %arg6[%get3A_74, %get3A_75] {strides = array<i32>} : memref<158x128xi32, #tpu.memory_space<vmem>>, vector<1x16xi32>,
    %get3A_77 = vector.shape_cast %get3A_76 : vector<1x16xi32> to vector<16xi32>
    %and3A_78 = arith.constant 16383 : i32
    %and3A_79 = vector.broadcast %and3A_78 : i32 to vector<16xi32>
    %and3A_80 = arith.andi %get3A_77, %and3A_79 : vector<16xi32>
    %swap3A_81 = arith.constant 0 : i32
    %swap3A_82 = arith.index_cast %swap3A_81 : i32 to index
    %swap3A_83 = arith.constant 48 : index
    %swap3A_84 = tpu.vector_load %arg7[%swap3A_82, %swap3A_83] {strides = array<i32>} : memref<2x128xi32, #tpu.memory_space<vmem>>, vector<1x16xi32>,
    %swap3A_85 = vector.shape_cast %swap3A_84 : vector<1x16xi32> to vector<16xi32>
    %swap3A_86 = vector.shape_cast %and3A_80 : vector<16xi32> to vector<1x16xi32>
    tpu.vector_store %arg7[%swap3A_82, %swap3A_83], %swap3A_86 {strides = array<i32>} : memref<2x128xi32, #tpu.memory_space<vmem>>, vector<1x16xi32>,
    %shift_right_logical3A_87 = arith.constant 14 : i32
    %shift_right_logical3A_88 = vector.broadcast %shift_right_logical3A_87 : i32 to vector<16xi32>
    %shift_right_logical3A_89 = arith.shrui %get3A_77, %shift_right_logical3A_88 : vector<16xi32>
    %swap3A_90 = arith.constant 0 : i32
    %swap3A_91 = arith.index_cast %swap3A_90 : i32 to index
    %swap3A_92 = arith.constant 48 : index
    %swap3A_93 = tpu.vector_load %arg8[%swap3A_91, %swap3A_92] {strides = array<i32>} : memref<2x128xi32, #tpu.memory_space<vmem>>, vector<1x16xi32>,
    %swap3A_94 = vector.shape_cast %swap3A_93 : vector<1x16xi32> to vector<16xi32>
    %swap3A_95 = vector.shape_cast %shift_right_logical3A_89 : vector<16xi32> to vector<1x16xi32>
    tpu.vector_store %arg8[%swap3A_91, %swap3A_92], %swap3A_95 {strides = array<i32>} : memref<2x128xi32, #tpu.memory_space<vmem>>, vector<1x16xi32>,
    %get3A_96 = arith.constant 0 : i32
    %get3A_97 = arith.index_cast %get3A_96 : i32 to index
    %get3A_98 = arith.constant 64 : index
    %get3A_99 = tpu.vector_load %arg6[%get3A_97, %get3A_98] {strides = array<i32>} : memref<158x128xi32, #tpu.memory_space<vmem>>, vector<1x16xi32>,
    %get3A_100 = vector.shape_cast %get3A_99 : vector<1x16xi32> to vector<16xi32>
    %and3A_101 = arith.constant 16383 : i32
    %and3A_102 = vector.broadcast %and3A_101 : i32 to vector<16xi32>
    %and3A_103 = arith.andi %get3A_100, %and3A_102 : vector<16xi32>
    %swap3A_104 = arith.constant 0 : i32
    %swap3A_105 = arith.index_cast %swap3A_104 : i32 to index
    %swap3A_106 = arith.constant 64 : index
    %swap3A_107 = tpu.vector_load %arg7[%swap3A_105, %swap3A_106] {strides = array<i32>} : memref<2x128xi32, #tpu.memory_space<vmem>>, vector<1x16xi32>,
    %swap3A_108 = vector.shape_cast %swap3A_107 : vector<1x16xi32> to vector<16xi32>
    %swap3A_109 = vector.shape_cast %and3A_103 : vector<16xi32> to vector<1x16xi32>
    tpu.vector_store %arg7[%swap3A_105, %swap3A_106], %swap3A_109 {strides = array<i32>} : memref<2x128xi32, #tpu.memory_space<vmem>>, vector<1x16xi32>,
    %shift_right_logical3A_110 = arith.constant 14 : i32
    %shift_right_logical3A_111 = vector.broadcast %shift_right_logical3A_110 : i32 to vector<16xi32>
    %shift_right_logical3A_112 = arith.shrui %get3A_100, %shift_right_logical3A_111 : vector<16xi32>
    %swap3A_113 = arith.constant 0 : i32
    %swap3A_114 = arith.index_cast %swap3A_113 : i32 to index
    %swap3A_115 = arith.constant 64 : index
    %swap3A_116 = tpu.vector_load %arg8[%swap3A_114, %swap3A_115] {strides = array<i32>} : memref<2x128xi32, #tpu.memory_space<vmem>>, vector<1x16xi32>,
    %swap3A_117 = vector.shape_cast %swap3A_116 : vector<1x16xi32> to vector<16xi32>
    %swap3A_118 = vector.shape_cast %shift_right_logical3A_112 : vector<16xi32> to vector<1x16xi32>
    tpu.vector_store %arg8[%swap3A_114, %swap3A_115], %swap3A_118 {strides = array<i32>} : memref<2x128xi32, #tpu.memory_space<vmem>>, vector<1x16xi32>,
    %get3A_119 = arith.constant 0 : i32
    %get3A_120 = arith.index_cast %get3A_119 : i32 to index
    %get3A_121 = arith.constant 80 : index
    %get3A_122 = tpu.vector_load %arg6[%get3A_120, %get3A_121] {strides = array<i32>} : memref<158x128xi32, #tpu.memory_space<vmem>>, vector<1x16xi32>,
    %get3A_123 = vector.shape_cast %get3A_122 : vector<1x16xi32> to vector<16xi32>
    %and3A_124 = arith.constant 16383 : i32
    %and3A_125 = vector.broadcast %and3A_124 : i32 to vector<16xi32>
    %and3A_126 = arith.andi %get3A_123, %and3A_125 : vector<16xi32>
    %swap3A_127 = arith.constant 0 : i32
    %swap3A_128 = arith.index_cast %swap3A_127 : i32 to index
    %swap3A_129 = arith.constant 80 : index
    %swap3A_130 = tpu.vector_load %arg7[%swap3A_128, %swap3A_129] {strides = array<i32>} : memref<2x128xi32, #tpu.memory_space<vmem>>, vector<1x16xi32>,
    %swap3A_131 = vector.shape_cast %swap3A_130 : vector<1x16xi32> to vector<16xi32>
    %swap3A_132 = vector.shape_cast %and3A_126 : vector<16xi32> to vector<1x16xi32>
    tpu.vector_store %arg7[%swap3A_128, %swap3A_129], %swap3A_132 {strides = array<i32>} : memref<2x128xi32, #tpu.memory_space<vmem>>, vector<1x16xi32>,
    %shift_right_logical3A_133 = arith.constant 14 : i32
    %shift_right_logical3A_134 = vector.broadcast %shift_right_logical3A_133 : i32 to vector<16xi32>
    %shift_right_logical3A_135 = arith.shrui %get3A_123, %shift_right_logical3A_134 : vector<16xi32>
    %swap3A_136 = arith.constant 0 : i32
    %swap3A_137 = arith.index_cast %swap3A_136 : i32 to index
    %swap3A_138 = arith.constant 80 : index
    %swap3A_139 = tpu.vector_load %arg8[%swap3A_137, %swap3A_138] {strides = array<i32>} : memref<2x128xi32, #tpu.memory_space<vmem>>, vector<1x16xi32>,
    %swap3A_140 = vector.shape_cast %swap3A_139 : vector<1x16xi32> to vector<16xi32>
    %swap3A_141 = vector.shape_cast %shift_right_logical3A_135 : vector<16xi32> to vector<1x16xi32>
    tpu.vector_store %arg8[%swap3A_137, %swap3A_138], %swap3A_141 {strides = array<i32>} : memref<2x128xi32, #tpu.memory_space<vmem>>, vector<1x16xi32>,
    %get3A_142 = arith.constant 0 : i32
    %get3A_143 = arith.index_cast %get3A_142 : i32 to index
    %get3A_144 = arith.constant 96 : index
    %get3A_145 = tpu.vector_load %arg6[%get3A_143, %get3A_144] {strides = array<i32>} : memref<158x128xi32, #tpu.memory_space<vmem>>, vector<1x16xi32>,
    %get3A_146 = vector.shape_cast %get3A_145 : vector<1x16xi32> to vector<16xi32>
    %and3A_147 = arith.constant 16383 : i32
    %and3A_148 = vector.broadcast %and3A_147 : i32 to vector<16xi32>
    %and3A_149 = arith.andi %get3A_146, %and3A_148 : vector<16xi32>
    %swap3A_150 = arith.constant 0 : i32
    %swap3A_151 = arith.index_cast %swap3A_150 : i32 to index
    %swap3A_152 = arith.constant 96 : index
    %swap3A_153 = tpu.vector_load %arg7[%swap3A_151, %swap3A_152] {strides = array<i32>} : memref<2x128xi32, #tpu.memory_space<vmem>>, vector<1x16xi32>,
    %swap3A_154 = vector.shape_cast %swap3A_153 : vector<1x16xi32> to vector<16xi32>
    %swap3A_155 = vector.shape_cast %and3A_149 : vector<16xi32> to vector<1x16xi32>
    tpu.vector_store %arg7[%swap3A_151, %swap3A_152], %swap3A_155 {strides = array<i32>} : memref<2x128xi32, #tpu.memory_space<vmem>>, vector<1x16xi32>,
    %shift_right_logical3A_156 = arith.constant 14 : i32
    %shift_right_logical3A_157 = vector.broadcast %shift_right_logical3A_156 : i32 to vector<16xi32>
    %shift_right_logical3A_158 = arith.shrui %get3A_146, %shift_right_logical3A_157 : vector<16xi32>
    %swap3A_159 = arith.constant 0 : i32
    %swap3A_160 = arith.index_cast %swap3A_159 : i32 to index
    %swap3A_161 = arith.constant 96 : index
    %swap3A_162 = tpu.vector_load %arg8[%swap3A_160, %swap3A_161] {strides = array<i32>} : memref<2x128xi32, #tpu.memory_space<vmem>>, vector<1x16xi32>,
    %swap3A_163 = vector.shape_cast %swap3A_162 : vector<1x16xi32> to vector<16xi32>
    %swap3A_164 = vector.shape_cast %shift_right_logical3A_158 : vector<16xi32> to vector<1x16xi32>
    tpu.vector_store %arg8[%swap3A_160, %swap3A_161], %swap3A_164 {strides = array<i32>} : memref<2x128xi32, #tpu.memory_space<vmem>>, vector<1x16xi32>,
    %get3A_165 = arith.constant 0 : i32
    %get3A_166 = arith.index_cast %get3A_165 : i32 to index
    %get3A_167 = arith.constant 112 : index
    %get3A_168 = tpu.vector_load %arg6[%get3A_166, %get3A_167] {strides = array<i32>} : memref<158x128xi32, #tpu.memory_space<vmem>>, vector<1x16xi32>,
    %get3A_169 = vector.shape_cast %get3A_168 : vector<1x16xi32> to vector<16xi32>
    %and3A_170 = arith.constant 16383 : i32
    %and3A_171 = vector.broadcast %and3A_170 : i32 to vector<16xi32>
    %and3A_172 = arith.andi %get3A_169, %and3A_171 : vector<16xi32>
    %swap3A_173 = arith.constant 0 : i32
    %swap3A_174 = arith.index_cast %swap3A_173 : i32 to index
    %swap3A_175 = arith.constant 112 : index
    %swap3A_176 = tpu.vector_load %arg7[%swap3A_174, %swap3A_175] {strides = array<i32>} : memref<2x128xi32, #tpu.memory_space<vmem>>, vector<1x16xi32>,
    %swap3A_177 = vector.shape_cast %swap3A_176 : vector<1x16xi32> to vector<16xi32>
    %swap3A_178 = vector.shape_cast %and3A_172 : vector<16xi32> to vector<1x16xi32>
    tpu.vector_store %arg7[%swap3A_174, %swap3A_175], %swap3A_178 {strides = array<i32>} : memref<2x128xi32, #tpu.memory_space<vmem>>, vector<1x16xi32>,
    %shift_right_logical3A_179 = arith.constant 14 : i32
    %shift_right_logical3A_180 = vector.broadcast %shift_right_logical3A_179 : i32 to vector<16xi32>
    %shift_right_logical3A_181 = arith.shrui %get3A_169, %shift_right_logical3A_180 : vector<16xi32>
    %swap3A_182 = arith.constant 0 : i32
    %swap3A_183 = arith.index_cast %swap3A_182 : i32 to index
    %swap3A_184 = arith.constant 112 : index
    %swap3A_185 = tpu.vector_load %arg8[%swap3A_183, %swap3A_184] {strides = array<i32>} : memref<2x128xi32, #tpu.memory_space<vmem>>, vector<1x16xi32>,
    %swap3A_186 = vector.shape_cast %swap3A_185 : vector<1x16xi32> to vector<16xi32>
    %swap3A_187 = vector.shape_cast %shift_right_logical3A_181 : vector<16xi32> to vector<1x16xi32>
    tpu.vector_store %arg8[%swap3A_183, %swap3A_184], %swap3A_187 {strides = array<i32>} : memref<2x128xi32, #tpu.memory_space<vmem>>, vector<1x16xi32>,
    %dma_start3A = arith.constant 0 : i32
    %dma_start3A_188 = arith.constant 0 : i32
    %dma_start3A_189 = tpu.memref_slice %arg7[%dma_start3A, %dma_start3A_188] : memref<2x128xi32, #tpu.memory_space<vmem>> -> memref<1x128xi32, #tpu.memory_space<vmem>>
    %dma_start3A_190 = tpu.memref_squeeze %dma_start3A_189 : memref<1x128xi32, #tpu.memory_space<vmem>> -> memref<128xi32, #tpu.memory_space<vmem>>
    %dma_start3A_191 = arith.constant 0 : i32
    %dma_start3A_192 = arith.constant 0 : i32
    %dma_start3A_193 = tpu.memref_slice %arg2[%arg0, %dma_start3A_191, %dma_start3A_192] : memref<2x10000x64xf32, #tpu.memory_space<hbm>> -> memref<1x10000x64xf32, #tpu.memory_space<hbm>>
    %dma_start3A_194 = tpu.memref_squeeze %dma_start3A_193 : memref<1x10000x64xf32, #tpu.memory_space<hbm>> -> memref<10000x64xf32, #tpu.memory_space<hbm>>
    %dma_start3A_195 = arith.constant 0 : i32
    %dma_start3A_196 = arith.constant 0 : i32
    %dma_start3A_197 = tpu.memref_slice %dma_start3A_194[%dma_start3A_195, %dma_start3A_196] : memref<10000x64xf32, #tpu.memory_space<hbm>> -> memref<10000x64xf32, #tpu.memory_space<hbm>>
    tpu.enqueue_indirect_dma source(%dma_start3A_197 : memref<10000x64xf32, #tpu.memory_space<hbm>>) target(%arg9 : memref<128x64xf32, #tpu.memory_space<vmem>>) offsets(%dma_start3A_190 : memref<128xi32, #tpu.memory_space<vmem>>) semaphore(%arg16 : memref<!tpu.dma_semaphore, #tpu.memory_space<semaphore_mem>>)
    %scan3A_198 = arith.constant 0 : i32
    %scan3A_199 = arith.constant 78 : i32
    %scan3A_200 = arith.addi %scan3A_198, %scan3A_199 : i32
    %scan3A_201 = arith.constant 1 : i32
    scf.for %scan3A_421 = %scan3A_198 to %scan3A_200 step %scan3A_201  : i32 {
      %mul3A_422 = arith.constant 2 : i32
      %mul3A_423 = arith.muli %scan3A_421, %mul3A_422 : i32
      %add3A = arith.constant 0 : i32
      %add3A_424 = arith.addi %add3A, %mul3A_423 : i32
      %add3A_425 = arith.constant 1 : i32
      %add3A_426 = arith.addi %add3A_424, %add3A_425 : i32
      %get3A_427 = arith.index_cast %add3A_426 : i32 to index
      %get3A_428 = arith.constant 0 : index
      %get3A_429 = tpu.vector_load %arg6[%get3A_427, %get3A_428] {strides = array<i32>} : memref<158x128xi32, #tpu.memory_space<vmem>>, vector<1x16xi32>,
      %get3A_430 = vector.shape_cast %get3A_429 : vector<1x16xi32> to vector<16xi32>
      %and3A_431 = arith.constant 16383 : i32
      %and3A_432 = vector.broadcast %and3A_431 : i32 to vector<16xi32>
      %and3A_433 = arith.andi %get3A_430, %and3A_432 : vector<16xi32>
      %swap3A_434 = arith.constant 1 : i32
      %swap3A_435 = arith.index_cast %swap3A_434 : i32 to index
      %swap3A_436 = arith.constant 0 : index
      %swap3A_437 = tpu.vector_load %arg7[%swap3A_435, %swap3A_436] {strides = array<i32>} : memref<2x128xi32, #tpu.memory_space<vmem>>, vector<1x16xi32>,
      %swap3A_438 = vector.shape_cast %swap3A_437 : vector<1x16xi32> to vector<16xi32>
      %swap3A_439 = vector.shape_cast %and3A_433 : vector<16xi32> to vector<1x16xi32>
      tpu.vector_store %arg7[%swap3A_435, %swap3A_436], %swap3A_439 {strides = array<i32>} : memref<2x128xi32, #tpu.memory_space<vmem>>, vector<1x16xi32>,
      %shift_right_logical3A_440 = arith.constant 14 : i32
      %shift_right_logical3A_441 = vector.broadcast %shift_right_logical3A_440 : i32 to vector<16xi32>
      %shift_right_logical3A_442 = arith.shrui %get3A_430, %shift_right_logical3A_441 : vector<16xi32>
      %swap3A_443 = arith.constant 1 : i32
      %swap3A_444 = arith.index_cast %swap3A_443 : i32 to index
      %swap3A_445 = arith.constant 0 : index
      %swap3A_446 = tpu.vector_load %arg8[%swap3A_444, %swap3A_445] {strides = array<i32>} : memref<2x128xi32, #tpu.memory_space<vmem>>, vector<1x16xi32>,
      %swap3A_447 = vector.shape_cast %swap3A_446 : vector<1x16xi32> to vector<16xi32>
      %swap3A_448 = vector.shape_cast %shift_right_logical3A_442 : vector<16xi32> to vector<1x16xi32>
      tpu.vector_store %arg8[%swap3A_444, %swap3A_445], %swap3A_448 {strides = array<i32>} : memref<2x128xi32, #tpu.memory_space<vmem>>, vector<1x16xi32>,
      %get3A_449 = arith.index_cast %add3A_426 : i32 to index
      %get3A_450 = arith.constant 16 : index
      %get3A_451 = tpu.vector_load %arg6[%get3A_449, %get3A_450] {strides = array<i32>} : memref<158x128xi32, #tpu.memory_space<vmem>>, vector<1x16xi32>,
      %get3A_452 = vector.shape_cast %get3A_451 : vector<1x16xi32> to vector<16xi32>
      %and3A_453 = arith.constant 16383 : i32
      %and3A_454 = vector.broadcast %and3A_453 : i32 to vector<16xi32>
      %and3A_455 = arith.andi %get3A_452, %and3A_454 : vector<16xi32>
      %swap3A_456 = arith.constant 1 : i32
      %swap3A_457 = arith.index_cast %swap3A_456 : i32 to index
      %swap3A_458 = arith.constant 16 : index
      %swap3A_459 = tpu.vector_load %arg7[%swap3A_457, %swap3A_458] {strides = array<i32>} : memref<2x128xi32, #tpu.memory_space<vmem>>, vector<1x16xi32>,
      %swap3A_460 = vector.shape_cast %swap3A_459 : vector<1x16xi32> to vector<16xi32>
      %swap3A_461 = vector.shape_cast %and3A_455 : vector<16xi32> to vector<1x16xi32>
      tpu.vector_store %arg7[%swap3A_457, %swap3A_458], %swap3A_461 {strides = array<i32>} : memref<2x128xi32, #tpu.memory_space<vmem>>, vector<1x16xi32>,
      %shift_right_logical3A_462 = arith.constant 14 : i32
      %shift_right_logical3A_463 = vector.broadcast %shift_right_logical3A_462 : i32 to vector<16xi32>
      %shift_right_logical3A_464 = arith.shrui %get3A_452, %shift_right_logical3A_463 : vector<16xi32>
      %swap3A_465 = arith.constant 1 : i32
      %swap3A_466 = arith.index_cast %swap3A_465 : i32 to index
      %swap3A_467 = arith.constant 16 : index
      %swap3A_468 = tpu.vector_load %arg8[%swap3A_466, %swap3A_467] {strides = array<i32>} : memref<2x128xi32, #tpu.memory_space<vmem>>, vector<1x16xi32>,
      %swap3A_469 = vector.shape_cast %swap3A_468 : vector<1x16xi32> to vector<16xi32>
      %swap3A_470 = vector.shape_cast %shift_right_logical3A_464 : vector<16xi32> to vector<1x16xi32>
      tpu.vector_store %arg8[%swap3A_466, %swap3A_467], %swap3A_470 {strides = array<i32>} : memref<2x128xi32, #tpu.memory_space<vmem>>, vector<1x16xi32>,
      %get3A_471 = arith.index_cast %add3A_426 : i32 to index
      %get3A_472 = arith.constant 32 : index
      %get3A_473 = tpu.vector_load %arg6[%get3A_471, %get3A_472] {strides = array<i32>} : memref<158x128xi32, #tpu.memory_space<vmem>>, vector<1x16xi32>,
      %get3A_474 = vector.shape_cast %get3A_473 : vector<1x16xi32> to vector<16xi32>
      %and3A_475 = arith.constant 16383 : i32
      %and3A_476 = vector.broadcast %and3A_475 : i32 to vector<16xi32>
      %and3A_477 = arith.andi %get3A_474, %and3A_476 : vector<16xi32>
      %swap3A_478 = arith.constant 1 : i32
      %swap3A_479 = arith.index_cast %swap3A_478 : i32 to index
      %swap3A_480 = arith.constant 32 : index
      %swap3A_481 = tpu.vector_load %arg7[%swap3A_479, %swap3A_480] {strides = array<i32>} : memref<2x128xi32, #tpu.memory_space<vmem>>, vector<1x16xi32>,
      %swap3A_482 = vector.shape_cast %swap3A_481 : vector<1x16xi32> to vector<16xi32>
      %swap3A_483 = vector.shape_cast %and3A_477 : vector<16xi32> to vector<1x16xi32>
      tpu.vector_store %arg7[%swap3A_479, %swap3A_480], %swap3A_483 {strides = array<i32>} : memref<2x128xi32, #tpu.memory_space<vmem>>, vector<1x16xi32>,
      %shift_right_logical3A_484 = arith.constant 14 : i32
      %shift_right_logical3A_485 = vector.broadcast %shift_right_logical3A_484 : i32 to vector<16xi32>
      %shift_right_logical3A_486 = arith.shrui %get3A_474, %shift_right_logical3A_485 : vector<16xi32>
      %swap3A_487 = arith.constant 1 : i32
      %swap3A_488 = arith.index_cast %swap3A_487 : i32 to index
      %swap3A_489 = arith.constant 32 : index
      %swap3A_490 = tpu.vector_load %arg8[%swap3A_488, %swap3A_489] {strides = array<i32>} : memref<2x128xi32, #tpu.memory_space<vmem>>, vector<1x16xi32>,
      %swap3A_491 = vector.shape_cast %swap3A_490 : vector<1x16xi32> to vector<16xi32>
      %swap3A_492 = vector.shape_cast %shift_right_logical3A_486 : vector<16xi32> to vector<1x16xi32>
      tpu.vector_store %arg8[%swap3A_488, %swap3A_489], %swap3A_492 {strides = array<i32>} : memref<2x128xi32, #tpu.memory_space<vmem>>, vector<1x16xi32>,
      %get3A_493 = arith.index_cast %add3A_426 : i32 to index
      %get3A_494 = arith.constant 48 : index
      %get3A_495 = tpu.vector_load %arg6[%get3A_493, %get3A_494] {strides = array<i32>} : memref<158x128xi32, #tpu.memory_space<vmem>>, vector<1x16xi32>,
      %get3A_496 = vector.shape_cast %get3A_495 : vector<1x16xi32> to vector<16xi32>
      %and3A_497 = arith.constant 16383 : i32
      %and3A_498 = vector.broadcast %and3A_497 : i32 to vector<16xi32>
      %and3A_499 = arith.andi %get3A_496, %and3A_498 : vector<16xi32>
      %swap3A_500 = arith.constant 1 : i32
      %swap3A_501 = arith.index_cast %swap3A_500 : i32 to index
      %swap3A_502 = arith.constant 48 : index
      %swap3A_503 = tpu.vector_load %arg7[%swap3A_501, %swap3A_502] {strides = array<i32>} : memref<2x128xi32, #tpu.memory_space<vmem>>, vector<1x16xi32>,
      %swap3A_504 = vector.shape_cast %swap3A_503 : vector<1x16xi32> to vector<16xi32>
      %swap3A_505 = vector.shape_cast %and3A_499 : vector<16xi32> to vector<1x16xi32>
      tpu.vector_store %arg7[%swap3A_501, %swap3A_502], %swap3A_505 {strides = array<i32>} : memref<2x128xi32, #tpu.memory_space<vmem>>, vector<1x16xi32>,
      %shift_right_logical3A_506 = arith.constant 14 : i32
      %shift_right_logical3A_507 = vector.broadcast %shift_right_logical3A_506 : i32 to vector<16xi32>
      %shift_right_logical3A_508 = arith.shrui %get3A_496, %shift_right_logical3A_507 : vector<16xi32>
      %swap3A_509 = arith.constant 1 : i32
      %swap3A_510 = arith.index_cast %swap3A_509 : i32 to index
      %swap3A_511 = arith.constant 48 : index
      %swap3A_512 = tpu.vector_load %arg8[%swap3A_510, %swap3A_511] {strides = array<i32>} : memref<2x128xi32, #tpu.memory_space<vmem>>, vector<1x16xi32>,
      %swap3A_513 = vector.shape_cast %swap3A_512 : vector<1x16xi32> to vector<16xi32>
      %swap3A_514 = vector.shape_cast %shift_right_logical3A_508 : vector<16xi32> to vector<1x16xi32>
      tpu.vector_store %arg8[%swap3A_510, %swap3A_511], %swap3A_514 {strides = array<i32>} : memref<2x128xi32, #tpu.memory_space<vmem>>, vector<1x16xi32>,
      %get3A_515 = arith.index_cast %add3A_426 : i32 to index
      %get3A_516 = arith.constant 64 : index
      %get3A_517 = tpu.vector_load %arg6[%get3A_515, %get3A_516] {strides = array<i32>} : memref<158x128xi32, #tpu.memory_space<vmem>>, vector<1x16xi32>,
      %get3A_518 = vector.shape_cast %get3A_517 : vector<1x16xi32> to vector<16xi32>
      %and3A_519 = arith.constant 16383 : i32
      %and3A_520 = vector.broadcast %and3A_519 : i32 to vector<16xi32>
      %and3A_521 = arith.andi %get3A_518, %and3A_520 : vector<16xi32>
      %swap3A_522 = arith.constant 1 : i32
      %swap3A_523 = arith.index_cast %swap3A_522 : i32 to index
      %swap3A_524 = arith.constant 64 : index
      %swap3A_525 = tpu.vector_load %arg7[%swap3A_523, %swap3A_524] {strides = array<i32>} : memref<2x128xi32, #tpu.memory_space<vmem>>, vector<1x16xi32>,
      %swap3A_526 = vector.shape_cast %swap3A_525 : vector<1x16xi32> to vector<16xi32>
      %swap3A_527 = vector.shape_cast %and3A_521 : vector<16xi32> to vector<1x16xi32>
      tpu.vector_store %arg7[%swap3A_523, %swap3A_524], %swap3A_527 {strides = array<i32>} : memref<2x128xi32, #tpu.memory_space<vmem>>, vector<1x16xi32>,
      %shift_right_logical3A_528 = arith.constant 14 : i32
      %shift_right_logical3A_529 = vector.broadcast %shift_right_logical3A_528 : i32 to vector<16xi32>
      %shift_right_logical3A_530 = arith.shrui %get3A_518, %shift_right_logical3A_529 : vector<16xi32>
      %swap3A_531 = arith.constant 1 : i32
      %swap3A_532 = arith.index_cast %swap3A_531 : i32 to index
      %swap3A_533 = arith.constant 64 : index
      %swap3A_534 = tpu.vector_load %arg8[%swap3A_532, %swap3A_533] {strides = array<i32>} : memref<2x128xi32, #tpu.memory_space<vmem>>, vector<1x16xi32>,
      %swap3A_535 = vector.shape_cast %swap3A_534 : vector<1x16xi32> to vector<16xi32>
      %swap3A_536 = vector.shape_cast %shift_right_logical3A_530 : vector<16xi32> to vector<1x16xi32>
      tpu.vector_store %arg8[%swap3A_532, %swap3A_533], %swap3A_536 {strides = array<i32>} : memref<2x128xi32, #tpu.memory_space<vmem>>, vector<1x16xi32>,
      %get3A_537 = arith.index_cast %add3A_426 : i32 to index
      %get3A_538 = arith.constant 80 : index
      %get3A_539 = tpu.vector_load %arg6[%get3A_537, %get3A_538] {strides = array<i32>} : memref<158x128xi32, #tpu.memory_space<vmem>>, vector<1x16xi32>,
      %get3A_540 = vector.shape_cast %get3A_539 : vector<1x16xi32> to vector<16xi32>
      %and3A_541 = arith.constant 16383 : i32
      %and3A_542 = vector.broadcast %and3A_541 : i32 to vector<16xi32>
      %and3A_543 = arith.andi %get3A_540, %and3A_542 : vector<16xi32>
      %swap3A_544 = arith.constant 1 : i32
      %swap3A_545 = arith.index_cast %swap3A_544 : i32 to index
      %swap3A_546 = arith.constant 80 : index
      %swap3A_547 = tpu.vector_load %arg7[%swap3A_545, %swap3A_546] {strides = array<i32>} : memref<2x128xi32, #tpu.memory_space<vmem>>, vector<1x16xi32>,
      %swap3A_548 = vector.shape_cast %swap3A_547 : vector<1x16xi32> to vector<16xi32>
      %swap3A_549 = vector.shape_cast %and3A_543 : vector<16xi32> to vector<1x16xi32>
      tpu.vector_store %arg7[%swap3A_545, %swap3A_546], %swap3A_549 {strides = array<i32>} : memref<2x128xi32, #tpu.memory_space<vmem>>, vector<1x16xi32>,
      %shift_right_logical3A_550 = arith.constant 14 : i32
      %shift_right_logical3A_551 = vector.broadcast %shift_right_logical3A_550 : i32 to vector<16xi32>
      %shift_right_logical3A_552 = arith.shrui %get3A_540, %shift_right_logical3A_551 : vector<16xi32>
      %swap3A_553 = arith.constant 1 : i32
      %swap3A_554 = arith.index_cast %swap3A_553 : i32 to index
      %swap3A_555 = arith.constant 80 : index
      %swap3A_556 = tpu.vector_load %arg8[%swap3A_554, %swap3A_555] {strides = array<i32>} : memref<2x128xi32, #tpu.memory_space<vmem>>, vector<1x16xi32>,
      %swap3A_557 = vector.shape_cast %swap3A_556 : vector<1x16xi32> to vector<16xi32>
      %swap3A_558 = vector.shape_cast %shift_right_logical3A_552 : vector<16xi32> to vector<1x16xi32>
      tpu.vector_store %arg8[%swap3A_554, %swap3A_555], %swap3A_558 {strides = array<i32>} : memref<2x128xi32, #tpu.memory_space<vmem>>, vector<1x16xi32>,
      %get3A_559 = arith.index_cast %add3A_426 : i32 to index
      %get3A_560 = arith.constant 96 : index
      %get3A_561 = tpu.vector_load %arg6[%get3A_559, %get3A_560] {strides = array<i32>} : memref<158x128xi32, #tpu.memory_space<vmem>>, vector<1x16xi32>,
      %get3A_562 = vector.shape_cast %get3A_561 : vector<1x16xi32> to vector<16xi32>
      %and3A_563 = arith.constant 16383 : i32
      %and3A_564 = vector.broadcast %and3A_563 : i32 to vector<16xi32>
      %and3A_565 = arith.andi %get3A_562, %and3A_564 : vector<16xi32>
      %swap3A_566 = arith.constant 1 : i32
      %swap3A_567 = arith.index_cast %swap3A_566 : i32 to index
      %swap3A_568 = arith.constant 96 : index
      %swap3A_569 = tpu.vector_load %arg7[%swap3A_567, %swap3A_568] {strides = array<i32>} : memref<2x128xi32, #tpu.memory_space<vmem>>, vector<1x16xi32>,
      %swap3A_570 = vector.shape_cast %swap3A_569 : vector<1x16xi32> to vector<16xi32>
      %swap3A_571 = vector.shape_cast %and3A_565 : vector<16xi32> to vector<1x16xi32>
      tpu.vector_store %arg7[%swap3A_567, %swap3A_568], %swap3A_571 {strides = array<i32>} : memref<2x128xi32, #tpu.memory_space<vmem>>, vector<1x16xi32>,
      %shift_right_logical3A_572 = arith.constant 14 : i32
      %shift_right_logical3A_573 = vector.broadcast %shift_right_logical3A_572 : i32 to vector<16xi32>
      %shift_right_logical3A_574 = arith.shrui %get3A_562, %shift_right_logical3A_573 : vector<16xi32>
      %swap3A_575 = arith.constant 1 : i32
      %swap3A_576 = arith.index_cast %swap3A_575 : i32 to index
      %swap3A_577 = arith.constant 96 : index
      %swap3A_578 = tpu.vector_load %arg8[%swap3A_576, %swap3A_577] {strides = array<i32>} : memref<2x128xi32, #tpu.memory_space<vmem>>, vector<1x16xi32>,
      %swap3A_579 = vector.shape_cast %swap3A_578 : vector<1x16xi32> to vector<16xi32>
      %swap3A_580 = vector.shape_cast %shift_right_logical3A_574 : vector<16xi32> to vector<1x16xi32>
      tpu.vector_store %arg8[%swap3A_576, %swap3A_577], %swap3A_580 {strides = array<i32>} : memref<2x128xi32, #tpu.memory_space<vmem>>, vector<1x16xi32>,
      %get3A_581 = arith.index_cast %add3A_426 : i32 to index
      %get3A_582 = arith.constant 112 : index
      %get3A_583 = tpu.vector_load %arg6[%get3A_581, %get3A_582] {strides = array<i32>} : memref<158x128xi32, #tpu.memory_space<vmem>>, vector<1x16xi32>,
      %get3A_584 = vector.shape_cast %get3A_583 : vector<1x16xi32> to vector<16xi32>
      %and3A_585 = arith.constant 16383 : i32
      %and3A_586 = vector.broadcast %and3A_585 : i32 to vector<16xi32>
      %and3A_587 = arith.andi %get3A_584, %and3A_586 : vector<16xi32>
      %swap3A_588 = arith.constant 1 : i32
      %swap3A_589 = arith.index_cast %swap3A_588 : i32 to index
      %swap3A_590 = arith.constant 112 : index
      %swap3A_591 = tpu.vector_load %arg7[%swap3A_589, %swap3A_590] {strides = array<i32>} : memref<2x128xi32, #tpu.memory_space<vmem>>, vector<1x16xi32>,
      %swap3A_592 = vector.shape_cast %swap3A_591 : vector<1x16xi32> to vector<16xi32>
      %swap3A_593 = vector.shape_cast %and3A_587 : vector<16xi32> to vector<1x16xi32>
      tpu.vector_store %arg7[%swap3A_589, %swap3A_590], %swap3A_593 {strides = array<i32>} : memref<2x128xi32, #tpu.memory_space<vmem>>, vector<1x16xi32>,
      %shift_right_logical3A_594 = arith.constant 14 : i32
      %shift_right_logical3A_595 = vector.broadcast %shift_right_logical3A_594 : i32 to vector<16xi32>
      %shift_right_logical3A_596 = arith.shrui %get3A_584, %shift_right_logical3A_595 : vector<16xi32>
      %swap3A_597 = arith.constant 1 : i32
      %swap3A_598 = arith.index_cast %swap3A_597 : i32 to index
      %swap3A_599 = arith.constant 112 : index
      %swap3A_600 = tpu.vector_load %arg8[%swap3A_598, %swap3A_599] {strides = array<i32>} : memref<2x128xi32, #tpu.memory_space<vmem>>, vector<1x16xi32>,
      %swap3A_601 = vector.shape_cast %swap3A_600 : vector<1x16xi32> to vector<16xi32>
      %swap3A_602 = vector.shape_cast %shift_right_logical3A_596 : vector<16xi32> to vector<1x16xi32>
      tpu.vector_store %arg8[%swap3A_598, %swap3A_599], %swap3A_602 {strides = array<i32>} : memref<2x128xi32, #tpu.memory_space<vmem>>, vector<1x16xi32>,
      %dma_start3A_603 = arith.constant 1 : i32
      %dma_start3A_604 = arith.constant 0 : i32
      %dma_start3A_605 = tpu.memref_slice %arg7[%dma_start3A_603, %dma_start3A_604] : memref<2x128xi32, #tpu.memory_space<vmem>> -> memref<1x128xi32, #tpu.memory_space<vmem>>
      %dma_start3A_606 = tpu.memref_squeeze %dma_start3A_605 : memref<1x128xi32, #tpu.memory_space<vmem>> -> memref<128xi32, #tpu.memory_space<vmem>>
      %dma_start3A_607 = arith.constant 0 : i32
      %dma_start3A_608 = arith.constant 0 : i32
      %dma_start3A_609 = tpu.memref_slice %arg2[%arg0, %dma_start3A_607, %dma_start3A_608] : memref<2x10000x64xf32, #tpu.memory_space<hbm>> -> memref<1x10000x64xf32, #tpu.memory_space<hbm>>
      %dma_start3A_610 = tpu.memref_squeeze %dma_start3A_609 : memref<1x10000x64xf32, #tpu.memory_space<hbm>> -> memref<10000x64xf32, #tpu.memory_space<hbm>>
      %dma_start3A_611 = arith.constant 0 : i32
      %dma_start3A_612 = arith.constant 0 : i32
      %dma_start3A_613 = tpu.memref_slice %dma_start3A_610[%dma_start3A_611, %dma_start3A_612] : memref<10000x64xf32, #tpu.memory_space<hbm>> -> memref<10000x64xf32, #tpu.memory_space<hbm>>
      tpu.enqueue_indirect_dma source(%dma_start3A_613 : memref<10000x64xf32, #tpu.memory_space<hbm>>) target(%arg10 : memref<128x64xf32, #tpu.memory_space<vmem>>) offsets(%dma_start3A_606 : memref<128xi32, #tpu.memory_space<vmem>>) semaphore(%arg17 : memref<!tpu.dma_semaphore, #tpu.memory_space<semaphore_mem>>)
      %dma_wait3A_614 = arith.constant 0 : i32
      %dma_wait3A_615 = arith.constant 0 : i32
      %dma_wait3A_616 = tpu.memref_slice %arg7[%dma_wait3A_614, %dma_wait3A_615] : memref<2x128xi32, #tpu.memory_space<vmem>> -> memref<1x128xi32, #tpu.memory_space<vmem>>
      %dma_wait3A_617 = tpu.memref_squeeze %dma_wait3A_616 : memref<1x128xi32, #tpu.memory_space<vmem>> -> memref<128xi32, #tpu.memory_space<vmem>>
      %dma_wait3A_618 = arith.constant 0 : i32
      %dma_wait3A_619 = arith.constant 0 : i32
      %dma_wait3A_620 = tpu.memref_slice %arg2[%arg0, %dma_wait3A_618, %dma_wait3A_619] : memref<2x10000x64xf32, #tpu.memory_space<hbm>> -> memref<1x10000x64xf32, #tpu.memory_space<hbm>>
      %dma_wait3A_621 = tpu.memref_squeeze %dma_wait3A_620 : memref<1x10000x64xf32, #tpu.memory_space<hbm>> -> memref<10000x64xf32, #tpu.memory_space<hbm>>
      %dma_wait3A_622 = arith.constant 0 : i32
      %dma_wait3A_623 = arith.constant 0 : i32
      %dma_wait3A_624 = tpu.memref_slice %dma_wait3A_621[%dma_wait3A_622, %dma_wait3A_623] : memref<10000x64xf32, #tpu.memory_space<hbm>> -> memref<10000x64xf32, #tpu.memory_space<hbm>>
      tpu.wait_indirect_dma semaphore(%arg16 : memref<!tpu.dma_semaphore, #tpu.memory_space<semaphore_mem>>) src(%dma_wait3A_624 : memref<10000x64xf32, #tpu.memory_space<hbm>>) dst(%arg9 : memref<128x64xf32, #tpu.memory_space<vmem>>)
      %run_scoped3A_625 = arith.constant 0 : i32
      "tpu.region"() ({
        %run_scoped3A_827 = tpu.sem_alloc : memref<!tpu.dma_semaphore, #tpu.memory_space<semaphore_mem>>
        %dma_start3A_828 = arith.constant 0 : i32
        %dma_start3A_829 = tpu.memref_slice %arg8[%run_scoped3A_625, %dma_start3A_828] : memref<2x128xi32, #tpu.memory_space<vmem>> -> memref<1x128xi32, #tpu.memory_space<vmem>>
        %dma_start3A_830 = tpu.memref_squeeze %dma_start3A_829 : memref<1x128xi32, #tpu.memory_space<vmem>> -> memref<128xi32, #tpu.memory_space<vmem>>
        %dma_start3A_831 = arith.constant 0 : i32
        %dma_start3A_832 = arith.constant 0 : i32
        %dma_start3A_833 = tpu.memref_slice %arg14[%dma_start3A_831, %dma_start3A_832] : memref<10112x64xf32, #tpu.memory_space<vmem_shared>> -> memref<10112x64xf32, #tpu.memory_space<vmem_shared>>
        tpu.enqueue_indirect_dma source(%arg9 : memref<128x64xf32, #tpu.memory_space<vmem>>) target(%dma_start3A_833 : memref<10112x64xf32, #tpu.memory_space<vmem_shared>>) offsets(%dma_start3A_830 : memref<128xi32, #tpu.memory_space<vmem>>) semaphore(%run_scoped3A_827 : memref<!tpu.dma_semaphore, #tpu.memory_space<semaphore_mem>>) {add = true}
        %dma_wait3A_834 = arith.constant 0 : i32
        %dma_wait3A_835 = tpu.memref_slice %arg8[%run_scoped3A_625, %dma_wait3A_834] : memref<2x128xi32, #tpu.memory_space<vmem>> -> memref<1x128xi32, #tpu.memory_space<vmem>>
        %dma_wait3A_836 = tpu.memref_squeeze %dma_wait3A_835 : memref<1x128xi32, #tpu.memory_space<vmem>> -> memref<128xi32, #tpu.memory_space<vmem>>
        %dma_wait3A_837 = arith.constant 0 : i32
        %dma_wait3A_838 = arith.constant 0 : i32
        %dma_wait3A_839 = tpu.memref_slice %arg14[%dma_wait3A_837, %dma_wait3A_838] : memref<10112x64xf32, #tpu.memory_space<vmem_shared>> -> memref<10112x64xf32, #tpu.memory_space<vmem_shared>>
        tpu.wait_indirect_dma semaphore(%run_scoped3A_827 : memref<!tpu.dma_semaphore, #tpu.memory_space<semaphore_mem>>) src(%arg9 : memref<128x64xf32, #tpu.memory_space<vmem>>) dst(%dma_wait3A_839 : memref<10112x64xf32, #tpu.memory_space<vmem_shared>>)
        tpu.yield
      }) : () -> ()
      %add3A_626 = arith.constant 2 : i32
      %add3A_627 = arith.addi %add3A_424, %add3A_626 : i32
      %get3A_628 = arith.index_cast %add3A_627 : i32 to index
      %get3A_629 = arith.constant 0 : index
      %get3A_630 = tpu.vector_load %arg6[%get3A_628, %get3A_629] {strides = array<i32>} : memref<158x128xi32, #tpu.memory_space<vmem>>, vector<1x16xi32>,
      %get3A_631 = vector.shape_cast %get3A_630 : vector<1x16xi32> to vector<16xi32>
      %and3A_632 = arith.constant 16383 : i32
      %and3A_633 = vector.broadcast %and3A_632 : i32 to vector<16xi32>
      %and3A_634 = arith.andi %get3A_631, %and3A_633 : vector<16xi32>
      %swap3A_635 = arith.constant 0 : i32
      %swap3A_636 = arith.index_cast %swap3A_635 : i32 to index
      %swap3A_637 = arith.constant 0 : index
      %swap3A_638 = tpu.vector_load %arg7[%swap3A_636, %swap3A_637] {strides = array<i32>} : memref<2x128xi32, #tpu.memory_space<vmem>>, vector<1x16xi32>,
      %swap3A_639 = vector.shape_cast %swap3A_638 : vector<1x16xi32> to vector<16xi32>
      %swap3A_640 = vector.shape_cast %and3A_634 : vector<16xi32> to vector<1x16xi32>
      tpu.vector_store %arg7[%swap3A_636, %swap3A_637], %swap3A_640 {strides = array<i32>} : memref<2x128xi32, #tpu.memory_space<vmem>>, vector<1x16xi32>,
      %shift_right_logical3A_641 = arith.constant 14 : i32
      %shift_right_logical3A_642 = vector.broadcast %shift_right_logical3A_641 : i32 to vector<16xi32>
      %shift_right_logical3A_643 = arith.shrui %get3A_631, %shift_right_logical3A_642 : vector<16xi32>
      %swap3A_644 = arith.constant 0 : i32
      %swap3A_645 = arith.index_cast %swap3A_644 : i32 to index
      %swap3A_646 = arith.constant 0 : index
      %swap3A_647 = tpu.vector_load %arg8[%swap3A_645, %swap3A_646] {strides = array<i32>} : memref<2x128xi32, #tpu.memory_space<vmem>>, vector<1x16xi32>,
      %swap3A_648 = vector.shape_cast %swap3A_647 : vector<1x16xi32> to vector<16xi32>
      %swap3A_649 = vector.shape_cast %shift_right_logical3A_643 : vector<16xi32> to vector<1x16xi32>
      tpu.vector_store %arg8[%swap3A_645, %swap3A_646], %swap3A_649 {strides = array<i32>} : memref<2x128xi32, #tpu.memory_space<vmem>>, vector<1x16xi32>,
      %get3A_650 = arith.index_cast %add3A_627 : i32 to index
      %get3A_651 = arith.constant 16 : index
      %get3A_652 = tpu.vector_load %arg6[%get3A_650, %get3A_651] {strides = array<i32>} : memref<158x128xi32, #tpu.memory_space<vmem>>, vector<1x16xi32>,
      %get3A_653 = vector.shape_cast %get3A_652 : vector<1x16xi32> to vector<16xi32>
      %and3A_654 = arith.constant 16383 : i32
      %and3A_655 = vector.broadcast %and3A_654 : i32 to vector<16xi32>
      %and3A_656 = arith.andi %get3A_653, %and3A_655 : vector<16xi32>
      %swap3A_657 = arith.constant 0 : i32
      %swap3A_658 = arith.index_cast %swap3A_657 : i32 to index
      %swap3A_659 = arith.constant 16 : index
      %swap3A_660 = tpu.vector_load %arg7[%swap3A_658, %swap3A_659] {strides = array<i32>} : memref<2x128xi32, #tpu.memory_space<vmem>>, vector<1x16xi32>,
      %swap3A_661 = vector.shape_cast %swap3A_660 : vector<1x16xi32> to vector<16xi32>
      %swap3A_662 = vector.shape_cast %and3A_656 : vector<16xi32> to vector<1x16xi32>
      tpu.vector_store %arg7[%swap3A_658, %swap3A_659], %swap3A_662 {strides = array<i32>} : memref<2x128xi32, #tpu.memory_space<vmem>>, vector<1x16xi32>,
      %shift_right_logical3A_663 = arith.constant 14 : i32
      %shift_right_logical3A_664 = vector.broadcast %shift_right_logical3A_663 : i32 to vector<16xi32>
      %shift_right_logical3A_665 = arith.shrui %get3A_653, %shift_right_logical3A_664 : vector<16xi32>
      %swap3A_666 = arith.constant 0 : i32
      %swap3A_667 = arith.index_cast %swap3A_666 : i32 to index
      %swap3A_668 = arith.constant 16 : index
      %swap3A_669 = tpu.vector_load %arg8[%swap3A_667, %swap3A_668] {strides = array<i32>} : memref<2x128xi32, #tpu.memory_space<vmem>>, vector<1x16xi32>,
      %swap3A_670 = vector.shape_cast %swap3A_669 : vector<1x16xi32> to vector<16xi32>
      %swap3A_671 = vector.shape_cast %shift_right_logical3A_665 : vector<16xi32> to vector<1x16xi32>
      tpu.vector_store %arg8[%swap3A_667, %swap3A_668], %swap3A_671 {strides = array<i32>} : memref<2x128xi32, #tpu.memory_space<vmem>>, vector<1x16xi32>,
      %get3A_672 = arith.index_cast %add3A_627 : i32 to index
      %get3A_673 = arith.constant 32 : index
      %get3A_674 = tpu.vector_load %arg6[%get3A_672, %get3A_673] {strides = array<i32>} : memref<158x128xi32, #tpu.memory_space<vmem>>, vector<1x16xi32>,
      %get3A_675 = vector.shape_cast %get3A_674 : vector<1x16xi32> to vector<16xi32>
      %and3A_676 = arith.constant 16383 : i32
      %and3A_677 = vector.broadcast %and3A_676 : i32 to vector<16xi32>
      %and3A_678 = arith.andi %get3A_675, %and3A_677 : vector<16xi32>
      %swap3A_679 = arith.constant 0 : i32
      %swap3A_680 = arith.index_cast %swap3A_679 : i32 to index
      %swap3A_681 = arith.constant 32 : index
      %swap3A_682 = tpu.vector_load %arg7[%swap3A_680, %swap3A_681] {strides = array<i32>} : memref<2x128xi32, #tpu.memory_space<vmem>>, vector<1x16xi32>,
      %swap3A_683 = vector.shape_cast %swap3A_682 : vector<1x16xi32> to vector<16xi32>
      %swap3A_684 = vector.shape_cast %and3A_678 : vector<16xi32> to vector<1x16xi32>
      tpu.vector_store %arg7[%swap3A_680, %swap3A_681], %swap3A_684 {strides = array<i32>} : memref<2x128xi32, #tpu.memory_space<vmem>>, vector<1x16xi32>,
      %shift_right_logical3A_685 = arith.constant 14 : i32
      %shift_right_logical3A_686 = vector.broadcast %shift_right_logical3A_685 : i32 to vector<16xi32>
      %shift_right_logical3A_687 = arith.shrui %get3A_675, %shift_right_logical3A_686 : vector<16xi32>
      %swap3A_688 = arith.constant 0 : i32
      %swap3A_689 = arith.index_cast %swap3A_688 : i32 to index
      %swap3A_690 = arith.constant 32 : index
      %swap3A_691 = tpu.vector_load %arg8[%swap3A_689, %swap3A_690] {strides = array<i32>} : memref<2x128xi32, #tpu.memory_space<vmem>>, vector<1x16xi32>,
      %swap3A_692 = vector.shape_cast %swap3A_691 : vector<1x16xi32> to vector<16xi32>
      %swap3A_693 = vector.shape_cast %shift_right_logical3A_687 : vector<16xi32> to vector<1x16xi32>
      tpu.vector_store %arg8[%swap3A_689, %swap3A_690], %swap3A_693 {strides = array<i32>} : memref<2x128xi32, #tpu.memory_space<vmem>>, vector<1x16xi32>,
      %get3A_694 = arith.index_cast %add3A_627 : i32 to index
      %get3A_695 = arith.constant 48 : index
      %get3A_696 = tpu.vector_load %arg6[%get3A_694, %get3A_695] {strides = array<i32>} : memref<158x128xi32, #tpu.memory_space<vmem>>, vector<1x16xi32>,
      %get3A_697 = vector.shape_cast %get3A_696 : vector<1x16xi32> to vector<16xi32>
      %and3A_698 = arith.constant 16383 : i32
      %and3A_699 = vector.broadcast %and3A_698 : i32 to vector<16xi32>
      %and3A_700 = arith.andi %get3A_697, %and3A_699 : vector<16xi32>
      %swap3A_701 = arith.constant 0 : i32
      %swap3A_702 = arith.index_cast %swap3A_701 : i32 to index
      %swap3A_703 = arith.constant 48 : index
      %swap3A_704 = tpu.vector_load %arg7[%swap3A_702, %swap3A_703] {strides = array<i32>} : memref<2x128xi32, #tpu.memory_space<vmem>>, vector<1x16xi32>,
      %swap3A_705 = vector.shape_cast %swap3A_704 : vector<1x16xi32> to vector<16xi32>
      %swap3A_706 = vector.shape_cast %and3A_700 : vector<16xi32> to vector<1x16xi32>
      tpu.vector_store %arg7[%swap3A_702, %swap3A_703], %swap3A_706 {strides = array<i32>} : memref<2x128xi32, #tpu.memory_space<vmem>>, vector<1x16xi32>,
      %shift_right_logical3A_707 = arith.constant 14 : i32
      %shift_right_logical3A_708 = vector.broadcast %shift_right_logical3A_707 : i32 to vector<16xi32>
      %shift_right_logical3A_709 = arith.shrui %get3A_697, %shift_right_logical3A_708 : vector<16xi32>
      %swap3A_710 = arith.constant 0 : i32
      %swap3A_711 = arith.index_cast %swap3A_710 : i32 to index
      %swap3A_712 = arith.constant 48 : index
      %swap3A_713 = tpu.vector_load %arg8[%swap3A_711, %swap3A_712] {strides = array<i32>} : memref<2x128xi32, #tpu.memory_space<vmem>>, vector<1x16xi32>,
      %swap3A_714 = vector.shape_cast %swap3A_713 : vector<1x16xi32> to vector<16xi32>
      %swap3A_715 = vector.shape_cast %shift_right_logical3A_709 : vector<16xi32> to vector<1x16xi32>
      tpu.vector_store %arg8[%swap3A_711, %swap3A_712], %swap3A_715 {strides = array<i32>} : memref<2x128xi32, #tpu.memory_space<vmem>>, vector<1x16xi32>,
      %get3A_716 = arith.index_cast %add3A_627 : i32 to index
      %get3A_717 = arith.constant 64 : index
      %get3A_718 = tpu.vector_load %arg6[%get3A_716, %get3A_717] {strides = array<i32>} : memref<158x128xi32, #tpu.memory_space<vmem>>, vector<1x16xi32>,
      %get3A_719 = vector.shape_cast %get3A_718 : vector<1x16xi32> to vector<16xi32>
      %and3A_720 = arith.constant 16383 : i32
      %and3A_721 = vector.broadcast %and3A_720 : i32 to vector<16xi32>
      %and3A_722 = arith.andi %get3A_719, %and3A_721 : vector<16xi32>
      %swap3A_723 = arith.constant 0 : i32
      %swap3A_724 = arith.index_cast %swap3A_723 : i32 to index
      %swap3A_725 = arith.constant 64 : index
      %swap3A_726 = tpu.vector_load %arg7[%swap3A_724, %swap3A_725] {strides = array<i32>} : memref<2x128xi32, #tpu.memory_space<vmem>>, vector<1x16xi32>,
      %swap3A_727 = vector.shape_cast %swap3A_726 : vector<1x16xi32> to vector<16xi32>
      %swap3A_728 = vector.shape_cast %and3A_722 : vector<16xi32> to vector<1x16xi32>
      tpu.vector_store %arg7[%swap3A_724, %swap3A_725], %swap3A_728 {strides = array<i32>} : memref<2x128xi32, #tpu.memory_space<vmem>>, vector<1x16xi32>,
      %shift_right_logical3A_729 = arith.constant 14 : i32
      %shift_right_logical3A_730 = vector.broadcast %shift_right_logical3A_729 : i32 to vector<16xi32>
      %shift_right_logical3A_731 = arith.shrui %get3A_719, %shift_right_logical3A_730 : vector<16xi32>
      %swap3A_732 = arith.constant 0 : i32
      %swap3A_733 = arith.index_cast %swap3A_732 : i32 to index
      %swap3A_734 = arith.constant 64 : index
      %swap3A_735 = tpu.vector_load %arg8[%swap3A_733, %swap3A_734] {strides = array<i32>} : memref<2x128xi32, #tpu.memory_space<vmem>>, vector<1x16xi32>,
      %swap3A_736 = vector.shape_cast %swap3A_735 : vector<1x16xi32> to vector<16xi32>
      %swap3A_737 = vector.shape_cast %shift_right_logical3A_731 : vector<16xi32> to vector<1x16xi32>
      tpu.vector_store %arg8[%swap3A_733, %swap3A_734], %swap3A_737 {strides = array<i32>} : memref<2x128xi32, #tpu.memory_space<vmem>>, vector<1x16xi32>,
      %get3A_738 = arith.index_cast %add3A_627 : i32 to index
      %get3A_739 = arith.constant 80 : index
      %get3A_740 = tpu.vector_load %arg6[%get3A_738, %get3A_739] {strides = array<i32>} : memref<158x128xi32, #tpu.memory_space<vmem>>, vector<1x16xi32>,
      %get3A_741 = vector.shape_cast %get3A_740 : vector<1x16xi32> to vector<16xi32>
      %and3A_742 = arith.constant 16383 : i32
      %and3A_743 = vector.broadcast %and3A_742 : i32 to vector<16xi32>
      %and3A_744 = arith.andi %get3A_741, %and3A_743 : vector<16xi32>
      %swap3A_745 = arith.constant 0 : i32
      %swap3A_746 = arith.index_cast %swap3A_745 : i32 to index
      %swap3A_747 = arith.constant 80 : index
      %swap3A_748 = tpu.vector_load %arg7[%swap3A_746, %swap3A_747] {strides = array<i32>} : memref<2x128xi32, #tpu.memory_space<vmem>>, vector<1x16xi32>,
      %swap3A_749 = vector.shape_cast %swap3A_748 : vector<1x16xi32> to vector<16xi32>
      %swap3A_750 = vector.shape_cast %and3A_744 : vector<16xi32> to vector<1x16xi32>
      tpu.vector_store %arg7[%swap3A_746, %swap3A_747], %swap3A_750 {strides = array<i32>} : memref<2x128xi32, #tpu.memory_space<vmem>>, vector<1x16xi32>,
      %shift_right_logical3A_751 = arith.constant 14 : i32
      %shift_right_logical3A_752 = vector.broadcast %shift_right_logical3A_751 : i32 to vector<16xi32>
      %shift_right_logical3A_753 = arith.shrui %get3A_741, %shift_right_logical3A_752 : vector<16xi32>
      %swap3A_754 = arith.constant 0 : i32
      %swap3A_755 = arith.index_cast %swap3A_754 : i32 to index
      %swap3A_756 = arith.constant 80 : index
      %swap3A_757 = tpu.vector_load %arg8[%swap3A_755, %swap3A_756] {strides = array<i32>} : memref<2x128xi32, #tpu.memory_space<vmem>>, vector<1x16xi32>,
      %swap3A_758 = vector.shape_cast %swap3A_757 : vector<1x16xi32> to vector<16xi32>
      %swap3A_759 = vector.shape_cast %shift_right_logical3A_753 : vector<16xi32> to vector<1x16xi32>
      tpu.vector_store %arg8[%swap3A_755, %swap3A_756], %swap3A_759 {strides = array<i32>} : memref<2x128xi32, #tpu.memory_space<vmem>>, vector<1x16xi32>,
      %get3A_760 = arith.index_cast %add3A_627 : i32 to index
      %get3A_761 = arith.constant 96 : index
      %get3A_762 = tpu.vector_load %arg6[%get3A_760, %get3A_761] {strides = array<i32>} : memref<158x128xi32, #tpu.memory_space<vmem>>, vector<1x16xi32>,
      %get3A_763 = vector.shape_cast %get3A_762 : vector<1x16xi32> to vector<16xi32>
      %and3A_764 = arith.constant 16383 : i32
      %and3A_765 = vector.broadcast %and3A_764 : i32 to vector<16xi32>
      %and3A_766 = arith.andi %get3A_763, %and3A_765 : vector<16xi32>
      %swap3A_767 = arith.constant 0 : i32
      %swap3A_768 = arith.index_cast %swap3A_767 : i32 to index
      %swap3A_769 = arith.constant 96 : index
      %swap3A_770 = tpu.vector_load %arg7[%swap3A_768, %swap3A_769] {strides = array<i32>} : memref<2x128xi32, #tpu.memory_space<vmem>>, vector<1x16xi32>,
      %swap3A_771 = vector.shape_cast %swap3A_770 : vector<1x16xi32> to vector<16xi32>
      %swap3A_772 = vector.shape_cast %and3A_766 : vector<16xi32> to vector<1x16xi32>
      tpu.vector_store %arg7[%swap3A_768, %swap3A_769], %swap3A_772 {strides = array<i32>} : memref<2x128xi32, #tpu.memory_space<vmem>>, vector<1x16xi32>,
      %shift_right_logical3A_773 = arith.constant 14 : i32
      %shift_right_logical3A_774 = vector.broadcast %shift_right_logical3A_773 : i32 to vector<16xi32>
      %shift_right_logical3A_775 = arith.shrui %get3A_763, %shift_right_logical3A_774 : vector<16xi32>
      %swap3A_776 = arith.constant 0 : i32
      %swap3A_777 = arith.index_cast %swap3A_776 : i32 to index
      %swap3A_778 = arith.constant 96 : index
      %swap3A_779 = tpu.vector_load %arg8[%swap3A_777, %swap3A_778] {strides = array<i32>} : memref<2x128xi32, #tpu.memory_space<vmem>>, vector<1x16xi32>,
      %swap3A_780 = vector.shape_cast %swap3A_779 : vector<1x16xi32> to vector<16xi32>
      %swap3A_781 = vector.shape_cast %shift_right_logical3A_775 : vector<16xi32> to vector<1x16xi32>
      tpu.vector_store %arg8[%swap3A_777, %swap3A_778], %swap3A_781 {strides = array<i32>} : memref<2x128xi32, #tpu.memory_space<vmem>>, vector<1x16xi32>,
      %get3A_782 = arith.index_cast %add3A_627 : i32 to index
      %get3A_783 = arith.constant 112 : index
      %get3A_784 = tpu.vector_load %arg6[%get3A_782, %get3A_783] {strides = array<i32>} : memref<158x128xi32, #tpu.memory_space<vmem>>, vector<1x16xi32>,
      %get3A_785 = vector.shape_cast %get3A_784 : vector<1x16xi32> to vector<16xi32>
      %and3A_786 = arith.constant 16383 : i32
      %and3A_787 = vector.broadcast %and3A_786 : i32 to vector<16xi32>
      %and3A_788 = arith.andi %get3A_785, %and3A_787 : vector<16xi32>
      %swap3A_789 = arith.constant 0 : i32
      %swap3A_790 = arith.index_cast %swap3A_789 : i32 to index
      %swap3A_791 = arith.constant 112 : index
      %swap3A_792 = tpu.vector_load %arg7[%swap3A_790, %swap3A_791] {strides = array<i32>} : memref<2x128xi32, #tpu.memory_space<vmem>>, vector<1x16xi32>,
      %swap3A_793 = vector.shape_cast %swap3A_792 : vector<1x16xi32> to vector<16xi32>
      %swap3A_794 = vector.shape_cast %and3A_788 : vector<16xi32> to vector<1x16xi32>
      tpu.vector_store %arg7[%swap3A_790, %swap3A_791], %swap3A_794 {strides = array<i32>} : memref<2x128xi32, #tpu.memory_space<vmem>>, vector<1x16xi32>,
      %shift_right_logical3A_795 = arith.constant 14 : i32
      %shift_right_logical3A_796 = vector.broadcast %shift_right_logical3A_795 : i32 to vector<16xi32>
      %shift_right_logical3A_797 = arith.shrui %get3A_785, %shift_right_logical3A_796 : vector<16xi32>
      %swap3A_798 = arith.constant 0 : i32
      %swap3A_799 = arith.index_cast %swap3A_798 : i32 to index
      %swap3A_800 = arith.constant 112 : index
      %swap3A_801 = tpu.vector_load %arg8[%swap3A_799, %swap3A_800] {strides = array<i32>} : memref<2x128xi32, #tpu.memory_space<vmem>>, vector<1x16xi32>,
      %swap3A_802 = vector.shape_cast %swap3A_801 : vector<1x16xi32> to vector<16xi32>
      %swap3A_803 = vector.shape_cast %shift_right_logical3A_797 : vector<16xi32> to vector<1x16xi32>
      tpu.vector_store %arg8[%swap3A_799, %swap3A_800], %swap3A_803 {strides = array<i32>} : memref<2x128xi32, #tpu.memory_space<vmem>>, vector<1x16xi32>,
      %dma_start3A_804 = arith.constant 0 : i32
      %dma_start3A_805 = arith.constant 0 : i32
      %dma_start3A_806 = tpu.memref_slice %arg7[%dma_start3A_804, %dma_start3A_805] : memref<2x128xi32, #tpu.memory_space<vmem>> -> memref<1x128xi32, #tpu.memory_space<vmem>>
      %dma_start3A_807 = tpu.memref_squeeze %dma_start3A_806 : memref<1x128xi32, #tpu.memory_space<vmem>> -> memref<128xi32, #tpu.memory_space<vmem>>
      %dma_start3A_808 = arith.constant 0 : i32
      %dma_start3A_809 = arith.constant 0 : i32
      %dma_start3A_810 = tpu.memref_slice %arg2[%arg0, %dma_start3A_808, %dma_start3A_809] : memref<2x10000x64xf32, #tpu.memory_space<hbm>> -> memref<1x10000x64xf32, #tpu.memory_space<hbm>>
      %dma_start3A_811 = tpu.memref_squeeze %dma_start3A_810 : memref<1x10000x64xf32, #tpu.memory_space<hbm>> -> memref<10000x64xf32, #tpu.memory_space<hbm>>
      %dma_start3A_812 = arith.constant 0 : i32
      %dma_start3A_813 = arith.constant 0 : i32
      %dma_start3A_814 = tpu.memref_slice %dma_start3A_811[%dma_start3A_812, %dma_start3A_813] : memref<10000x64xf32, #tpu.memory_space<hbm>> -> memref<10000x64xf32, #tpu.memory_space<hbm>>
      tpu.enqueue_indirect_dma source(%dma_start3A_814 : memref<10000x64xf32, #tpu.memory_space<hbm>>) target(%arg9 : memref<128x64xf32, #tpu.memory_space<vmem>>) offsets(%dma_start3A_807 : memref<128xi32, #tpu.memory_space<vmem>>) semaphore(%arg16 : memref<!tpu.dma_semaphore, #tpu.memory_space<semaphore_mem>>)
      %dma_wait3A_815 = arith.constant 1 : i32
      %dma_wait3A_816 = arith.constant 0 : i32
      %dma_wait3A_817 = tpu.memref_slice %arg7[%dma_wait3A_815, %dma_wait3A_816] : memref<2x128xi32, #tpu.memory_space<vmem>> -> memref<1x128xi32, #tpu.memory_space<vmem>>
      %dma_wait3A_818 = tpu.memref_squeeze %dma_wait3A_817 : memref<1x128xi32, #tpu.memory_space<vmem>> -> memref<128xi32, #tpu.memory_space<vmem>>
      %dma_wait3A_819 = arith.constant 0 : i32
      %dma_wait3A_820 = arith.constant 0 : i32
      %dma_wait3A_821 = tpu.memref_slice %arg2[%arg0, %dma_wait3A_819, %dma_wait3A_820] : memref<2x10000x64xf32, #tpu.memory_space<hbm>> -> memref<1x10000x64xf32, #tpu.memory_space<hbm>>
      %dma_wait3A_822 = tpu.memref_squeeze %dma_wait3A_821 : memref<1x10000x64xf32, #tpu.memory_space<hbm>> -> memref<10000x64xf32, #tpu.memory_space<hbm>>
      %dma_wait3A_823 = arith.constant 0 : i32
      %dma_wait3A_824 = arith.constant 0 : i32
      %dma_wait3A_825 = tpu.memref_slice %dma_wait3A_822[%dma_wait3A_823, %dma_wait3A_824] : memref<10000x64xf32, #tpu.memory_space<hbm>> -> memref<10000x64xf32, #tpu.memory_space<hbm>>
      tpu.wait_indirect_dma semaphore(%arg17 : memref<!tpu.dma_semaphore, #tpu.memory_space<semaphore_mem>>) src(%dma_wait3A_825 : memref<10000x64xf32, #tpu.memory_space<hbm>>) dst(%arg10 : memref<128x64xf32, #tpu.memory_space<vmem>>)
      %run_scoped3A_826 = arith.constant 1 : i32
      "tpu.region"() ({
        %run_scoped3A_827 = tpu.sem_alloc : memref<!tpu.dma_semaphore, #tpu.memory_space<semaphore_mem>>
        %dma_start3A_828 = arith.constant 0 : i32
        %dma_start3A_829 = tpu.memref_slice %arg8[%run_scoped3A_826, %dma_start3A_828] : memref<2x128xi32, #tpu.memory_space<vmem>> -> memref<1x128xi32, #tpu.memory_space<vmem>>
        %dma_start3A_830 = tpu.memref_squeeze %dma_start3A_829 : memref<1x128xi32, #tpu.memory_space<vmem>> -> memref<128xi32, #tpu.memory_space<vmem>>
        %dma_start3A_831 = arith.constant 0 : i32
        %dma_start3A_832 = arith.constant 0 : i32
        %dma_start3A_833 = tpu.memref_slice %arg14[%dma_start3A_831, %dma_start3A_832] : memref<10112x64xf32, #tpu.memory_space<vmem_shared>> -> memref<10112x64xf32, #tpu.memory_space<vmem_shared>>
        tpu.enqueue_indirect_dma source(%arg10 : memref<128x64xf32, #tpu.memory_space<vmem>>) target(%dma_start3A_833 : memref<10112x64xf32, #tpu.memory_space<vmem_shared>>) offsets(%dma_start3A_830 : memref<128xi32, #tpu.memory_space<vmem>>) semaphore(%run_scoped3A_827 : memref<!tpu.dma_semaphore, #tpu.memory_space<semaphore_mem>>) {add = true}
        %dma_wait3A_834 = arith.constant 0 : i32
        %dma_wait3A_835 = tpu.memref_slice %arg8[%run_scoped3A_826, %dma_wait3A_834] : memref<2x128xi32, #tpu.memory_space<vmem>> -> memref<1x128xi32, #tpu.memory_space<vmem>>
        %dma_wait3A_836 = tpu.memref_squeeze %dma_wait3A_835 : memref<1x128xi32, #tpu.memory_space<vmem>> -> memref<128xi32, #tpu.memory_space<vmem>>
        %dma_wait3A_837 = arith.constant 0 : i32
        %dma_wait3A_838 = arith.constant 0 : i32
        %dma_wait3A_839 = tpu.memref_slice %arg14[%dma_wait3A_837, %dma_wait3A_838] : memref<10112x64xf32, #tpu.memory_space<vmem_shared>> -> memref<10112x64xf32, #tpu.memory_space<vmem_shared>>
        tpu.wait_indirect_dma semaphore(%run_scoped3A_827 : memref<!tpu.dma_semaphore, #tpu.memory_space<semaphore_mem>>) src(%arg10 : memref<128x64xf32, #tpu.memory_space<vmem>>) dst(%dma_wait3A_839 : memref<10112x64xf32, #tpu.memory_space<vmem_shared>>)
        tpu.yield
      }) : () -> ()
    }
    %scan3A_202 = arith.constant 78 : i32
    %get3A_203 = arith.constant 157 : i32
    %get3A_204 = arith.index_cast %get3A_203 : i32 to index
    %get3A_205 = arith.constant 0 : index
    %get3A_206 = tpu.vector_load %arg6[%get3A_204, %get3A_205] {strides = array<i32>} : memref<158x128xi32, #tpu.memory_space<vmem>>, vector<1x16xi32>,
    %get3A_207 = vector.shape_cast %get3A_206 : vector<1x16xi32> to vector<16xi32>
    %and3A_208 = arith.constant 16383 : i32
    %and3A_209 = vector.broadcast %and3A_208 : i32 to vector<16xi32>
    %and3A_210 = arith.andi %get3A_207, %and3A_209 : vector<16xi32>
    %swap3A_211 = arith.constant 1 : i32
    %swap3A_212 = arith.index_cast %swap3A_211 : i32 to index
    %swap3A_213 = arith.constant 0 : index
    %swap3A_214 = tpu.vector_load %arg7[%swap3A_212, %swap3A_213] {strides = array<i32>} : memref<2x128xi32, #tpu.memory_space<vmem>>, vector<1x16xi32>,
    %swap3A_215 = vector.shape_cast %swap3A_214 : vector<1x16xi32> to vector<16xi32>
    %swap3A_216 = vector.shape_cast %and3A_210 : vector<16xi32> to vector<1x16xi32>
    tpu.vector_store %arg7[%swap3A_212, %swap3A_213], %swap3A_216 {strides = array<i32>} : memref<2x128xi32, #tpu.memory_space<vmem>>, vector<1x16xi32>,
    %shift_right_logical3A_217 = arith.constant 14 : i32
    %shift_right_logical3A_218 = vector.broadcast %shift_right_logical3A_217 : i32 to vector<16xi32>
    %shift_right_logical3A_219 = arith.shrui %get3A_207, %shift_right_logical3A_218 : vector<16xi32>
    %swap3A_220 = arith.constant 1 : i32
    %swap3A_221 = arith.index_cast %swap3A_220 : i32 to index
    %swap3A_222 = arith.constant 0 : index
    %swap3A_223 = tpu.vector_load %arg8[%swap3A_221, %swap3A_222] {strides = array<i32>} : memref<2x128xi32, #tpu.memory_space<vmem>>, vector<1x16xi32>,
    %swap3A_224 = vector.shape_cast %swap3A_223 : vector<1x16xi32> to vector<16xi32>
    %swap3A_225 = vector.shape_cast %shift_right_logical3A_219 : vector<16xi32> to vector<1x16xi32>
    tpu.vector_store %arg8[%swap3A_221, %swap3A_222], %swap3A_225 {strides = array<i32>} : memref<2x128xi32, #tpu.memory_space<vmem>>, vector<1x16xi32>,
    %get3A_226 = arith.constant 157 : i32
    %get3A_227 = arith.index_cast %get3A_226 : i32 to index
    %get3A_228 = arith.constant 16 : index
    %get3A_229 = tpu.vector_load %arg6[%get3A_227, %get3A_228] {strides = array<i32>} : memref<158x128xi32, #tpu.memory_space<vmem>>, vector<1x16xi32>,
    %get3A_230 = vector.shape_cast %get3A_229 : vector<1x16xi32> to vector<16xi32>
    %and3A_231 = arith.constant 16383 : i32
    %and3A_232 = vector.broadcast %and3A_231 : i32 to vector<16xi32>
    %and3A_233 = arith.andi %get3A_230, %and3A_232 : vector<16xi32>
    %swap3A_234 = arith.constant 1 : i32
    %swap3A_235 = arith.index_cast %swap3A_234 : i32 to index
    %swap3A_236 = arith.constant 16 : index
    %swap3A_237 = tpu.vector_load %arg7[%swap3A_235, %swap3A_236] {strides = array<i32>} : memref<2x128xi32, #tpu.memory_space<vmem>>, vector<1x16xi32>,
    %swap3A_238 = vector.shape_cast %swap3A_237 : vector<1x16xi32> to vector<16xi32>
    %swap3A_239 = vector.shape_cast %and3A_233 : vector<16xi32> to vector<1x16xi32>
    tpu.vector_store %arg7[%swap3A_235, %swap3A_236], %swap3A_239 {strides = array<i32>} : memref<2x128xi32, #tpu.memory_space<vmem>>, vector<1x16xi32>,
    %shift_right_logical3A_240 = arith.constant 14 : i32
    %shift_right_logical3A_241 = vector.broadcast %shift_right_logical3A_240 : i32 to vector<16xi32>
    %shift_right_logical3A_242 = arith.shrui %get3A_230, %shift_right_logical3A_241 : vector<16xi32>
    %swap3A_243 = arith.constant 1 : i32
    %swap3A_244 = arith.index_cast %swap3A_243 : i32 to index
    %swap3A_245 = arith.constant 16 : index
    %swap3A_246 = tpu.vector_load %arg8[%swap3A_244, %swap3A_245] {strides = array<i32>} : memref<2x128xi32, #tpu.memory_space<vmem>>, vector<1x16xi32>,
    %swap3A_247 = vector.shape_cast %swap3A_246 : vector<1x16xi32> to vector<16xi32>
    %swap3A_248 = vector.shape_cast %shift_right_logical3A_242 : vector<16xi32> to vector<1x16xi32>
    tpu.vector_store %arg8[%swap3A_244, %swap3A_245], %swap3A_248 {strides = array<i32>} : memref<2x128xi32, #tpu.memory_space<vmem>>, vector<1x16xi32>,
    %get3A_249 = arith.constant 157 : i32
    %get3A_250 = arith.index_cast %get3A_249 : i32 to index
    %get3A_251 = arith.constant 32 : index
    %get3A_252 = tpu.vector_load %arg6[%get3A_250, %get3A_251] {strides = array<i32>} : memref<158x128xi32, #tpu.memory_space<vmem>>, vector<1x16xi32>,
    %get3A_253 = vector.shape_cast %get3A_252 : vector<1x16xi32> to vector<16xi32>
    %and3A_254 = arith.constant 16383 : i32
    %and3A_255 = vector.broadcast %and3A_254 : i32 to vector<16xi32>
    %and3A_256 = arith.andi %get3A_253, %and3A_255 : vector<16xi32>
    %swap3A_257 = arith.constant 1 : i32
    %swap3A_258 = arith.index_cast %swap3A_257 : i32 to index
    %swap3A_259 = arith.constant 32 : index
    %swap3A_260 = tpu.vector_load %arg7[%swap3A_258, %swap3A_259] {strides = array<i32>} : memref<2x128xi32, #tpu.memory_space<vmem>>, vector<1x16xi32>,
    %swap3A_261 = vector.shape_cast %swap3A_260 : vector<1x16xi32> to vector<16xi32>
    %swap3A_262 = vector.shape_cast %and3A_256 : vector<16xi32> to vector<1x16xi32>
    tpu.vector_store %arg7[%swap3A_258, %swap3A_259], %swap3A_262 {strides = array<i32>} : memref<2x128xi32, #tpu.memory_space<vmem>>, vector<1x16xi32>,
    %shift_right_logical3A_263 = arith.constant 14 : i32
    %shift_right_logical3A_264 = vector.broadcast %shift_right_logical3A_263 : i32 to vector<16xi32>
    %shift_right_logical3A_265 = arith.shrui %get3A_253, %shift_right_logical3A_264 : vector<16xi32>
    %swap3A_266 = arith.constant 1 : i32
    %swap3A_267 = arith.index_cast %swap3A_266 : i32 to index
    %swap3A_268 = arith.constant 32 : index
    %swap3A_269 = tpu.vector_load %arg8[%swap3A_267, %swap3A_268] {strides = array<i32>} : memref<2x128xi32, #tpu.memory_space<vmem>>, vector<1x16xi32>,
    %swap3A_270 = vector.shape_cast %swap3A_269 : vector<1x16xi32> to vector<16xi32>
    %swap3A_271 = vector.shape_cast %shift_right_logical3A_265 : vector<16xi32> to vector<1x16xi32>
    tpu.vector_store %arg8[%swap3A_267, %swap3A_268], %swap3A_271 {strides = array<i32>} : memref<2x128xi32, #tpu.memory_space<vmem>>, vector<1x16xi32>,
    %get3A_272 = arith.constant 157 : i32
    %get3A_273 = arith.index_cast %get3A_272 : i32 to index
    %get3A_274 = arith.constant 48 : index
    %get3A_275 = tpu.vector_load %arg6[%get3A_273, %get3A_274] {strides = array<i32>} : memref<158x128xi32, #tpu.memory_space<vmem>>, vector<1x16xi32>,
    %get3A_276 = vector.shape_cast %get3A_275 : vector<1x16xi32> to vector<16xi32>
    %and3A_277 = arith.constant 16383 : i32
    %and3A_278 = vector.broadcast %and3A_277 : i32 to vector<16xi32>
    %and3A_279 = arith.andi %get3A_276, %and3A_278 : vector<16xi32>
    %swap3A_280 = arith.constant 1 : i32
    %swap3A_281 = arith.index_cast %swap3A_280 : i32 to index
    %swap3A_282 = arith.constant 48 : index
    %swap3A_283 = tpu.vector_load %arg7[%swap3A_281, %swap3A_282] {strides = array<i32>} : memref<2x128xi32, #tpu.memory_space<vmem>>, vector<1x16xi32>,
    %swap3A_284 = vector.shape_cast %swap3A_283 : vector<1x16xi32> to vector<16xi32>
    %swap3A_285 = vector.shape_cast %and3A_279 : vector<16xi32> to vector<1x16xi32>
    tpu.vector_store %arg7[%swap3A_281, %swap3A_282], %swap3A_285 {strides = array<i32>} : memref<2x128xi32, #tpu.memory_space<vmem>>, vector<1x16xi32>,
    %shift_right_logical3A_286 = arith.constant 14 : i32
    %shift_right_logical3A_287 = vector.broadcast %shift_right_logical3A_286 : i32 to vector<16xi32>
    %shift_right_logical3A_288 = arith.shrui %get3A_276, %shift_right_logical3A_287 : vector<16xi32>
    %swap3A_289 = arith.constant 1 : i32
    %swap3A_290 = arith.index_cast %swap3A_289 : i32 to index
    %swap3A_291 = arith.constant 48 : index
    %swap3A_292 = tpu.vector_load %arg8[%swap3A_290, %swap3A_291] {strides = array<i32>} : memref<2x128xi32, #tpu.memory_space<vmem>>, vector<1x16xi32>,
    %swap3A_293 = vector.shape_cast %swap3A_292 : vector<1x16xi32> to vector<16xi32>
    %swap3A_294 = vector.shape_cast %shift_right_logical3A_288 : vector<16xi32> to vector<1x16xi32>
    tpu.vector_store %arg8[%swap3A_290, %swap3A_291], %swap3A_294 {strides = array<i32>} : memref<2x128xi32, #tpu.memory_space<vmem>>, vector<1x16xi32>,
    %get3A_295 = arith.constant 157 : i32
    %get3A_296 = arith.index_cast %get3A_295 : i32 to index
    %get3A_297 = arith.constant 64 : index
    %get3A_298 = tpu.vector_load %arg6[%get3A_296, %get3A_297] {strides = array<i32>} : memref<158x128xi32, #tpu.memory_space<vmem>>, vector<1x16xi32>,
    %get3A_299 = vector.shape_cast %get3A_298 : vector<1x16xi32> to vector<16xi32>
    %and3A_300 = arith.constant 16383 : i32
    %and3A_301 = vector.broadcast %and3A_300 : i32 to vector<16xi32>
    %and3A_302 = arith.andi %get3A_299, %and3A_301 : vector<16xi32>
    %swap3A_303 = arith.constant 1 : i32
    %swap3A_304 = arith.index_cast %swap3A_303 : i32 to index
    %swap3A_305 = arith.constant 64 : index
    %swap3A_306 = tpu.vector_load %arg7[%swap3A_304, %swap3A_305] {strides = array<i32>} : memref<2x128xi32, #tpu.memory_space<vmem>>, vector<1x16xi32>,
    %swap3A_307 = vector.shape_cast %swap3A_306 : vector<1x16xi32> to vector<16xi32>
    %swap3A_308 = vector.shape_cast %and3A_302 : vector<16xi32> to vector<1x16xi32>
    tpu.vector_store %arg7[%swap3A_304, %swap3A_305], %swap3A_308 {strides = array<i32>} : memref<2x128xi32, #tpu.memory_space<vmem>>, vector<1x16xi32>,
    %shift_right_logical3A_309 = arith.constant 14 : i32
    %shift_right_logical3A_310 = vector.broadcast %shift_right_logical3A_309 : i32 to vector<16xi32>
    %shift_right_logical3A_311 = arith.shrui %get3A_299, %shift_right_logical3A_310 : vector<16xi32>
    %swap3A_312 = arith.constant 1 : i32
    %swap3A_313 = arith.index_cast %swap3A_312 : i32 to index
    %swap3A_314 = arith.constant 64 : index
    %swap3A_315 = tpu.vector_load %arg8[%swap3A_313, %swap3A_314] {strides = array<i32>} : memref<2x128xi32, #tpu.memory_space<vmem>>, vector<1x16xi32>,
    %swap3A_316 = vector.shape_cast %swap3A_315 : vector<1x16xi32> to vector<16xi32>
    %swap3A_317 = vector.shape_cast %shift_right_logical3A_311 : vector<16xi32> to vector<1x16xi32>
    tpu.vector_store %arg8[%swap3A_313, %swap3A_314], %swap3A_317 {strides = array<i32>} : memref<2x128xi32, #tpu.memory_space<vmem>>, vector<1x16xi32>,
    %get3A_318 = arith.constant 157 : i32
    %get3A_319 = arith.index_cast %get3A_318 : i32 to index
    %get3A_320 = arith.constant 80 : index
    %get3A_321 = tpu.vector_load %arg6[%get3A_319, %get3A_320] {strides = array<i32>} : memref<158x128xi32, #tpu.memory_space<vmem>>, vector<1x16xi32>,
    %get3A_322 = vector.shape_cast %get3A_321 : vector<1x16xi32> to vector<16xi32>
    %and3A_323 = arith.constant 16383 : i32
    %and3A_324 = vector.broadcast %and3A_323 : i32 to vector<16xi32>
    %and3A_325 = arith.andi %get3A_322, %and3A_324 : vector<16xi32>
    %swap3A_326 = arith.constant 1 : i32
    %swap3A_327 = arith.index_cast %swap3A_326 : i32 to index
    %swap3A_328 = arith.constant 80 : index
    %swap3A_329 = tpu.vector_load %arg7[%swap3A_327, %swap3A_328] {strides = array<i32>} : memref<2x128xi32, #tpu.memory_space<vmem>>, vector<1x16xi32>,
    %swap3A_330 = vector.shape_cast %swap3A_329 : vector<1x16xi32> to vector<16xi32>
    %swap3A_331 = vector.shape_cast %and3A_325 : vector<16xi32> to vector<1x16xi32>
    tpu.vector_store %arg7[%swap3A_327, %swap3A_328], %swap3A_331 {strides = array<i32>} : memref<2x128xi32, #tpu.memory_space<vmem>>, vector<1x16xi32>,
    %shift_right_logical3A_332 = arith.constant 14 : i32
    %shift_right_logical3A_333 = vector.broadcast %shift_right_logical3A_332 : i32 to vector<16xi32>
    %shift_right_logical3A_334 = arith.shrui %get3A_322, %shift_right_logical3A_333 : vector<16xi32>
    %swap3A_335 = arith.constant 1 : i32
    %swap3A_336 = arith.index_cast %swap3A_335 : i32 to index
    %swap3A_337 = arith.constant 80 : index
    %swap3A_338 = tpu.vector_load %arg8[%swap3A_336, %swap3A_337] {strides = array<i32>} : memref<2x128xi32, #tpu.memory_space<vmem>>, vector<1x16xi32>,
    %swap3A_339 = vector.shape_cast %swap3A_338 : vector<1x16xi32> to vector<16xi32>
    %swap3A_340 = vector.shape_cast %shift_right_logical3A_334 : vector<16xi32> to vector<1x16xi32>
    tpu.vector_store %arg8[%swap3A_336, %swap3A_337], %swap3A_340 {strides = array<i32>} : memref<2x128xi32, #tpu.memory_space<vmem>>, vector<1x16xi32>,
    %get3A_341 = arith.constant 157 : i32
    %get3A_342 = arith.index_cast %get3A_341 : i32 to index
    %get3A_343 = arith.constant 96 : index
    %get3A_344 = tpu.vector_load %arg6[%get3A_342, %get3A_343] {strides = array<i32>} : memref<158x128xi32, #tpu.memory_space<vmem>>, vector<1x16xi32>,
    %get3A_345 = vector.shape_cast %get3A_344 : vector<1x16xi32> to vector<16xi32>
    %and3A_346 = arith.constant 16383 : i32
    %and3A_347 = vector.broadcast %and3A_346 : i32 to vector<16xi32>
    %and3A_348 = arith.andi %get3A_345, %and3A_347 : vector<16xi32>
    %swap3A_349 = arith.constant 1 : i32
    %swap3A_350 = arith.index_cast %swap3A_349 : i32 to index
    %swap3A_351 = arith.constant 96 : index
    %swap3A_352 = tpu.vector_load %arg7[%swap3A_350, %swap3A_351] {strides = array<i32>} : memref<2x128xi32, #tpu.memory_space<vmem>>, vector<1x16xi32>,
    %swap3A_353 = vector.shape_cast %swap3A_352 : vector<1x16xi32> to vector<16xi32>
    %swap3A_354 = vector.shape_cast %and3A_348 : vector<16xi32> to vector<1x16xi32>
    tpu.vector_store %arg7[%swap3A_350, %swap3A_351], %swap3A_354 {strides = array<i32>} : memref<2x128xi32, #tpu.memory_space<vmem>>, vector<1x16xi32>,
    %shift_right_logical3A_355 = arith.constant 14 : i32
    %shift_right_logical3A_356 = vector.broadcast %shift_right_logical3A_355 : i32 to vector<16xi32>
    %shift_right_logical3A_357 = arith.shrui %get3A_345, %shift_right_logical3A_356 : vector<16xi32>
    %swap3A_358 = arith.constant 1 : i32
    %swap3A_359 = arith.index_cast %swap3A_358 : i32 to index
    %swap3A_360 = arith.constant 96 : index
    %swap3A_361 = tpu.vector_load %arg8[%swap3A_359, %swap3A_360] {strides = array<i32>} : memref<2x128xi32, #tpu.memory_space<vmem>>, vector<1x16xi32>,
    %swap3A_362 = vector.shape_cast %swap3A_361 : vector<1x16xi32> to vector<16xi32>
    %swap3A_363 = vector.shape_cast %shift_right_logical3A_357 : vector<16xi32> to vector<1x16xi32>
    tpu.vector_store %arg8[%swap3A_359, %swap3A_360], %swap3A_363 {strides = array<i32>} : memref<2x128xi32, #tpu.memory_space<vmem>>, vector<1x16xi32>,
    %get3A_364 = arith.constant 157 : i32
    %get3A_365 = arith.index_cast %get3A_364 : i32 to index
    %get3A_366 = arith.constant 112 : index
    %get3A_367 = tpu.vector_load %arg6[%get3A_365, %get3A_366] {strides = array<i32>} : memref<158x128xi32, #tpu.memory_space<vmem>>, vector<1x16xi32>,
    %get3A_368 = vector.shape_cast %get3A_367 : vector<1x16xi32> to vector<16xi32>
    %and3A_369 = arith.constant 16383 : i32
    %and3A_370 = vector.broadcast %and3A_369 : i32 to vector<16xi32>
    %and3A_371 = arith.andi %get3A_368, %and3A_370 : vector<16xi32>
    %swap3A_372 = arith.constant 1 : i32
    %swap3A_373 = arith.index_cast %swap3A_372 : i32 to index
    %swap3A_374 = arith.constant 112 : index
    %swap3A_375 = tpu.vector_load %arg7[%swap3A_373, %swap3A_374] {strides = array<i32>} : memref<2x128xi32, #tpu.memory_space<vmem>>, vector<1x16xi32>,
    %swap3A_376 = vector.shape_cast %swap3A_375 : vector<1x16xi32> to vector<16xi32>
    %swap3A_377 = vector.shape_cast %and3A_371 : vector<16xi32> to vector<1x16xi32>
    tpu.vector_store %arg7[%swap3A_373, %swap3A_374], %swap3A_377 {strides = array<i32>} : memref<2x128xi32, #tpu.memory_space<vmem>>, vector<1x16xi32>,
    %shift_right_logical3A_378 = arith.constant 14 : i32
    %shift_right_logical3A_379 = vector.broadcast %shift_right_logical3A_378 : i32 to vector<16xi32>
    %shift_right_logical3A_380 = arith.shrui %get3A_368, %shift_right_logical3A_379 : vector<16xi32>
    %swap3A_381 = arith.constant 1 : i32
    %swap3A_382 = arith.index_cast %swap3A_381 : i32 to index
    %swap3A_383 = arith.constant 112 : index
    %swap3A_384 = tpu.vector_load %arg8[%swap3A_382, %swap3A_383] {strides = array<i32>} : memref<2x128xi32, #tpu.memory_space<vmem>>, vector<1x16xi32>,
    %swap3A_385 = vector.shape_cast %swap3A_384 : vector<1x16xi32> to vector<16xi32>
    %swap3A_386 = vector.shape_cast %shift_right_logical3A_380 : vector<16xi32> to vector<1x16xi32>
    tpu.vector_store %arg8[%swap3A_382, %swap3A_383], %swap3A_386 {strides = array<i32>} : memref<2x128xi32, #tpu.memory_space<vmem>>, vector<1x16xi32>,
    %dma_start3A_387 = arith.constant 1 : i32
    %dma_start3A_388 = arith.constant 0 : i32
    %dma_start3A_389 = tpu.memref_slice %arg7[%dma_start3A_387, %dma_start3A_388] : memref<2x128xi32, #tpu.memory_space<vmem>> -> memref<1x128xi32, #tpu.memory_space<vmem>>
    %dma_start3A_390 = tpu.memref_squeeze %dma_start3A_389 : memref<1x128xi32, #tpu.memory_space<vmem>> -> memref<128xi32, #tpu.memory_space<vmem>>
    %dma_start3A_391 = arith.constant 0 : i32
    %dma_start3A_392 = arith.constant 0 : i32
    %dma_start3A_393 = tpu.memref_slice %arg2[%arg0, %dma_start3A_391, %dma_start3A_392] : memref<2x10000x64xf32, #tpu.memory_space<hbm>> -> memref<1x10000x64xf32, #tpu.memory_space<hbm>>
    %dma_start3A_394 = tpu.memref_squeeze %dma_start3A_393 : memref<1x10000x64xf32, #tpu.memory_space<hbm>> -> memref<10000x64xf32, #tpu.memory_space<hbm>>
    %dma_start3A_395 = arith.constant 0 : i32
    %dma_start3A_396 = arith.constant 0 : i32
    %dma_start3A_397 = tpu.memref_slice %dma_start3A_394[%dma_start3A_395, %dma_start3A_396] : memref<10000x64xf32, #tpu.memory_space<hbm>> -> memref<10000x64xf32, #tpu.memory_space<hbm>>
    tpu.enqueue_indirect_dma source(%dma_start3A_397 : memref<10000x64xf32, #tpu.memory_space<hbm>>) target(%arg10 : memref<128x64xf32, #tpu.memory_space<vmem>>) offsets(%dma_start3A_390 : memref<128xi32, #tpu.memory_space<vmem>>) semaphore(%arg17 : memref<!tpu.dma_semaphore, #tpu.memory_space<semaphore_mem>>)
    %dma_wait3A = arith.constant 0 : i32
    %dma_wait3A_398 = arith.constant 0 : i32
    %dma_wait3A_399 = tpu.memref_slice %arg7[%dma_wait3A, %dma_wait3A_398] : memref<2x128xi32, #tpu.memory_space<vmem>> -> memref<1x128xi32, #tpu.memory_space<vmem>>
    %dma_wait3A_400 = tpu.memref_squeeze %dma_wait3A_399 : memref<1x128xi32, #tpu.memory_space<vmem>> -> memref<128xi32, #tpu.memory_space<vmem>>
    %dma_wait3A_401 = arith.constant 0 : i32
    %dma_wait3A_402 = arith.constant 0 : i32
    %dma_wait3A_403 = tpu.memref_slice %arg2[%arg0, %dma_wait3A_401, %dma_wait3A_402] : memref<2x10000x64xf32, #tpu.memory_space<hbm>> -> memref<1x10000x64xf32, #tpu.memory_space<hbm>>
    %dma_wait3A_404 = tpu.memref_squeeze %dma_wait3A_403 : memref<1x10000x64xf32, #tpu.memory_space<hbm>> -> memref<10000x64xf32, #tpu.memory_space<hbm>>
    %dma_wait3A_405 = arith.constant 0 : i32
    %dma_wait3A_406 = arith.constant 0 : i32
    %dma_wait3A_407 = tpu.memref_slice %dma_wait3A_404[%dma_wait3A_405, %dma_wait3A_406] : memref<10000x64xf32, #tpu.memory_space<hbm>> -> memref<10000x64xf32, #tpu.memory_space<hbm>>
    tpu.wait_indirect_dma semaphore(%arg16 : memref<!tpu.dma_semaphore, #tpu.memory_space<semaphore_mem>>) src(%dma_wait3A_407 : memref<10000x64xf32, #tpu.memory_space<hbm>>) dst(%arg9 : memref<128x64xf32, #tpu.memory_space<vmem>>)
    %run_scoped3A = arith.constant 0 : i32
    "tpu.region"() ({
      %run_scoped3A_421 = tpu.sem_alloc : memref<!tpu.dma_semaphore, #tpu.memory_space<semaphore_mem>>
      %dma_start3A_422 = arith.constant 0 : i32
      %dma_start3A_423 = tpu.memref_slice %arg8[%run_scoped3A, %dma_start3A_422] : memref<2x128xi32, #tpu.memory_space<vmem>> -> memref<1x128xi32, #tpu.memory_space<vmem>>
      %dma_start3A_424 = tpu.memref_squeeze %dma_start3A_423 : memref<1x128xi32, #tpu.memory_space<vmem>> -> memref<128xi32, #tpu.memory_space<vmem>>
      %dma_start3A_425 = arith.constant 0 : i32
      %dma_start3A_426 = arith.constant 0 : i32
      %dma_start3A_427 = tpu.memref_slice %arg14[%dma_start3A_425, %dma_start3A_426] : memref<10112x64xf32, #tpu.memory_space<vmem_shared>> -> memref<10112x64xf32, #tpu.memory_space<vmem_shared>>
      tpu.enqueue_indirect_dma source(%arg9 : memref<128x64xf32, #tpu.memory_space<vmem>>) target(%dma_start3A_427 : memref<10112x64xf32, #tpu.memory_space<vmem_shared>>) offsets(%dma_start3A_424 : memref<128xi32, #tpu.memory_space<vmem>>) semaphore(%run_scoped3A_421 : memref<!tpu.dma_semaphore, #tpu.memory_space<semaphore_mem>>) {add = true}
      %dma_wait3A_428 = arith.constant 0 : i32
      %dma_wait3A_429 = tpu.memref_slice %arg8[%run_scoped3A, %dma_wait3A_428] : memref<2x128xi32, #tpu.memory_space<vmem>> -> memref<1x128xi32, #tpu.memory_space<vmem>>
      %dma_wait3A_430 = tpu.memref_squeeze %dma_wait3A_429 : memref<1x128xi32, #tpu.memory_space<vmem>> -> memref<128xi32, #tpu.memory_space<vmem>>
      %dma_wait3A_431 = arith.constant 0 : i32
      %dma_wait3A_432 = arith.constant 0 : i32
      %dma_wait3A_433 = tpu.memref_slice %arg14[%dma_wait3A_431, %dma_wait3A_432] : memref<10112x64xf32, #tpu.memory_space<vmem_shared>> -> memref<10112x64xf32, #tpu.memory_space<vmem_shared>>
      tpu.wait_indirect_dma semaphore(%run_scoped3A_421 : memref<!tpu.dma_semaphore, #tpu.memory_space<semaphore_mem>>) src(%arg9 : memref<128x64xf32, #tpu.memory_space<vmem>>) dst(%dma_wait3A_433 : memref<10112x64xf32, #tpu.memory_space<vmem_shared>>)
      tpu.yield
    }) : () -> ()
    %dma_wait3A_408 = arith.constant 1 : i32
    %dma_wait3A_409 = arith.constant 0 : i32
    %dma_wait3A_410 = tpu.memref_slice %arg7[%dma_wait3A_408, %dma_wait3A_409] : memref<2x128xi32, #tpu.memory_space<vmem>> -> memref<1x128xi32, #tpu.memory_space<vmem>>
    %dma_wait3A_411 = tpu.memref_squeeze %dma_wait3A_410 : memref<1x128xi32, #tpu.memory_space<vmem>> -> memref<128xi32, #tpu.memory_space<vmem>>
    %dma_wait3A_412 = arith.constant 0 : i32
    %dma_wait3A_413 = arith.constant 0 : i32
    %dma_wait3A_414 = tpu.memref_slice %arg2[%arg0, %dma_wait3A_412, %dma_wait3A_413] : memref<2x10000x64xf32, #tpu.memory_space<hbm>> -> memref<1x10000x64xf32, #tpu.memory_space<hbm>>
    %dma_wait3A_415 = tpu.memref_squeeze %dma_wait3A_414 : memref<1x10000x64xf32, #tpu.memory_space<hbm>> -> memref<10000x64xf32, #tpu.memory_space<hbm>>
    %dma_wait3A_416 = arith.constant 0 : i32
    %dma_wait3A_417 = arith.constant 0 : i32
    %dma_wait3A_418 = tpu.memref_slice %dma_wait3A_415[%dma_wait3A_416, %dma_wait3A_417] : memref<10000x64xf32, #tpu.memory_space<hbm>> -> memref<10000x64xf32, #tpu.memory_space<hbm>>
    tpu.wait_indirect_dma semaphore(%arg17 : memref<!tpu.dma_semaphore, #tpu.memory_space<semaphore_mem>>) src(%dma_wait3A_418 : memref<10000x64xf32, #tpu.memory_space<hbm>>) dst(%arg10 : memref<128x64xf32, #tpu.memory_space<vmem>>)
    %run_scoped3A_419 = arith.constant 1 : i32
    "tpu.region"() ({
      %run_scoped3A_421 = tpu.sem_alloc : memref<!tpu.dma_semaphore, #tpu.memory_space<semaphore_mem>>
      %dma_start3A_422 = arith.constant 0 : i32
      %dma_start3A_423 = tpu.memref_slice %arg8[%run_scoped3A_419, %dma_start3A_422] : memref<2x128xi32, #tpu.memory_space<vmem>> -> memref<1x128xi32, #tpu.memory_space<vmem>>
      %dma_start3A_424 = tpu.memref_squeeze %dma_start3A_423 : memref<1x128xi32, #tpu.memory_space<vmem>> -> memref<128xi32, #tpu.memory_space<vmem>>
      %dma_start3A_425 = arith.constant 0 : i32
      %dma_start3A_426 = arith.constant 0 : i32
      %dma_start3A_427 = tpu.memref_slice %arg14[%dma_start3A_425, %dma_start3A_426] : memref<10112x64xf32, #tpu.memory_space<vmem_shared>> -> memref<10112x64xf32, #tpu.memory_space<vmem_shared>>
      tpu.enqueue_indirect_dma source(%arg10 : memref<128x64xf32, #tpu.memory_space<vmem>>) target(%dma_start3A_427 : memref<10112x64xf32, #tpu.memory_space<vmem_shared>>) offsets(%dma_start3A_424 : memref<128xi32, #tpu.memory_space<vmem>>) semaphore(%run_scoped3A_421 : memref<!tpu.dma_semaphore, #tpu.memory_space<semaphore_mem>>) {add = true}
      %dma_wait3A_428 = arith.constant 0 : i32
      %dma_wait3A_429 = tpu.memref_slice %arg8[%run_scoped3A_419, %dma_wait3A_428] : memref<2x128xi32, #tpu.memory_space<vmem>> -> memref<1x128xi32, #tpu.memory_space<vmem>>
      %dma_wait3A_430 = tpu.memref_squeeze %dma_wait3A_429 : memref<1x128xi32, #tpu.memory_space<vmem>> -> memref<128xi32, #tpu.memory_space<vmem>>
      %dma_wait3A_431 = arith.constant 0 : i32
      %dma_wait3A_432 = arith.constant 0 : i32
      %dma_wait3A_433 = tpu.memref_slice %arg14[%dma_wait3A_431, %dma_wait3A_432] : memref<10112x64xf32, #tpu.memory_space<vmem_shared>> -> memref<10112x64xf32, #tpu.memory_space<vmem_shared>>
      tpu.wait_indirect_dma semaphore(%run_scoped3A_421 : memref<!tpu.dma_semaphore, #tpu.memory_space<semaphore_mem>>) src(%arg10 : memref<128x64xf32, #tpu.memory_space<vmem>>) dst(%dma_wait3A_433 : memref<10112x64xf32, #tpu.memory_space<vmem_shared>>)
      tpu.yield
    }) : () -> ()
    %barrier3A_420 = arith.constant 0 : index
    tpu.barrier barrier_id(%barrier3A_420)
    "tpu.region"() ({
      %run_scoped3A_421 = tpu.sem_alloc : memref<!tpu.dma_semaphore, #tpu.memory_space<semaphore_mem>>
      %dma_start3A_422 = arith.constant 0 : i32
      %dma_start3A_423 = tpu.memref_slice %arg14[%mul3A_0, %dma_start3A_422] : memref<10112x64xf32, #tpu.memory_space<vmem_shared>> -> memref<632x64xf32, #tpu.memory_space<vmem_shared>>
      %dma_start3A_424 = arith.constant 0 : i32
      %dma_start3A_425 = tpu.memref_slice %arg14[%mul3A_0, %dma_start3A_424] : memref<10112x64xf32, #tpu.memory_space<vmem_shared>> -> memref<632x64xf32, #tpu.memory_space<vmem_shared>>
      tpu.enqueue_dma source(%dma_start3A_425 : memref<632x64xf32, #tpu.memory_space<vmem_shared>>) target(%arg12 : memref<632x64xf32, #tpu.memory_space<vmem>>) target_semaphore(%run_scoped3A_421 : memref<!tpu.dma_semaphore, #tpu.memory_space<semaphore_mem>>)
      %dma_wait3A_426 = arith.constant 0 : i32
      %dma_wait3A_427 = tpu.memref_slice %arg14[%mul3A_0, %dma_wait3A_426] : memref<10112x64xf32, #tpu.memory_space<vmem_shared>> -> memref<632x64xf32, #tpu.memory_space<vmem_shared>>
      %dma_wait3A_428 = arith.constant 0 : i32
      %dma_wait3A_429 = tpu.memref_slice %arg14[%mul3A_0, %dma_wait3A_428] : memref<10112x64xf32, #tpu.memory_space<vmem_shared>> -> memref<632x64xf32, #tpu.memory_space<vmem_shared>>
      tpu.wait_dma2 semaphore(%run_scoped3A_421 : memref<!tpu.dma_semaphore, #tpu.memory_space<semaphore_mem>>) src(%dma_wait3A_429 : memref<632x64xf32, #tpu.memory_space<vmem_shared>>) dst(%arg12 : memref<632x64xf32, #tpu.memory_space<vmem>>)
      tpu.yield
    }) : () -> ()
    "tpu.region"() ({
      %run_scoped3A_421 = tpu.sem_alloc : memref<!tpu.dma_semaphore, #tpu.memory_space<semaphore_mem>>
      %dma_start3A_422 = arith.constant 0 : i32
      %dma_start3A_423 = arith.constant 0 : i32
      %dma_start3A_424 = tpu.memref_slice %arg4[%arg0, %dma_start3A_422, %dma_start3A_423] : memref<2x10112x64xf32, #tpu.memory_space<hbm>> -> memref<1x10112x64xf32, #tpu.memory_space<hbm>>
      %dma_start3A_425 = tpu.memref_squeeze %dma_start3A_424 : memref<1x10112x64xf32, #tpu.memory_space<hbm>> -> memref<10112x64xf32, #tpu.memory_space<hbm>>
      %dma_start3A_426 = arith.constant 0 : i32
      %dma_start3A_427 = tpu.memref_slice %dma_start3A_425[%mul3A_0, %dma_start3A_426] : memref<10112x64xf32, #tpu.memory_space<hbm>> -> memref<632x64xf32, #tpu.memory_space<hbm>>
      %dma_start3A_428 = arith.constant 0 : i32
      %dma_start3A_429 = arith.constant 0 : i32
      %dma_start3A_430 = tpu.memref_slice %arg4[%arg0, %dma_start3A_428, %dma_start3A_429] : memref<2x10112x64xf32, #tpu.memory_space<hbm>> -> memref<1x10112x64xf32, #tpu.memory_space<hbm>>
      %dma_start3A_431 = tpu.memref_squeeze %dma_start3A_430 : memref<1x10112x64xf32, #tpu.memory_space<hbm>> -> memref<10112x64xf32, #tpu.memory_space<hbm>>
      %dma_start3A_432 = arith.constant 0 : i32
      %dma_start3A_433 = tpu.memref_slice %dma_start3A_431[%mul3A_0, %dma_start3A_432] : memref<10112x64xf32, #tpu.memory_space<hbm>> -> memref<632x64xf32, #tpu.memory_space<hbm>>
      tpu.enqueue_dma source(%arg12 : memref<632x64xf32, #tpu.memory_space<vmem>>) target(%dma_start3A_433 : memref<632x64xf32, #tpu.memory_space<hbm>>) target_semaphore(%run_scoped3A_421 : memref<!tpu.dma_semaphore, #tpu.memory_space<semaphore_mem>>)
      %dma_wait3A_434 = arith.constant 0 : i32
      %dma_wait3A_435 = arith.constant 0 : i32
      %dma_wait3A_436 = tpu.memref_slice %arg4[%arg0, %dma_wait3A_434, %dma_wait3A_435] : memref<2x10112x64xf32, #tpu.memory_space<hbm>> -> memref<1x10112x64xf32, #tpu.memory_space<hbm>>
      %dma_wait3A_437 = tpu.memref_squeeze %dma_wait3A_436 : memref<1x10112x64xf32, #tpu.memory_space<hbm>> -> memref<10112x64xf32, #tpu.memory_space<hbm>>
      %dma_wait3A_438 = arith.constant 0 : i32
      %dma_wait3A_439 = tpu.memref_slice %dma_wait3A_437[%mul3A_0, %dma_wait3A_438] : memref<10112x64xf32, #tpu.memory_space<hbm>> -> memref<632x64xf32, #tpu.memory_space<hbm>>
      %dma_wait3A_440 = arith.constant 0 : i32
      %dma_wait3A_441 = arith.constant 0 : i32
      %dma_wait3A_442 = tpu.memref_slice %arg4[%arg0, %dma_wait3A_440, %dma_wait3A_441] : memref<2x10112x64xf32, #tpu.memory_space<hbm>> -> memref<1x10112x64xf32, #tpu.memory_space<hbm>>
      %dma_wait3A_443 = tpu.memref_squeeze %dma_wait3A_442 : memref<1x10112x64xf32, #tpu.memory_space<hbm>> -> memref<10112x64xf32, #tpu.memory_space<hbm>>
      %dma_wait3A_444 = arith.constant 0 : i32
      %dma_wait3A_445 = tpu.memref_slice %dma_wait3A_443[%mul3A_0, %dma_wait3A_444] : memref<10112x64xf32, #tpu.memory_space<hbm>> -> memref<632x64xf32, #tpu.memory_space<hbm>>
      tpu.wait_dma2 semaphore(%run_scoped3A_421 : memref<!tpu.dma_semaphore, #tpu.memory_space<semaphore_mem>>) src(%arg12 : memref<632x64xf32, #tpu.memory_space<vmem>>) dst(%dma_wait3A_445 : memref<632x64xf32, #tpu.memory_space<hbm>>)
      tpu.yield
    }) : () -> ()
    return
  }
}

#map = affine_map<(d0, d1) -> (0, 0, 0)>
#map1 = affine_map<(d0, d1) -> (0, 0)>
module attributes {stable_mosaic.version = 14 : i64} {
  func.func @_sc_agg_body(%arg0: i32, %arg1: i32, %arg2: memref<2x10000x64xf32, #tpu.memory_space<hbm>>, %arg3: memref<16x158x128xi32, #tpu.memory_space<hbm>>, %arg4: memref<2x10112x64xf32, #tpu.memory_space<hbm>>, %arg5: memref<2x10112xf32, #tpu.memory_space<hbm>>, %arg6: memref<158x128xi32, #tpu.memory_space<vmem>>, %arg7: memref<2x128xi32, #tpu.memory_space<vmem>>, %arg8: memref<2x128xi32, #tpu.memory_space<vmem>>, %arg9: memref<128x64xf32, #tpu.memory_space<vmem>>, %arg10: memref<128x64xf32, #tpu.memory_space<vmem>>, %arg11: memref<128xf32, #tpu.memory_space<vmem>>, %arg12: memref<632x64xf32, #tpu.memory_space<vmem>>, %arg13: memref<632xf32, #tpu.memory_space<vmem>>, %arg14: memref<10112x64xf32, #tpu.memory_space<vmem_shared>>, %arg15: memref<10112xf32, #tpu.memory_space<vmem_shared>>, %arg16: memref<!tpu.dma_semaphore, #tpu.memory_space<semaphore_mem>>, %arg17: memref<!tpu.dma_semaphore, #tpu.memory_space<semaphore_mem>>) attributes {dimension_semantics = [#tpu.dimension_semantics<core_parallel>, #tpu.dimension_semantics<subcore_parallel>], iteration_bounds = array<i64: 2, 16>, scalar_prefetch = 0 : i64, scratch_operands = 12 : i64, tpu.core_type = #tpu.core_type<sc_vector_subcore>, window_params = [{transform_indices = #map}, {transform_indices = #map}, {transform_indices = #map}, {transform_indices = #map1}]} {
    %mul3A = arith.constant 632 : i32
    %mul3A_0 = arith.muli %arg1, %mul3A : i32
    %broadcast_in_dim3A = arith.constant 0.000000e+00 : f32
    %broadcast_in_dim3A_1 = vector.broadcast %broadcast_in_dim3A : f32 to vector<16xf32>
    %broadcast_in_dim3A_2 = arith.constant 1.000000e+00 : f32
    %broadcast_in_dim3A_3 = vector.broadcast %broadcast_in_dim3A_2 : f32 to vector<16xf32>
    %scan3A = arith.constant 0 : i32
    %scan3A_4 = arith.constant 632 : i32
    %scan3A_5 = arith.addi %scan3A, %scan3A_4 : i32
    %scan3A_6 = arith.constant 1 : i32
    scf.for %scan3A_460 = %scan3A to %scan3A_5 step %scan3A_6  : i32 {
      %mul3A_461 = arith.constant 1 : i32
      %mul3A_462 = arith.muli %scan3A_460, %mul3A_461 : i32
      %add3A = arith.constant 0 : i32
      %add3A_463 = arith.addi %add3A, %mul3A_462 : i32
      %swap3A_464 = arith.index_cast %add3A_463 : i32 to index
      %swap3A_465 = arith.constant 0 : index
      %swap3A_466 = tpu.vector_load %arg12[%swap3A_464, %swap3A_465] {strides = array<i32>} : memref<632x64xf32, #tpu.memory_space<vmem>>, vector<1x16xf32>,
      %swap3A_467 = vector.shape_cast %swap3A_466 : vector<1x16xf32> to vector<16xf32>
      %swap3A_468 = vector.shape_cast %broadcast_in_dim3A_1 : vector<16xf32> to vector<1x16xf32>
      tpu.vector_store %arg12[%swap3A_464, %swap3A_465], %swap3A_468 {strides = array<i32>} : memref<632x64xf32, #tpu.memory_space<vmem>>, vector<1x16xf32>,
      %swap3A_469 = arith.index_cast %add3A_463 : i32 to index
      %swap3A_470 = arith.constant 16 : index
      %swap3A_471 = tpu.vector_load %arg12[%swap3A_469, %swap3A_470] {strides = array<i32>} : memref<632x64xf32, #tpu.memory_space<vmem>>, vector<1x16xf32>,
      %swap3A_472 = vector.shape_cast %swap3A_471 : vector<1x16xf32> to vector<16xf32>
      %swap3A_473 = vector.shape_cast %broadcast_in_dim3A_1 : vector<16xf32> to vector<1x16xf32>
      tpu.vector_store %arg12[%swap3A_469, %swap3A_470], %swap3A_473 {strides = array<i32>} : memref<632x64xf32, #tpu.memory_space<vmem>>, vector<1x16xf32>,
      %swap3A_474 = arith.index_cast %add3A_463 : i32 to index
      %swap3A_475 = arith.constant 32 : index
      %swap3A_476 = tpu.vector_load %arg12[%swap3A_474, %swap3A_475] {strides = array<i32>} : memref<632x64xf32, #tpu.memory_space<vmem>>, vector<1x16xf32>,
      %swap3A_477 = vector.shape_cast %swap3A_476 : vector<1x16xf32> to vector<16xf32>
      %swap3A_478 = vector.shape_cast %broadcast_in_dim3A_1 : vector<16xf32> to vector<1x16xf32>
      tpu.vector_store %arg12[%swap3A_474, %swap3A_475], %swap3A_478 {strides = array<i32>} : memref<632x64xf32, #tpu.memory_space<vmem>>, vector<1x16xf32>,
      %swap3A_479 = arith.index_cast %add3A_463 : i32 to index
      %swap3A_480 = arith.constant 48 : index
      %swap3A_481 = tpu.vector_load %arg12[%swap3A_479, %swap3A_480] {strides = array<i32>} : memref<632x64xf32, #tpu.memory_space<vmem>>, vector<1x16xf32>,
      %swap3A_482 = vector.shape_cast %swap3A_481 : vector<1x16xf32> to vector<16xf32>
      %swap3A_483 = vector.shape_cast %broadcast_in_dim3A_1 : vector<16xf32> to vector<1x16xf32>
      tpu.vector_store %arg12[%swap3A_479, %swap3A_480], %swap3A_483 {strides = array<i32>} : memref<632x64xf32, #tpu.memory_space<vmem>>, vector<1x16xf32>,
    }
    %scan3A_7 = arith.constant 632 : i32
    %scan3A_8 = arith.constant 0 : i32
    %scan3A_9 = arith.constant 40 : i32
    %scan3A_10 = arith.addi %scan3A_8, %scan3A_9 : i32
    %scan3A_11 = arith.constant 1 : i32
    scf.for %scan3A_460 = %scan3A_8 to %scan3A_10 step %scan3A_11  : i32 {
      %mul3A_461 = arith.constant 16 : i32
      %mul3A_462 = arith.muli %scan3A_460, %mul3A_461 : i32
      %add3A = arith.constant 0 : i32
      %add3A_463 = arith.addi %add3A, %mul3A_462 : i32
      %swap3A_464 = arith.index_cast %add3A_463 : i32 to index
      %swap3A_465 = tpu.vector_load %arg13[%swap3A_464] {strides = array<i32>} : memref<632xf32, #tpu.memory_space<vmem>>, vector<16xf32>,
      %swap3A_466 = vector.shape_cast %swap3A_465 : vector<16xf32> to vector<16xf32>
      %swap3A_467 = vector.shape_cast %broadcast_in_dim3A_1 : vector<16xf32> to vector<16xf32>
      tpu.vector_store %arg13[%swap3A_464], %swap3A_467 {strides = array<i32>} : memref<632xf32, #tpu.memory_space<vmem>>, vector<16xf32>,
    }
    %scan3A_12 = arith.constant 40 : i32
    %swap3A = arith.constant 0 : index
    %swap3A_13 = tpu.vector_load %arg11[%swap3A] {strides = array<i32>} : memref<128xf32, #tpu.memory_space<vmem>>, vector<16xf32>,
    %swap3A_14 = vector.shape_cast %swap3A_13 : vector<16xf32> to vector<16xf32>
    %swap3A_15 = vector.shape_cast %broadcast_in_dim3A_3 : vector<16xf32> to vector<16xf32>
    tpu.vector_store %arg11[%swap3A], %swap3A_15 {strides = array<i32>} : memref<128xf32, #tpu.memory_space<vmem>>, vector<16xf32>,
    %swap3A_16 = arith.constant 16 : index
    %swap3A_17 = tpu.vector_load %arg11[%swap3A_16] {strides = array<i32>} : memref<128xf32, #tpu.memory_space<vmem>>, vector<16xf32>,
    %swap3A_18 = vector.shape_cast %swap3A_17 : vector<16xf32> to vector<16xf32>
    %swap3A_19 = vector.shape_cast %broadcast_in_dim3A_3 : vector<16xf32> to vector<16xf32>
    tpu.vector_store %arg11[%swap3A_16], %swap3A_19 {strides = array<i32>} : memref<128xf32, #tpu.memory_space<vmem>>, vector<16xf32>,
    %swap3A_20 = arith.constant 32 : index
    %swap3A_21 = tpu.vector_load %arg11[%swap3A_20] {strides = array<i32>} : memref<128xf32, #tpu.memory_space<vmem>>, vector<16xf32>,
    %swap3A_22 = vector.shape_cast %swap3A_21 : vector<16xf32> to vector<16xf32>
    %swap3A_23 = vector.shape_cast %broadcast_in_dim3A_3 : vector<16xf32> to vector<16xf32>
    tpu.vector_store %arg11[%swap3A_20], %swap3A_23 {strides = array<i32>} : memref<128xf32, #tpu.memory_space<vmem>>, vector<16xf32>,
    %swap3A_24 = arith.constant 48 : index
    %swap3A_25 = tpu.vector_load %arg11[%swap3A_24] {strides = array<i32>} : memref<128xf32, #tpu.memory_space<vmem>>, vector<16xf32>,
    %swap3A_26 = vector.shape_cast %swap3A_25 : vector<16xf32> to vector<16xf32>
    %swap3A_27 = vector.shape_cast %broadcast_in_dim3A_3 : vector<16xf32> to vector<16xf32>
    tpu.vector_store %arg11[%swap3A_24], %swap3A_27 {strides = array<i32>} : memref<128xf32, #tpu.memory_space<vmem>>, vector<16xf32>,
    %swap3A_28 = arith.constant 64 : index
    %swap3A_29 = tpu.vector_load %arg11[%swap3A_28] {strides = array<i32>} : memref<128xf32, #tpu.memory_space<vmem>>, vector<16xf32>,
    %swap3A_30 = vector.shape_cast %swap3A_29 : vector<16xf32> to vector<16xf32>
    %swap3A_31 = vector.shape_cast %broadcast_in_dim3A_3 : vector<16xf32> to vector<16xf32>
    tpu.vector_store %arg11[%swap3A_28], %swap3A_31 {strides = array<i32>} : memref<128xf32, #tpu.memory_space<vmem>>, vector<16xf32>,
    %swap3A_32 = arith.constant 80 : index
    %swap3A_33 = tpu.vector_load %arg11[%swap3A_32] {strides = array<i32>} : memref<128xf32, #tpu.memory_space<vmem>>, vector<16xf32>,
    %swap3A_34 = vector.shape_cast %swap3A_33 : vector<16xf32> to vector<16xf32>
    %swap3A_35 = vector.shape_cast %broadcast_in_dim3A_3 : vector<16xf32> to vector<16xf32>
    tpu.vector_store %arg11[%swap3A_32], %swap3A_35 {strides = array<i32>} : memref<128xf32, #tpu.memory_space<vmem>>, vector<16xf32>,
    %swap3A_36 = arith.constant 96 : index
    %swap3A_37 = tpu.vector_load %arg11[%swap3A_36] {strides = array<i32>} : memref<128xf32, #tpu.memory_space<vmem>>, vector<16xf32>,
    %swap3A_38 = vector.shape_cast %swap3A_37 : vector<16xf32> to vector<16xf32>
    %swap3A_39 = vector.shape_cast %broadcast_in_dim3A_3 : vector<16xf32> to vector<16xf32>
    tpu.vector_store %arg11[%swap3A_36], %swap3A_39 {strides = array<i32>} : memref<128xf32, #tpu.memory_space<vmem>>, vector<16xf32>,
    %swap3A_40 = arith.constant 112 : index
    %swap3A_41 = tpu.vector_load %arg11[%swap3A_40] {strides = array<i32>} : memref<128xf32, #tpu.memory_space<vmem>>, vector<16xf32>,
    %swap3A_42 = vector.shape_cast %swap3A_41 : vector<16xf32> to vector<16xf32>
    %swap3A_43 = vector.shape_cast %broadcast_in_dim3A_3 : vector<16xf32> to vector<16xf32>
    tpu.vector_store %arg11[%swap3A_40], %swap3A_43 {strides = array<i32>} : memref<128xf32, #tpu.memory_space<vmem>>, vector<16xf32>,
    "tpu.region"() ({
      %run_scoped3A_460 = tpu.sem_alloc : memref<!tpu.dma_semaphore, #tpu.memory_space<semaphore_mem>>
      %dma_start3A_461 = arith.constant 0 : i32
      %dma_start3A_462 = tpu.memref_slice %arg14[%mul3A_0, %dma_start3A_461] : memref<10112x64xf32, #tpu.memory_space<vmem_shared>> -> memref<632x64xf32, #tpu.memory_space<vmem_shared>>
      %dma_start3A_463 = arith.constant 0 : i32
      %dma_start3A_464 = tpu.memref_slice %arg14[%mul3A_0, %dma_start3A_463] : memref<10112x64xf32, #tpu.memory_space<vmem_shared>> -> memref<632x64xf32, #tpu.memory_space<vmem_shared>>
      tpu.enqueue_dma source(%arg12 : memref<632x64xf32, #tpu.memory_space<vmem>>) target(%dma_start3A_464 : memref<632x64xf32, #tpu.memory_space<vmem_shared>>) target_semaphore(%run_scoped3A_460 : memref<!tpu.dma_semaphore, #tpu.memory_space<semaphore_mem>>)
      %dma_wait3A_465 = arith.constant 0 : i32
      %dma_wait3A_466 = tpu.memref_slice %arg14[%mul3A_0, %dma_wait3A_465] : memref<10112x64xf32, #tpu.memory_space<vmem_shared>> -> memref<632x64xf32, #tpu.memory_space<vmem_shared>>
      %dma_wait3A_467 = arith.constant 0 : i32
      %dma_wait3A_468 = tpu.memref_slice %arg14[%mul3A_0, %dma_wait3A_467] : memref<10112x64xf32, #tpu.memory_space<vmem_shared>> -> memref<632x64xf32, #tpu.memory_space<vmem_shared>>
      tpu.wait_dma2 semaphore(%run_scoped3A_460 : memref<!tpu.dma_semaphore, #tpu.memory_space<semaphore_mem>>) src(%arg12 : memref<632x64xf32, #tpu.memory_space<vmem>>) dst(%dma_wait3A_468 : memref<632x64xf32, #tpu.memory_space<vmem_shared>>)
      tpu.yield
    }) : () -> ()
    "tpu.region"() ({
      %run_scoped3A_460 = tpu.sem_alloc : memref<!tpu.dma_semaphore, #tpu.memory_space<semaphore_mem>>
      %dma_start3A_461 = tpu.memref_slice %arg15[%mul3A_0] : memref<10112xf32, #tpu.memory_space<vmem_shared>> -> memref<632xf32, #tpu.memory_space<vmem_shared>>
      %dma_start3A_462 = tpu.memref_slice %arg15[%mul3A_0] : memref<10112xf32, #tpu.memory_space<vmem_shared>> -> memref<632xf32, #tpu.memory_space<vmem_shared>>
      tpu.enqueue_dma source(%arg13 : memref<632xf32, #tpu.memory_space<vmem>>) target(%dma_start3A_462 : memref<632xf32, #tpu.memory_space<vmem_shared>>) target_semaphore(%run_scoped3A_460 : memref<!tpu.dma_semaphore, #tpu.memory_space<semaphore_mem>>)
      %dma_wait3A_463 = tpu.memref_slice %arg15[%mul3A_0] : memref<10112xf32, #tpu.memory_space<vmem_shared>> -> memref<632xf32, #tpu.memory_space<vmem_shared>>
      %dma_wait3A_464 = tpu.memref_slice %arg15[%mul3A_0] : memref<10112xf32, #tpu.memory_space<vmem_shared>> -> memref<632xf32, #tpu.memory_space<vmem_shared>>
      tpu.wait_dma2 semaphore(%run_scoped3A_460 : memref<!tpu.dma_semaphore, #tpu.memory_space<semaphore_mem>>) src(%arg13 : memref<632xf32, #tpu.memory_space<vmem>>) dst(%dma_wait3A_464 : memref<632xf32, #tpu.memory_space<vmem_shared>>)
      tpu.yield
    }) : () -> ()
    "tpu.region"() ({
      %run_scoped3A_460 = tpu.sem_alloc : memref<!tpu.dma_semaphore, #tpu.memory_space<semaphore_mem>>
      %dma_start3A_461 = arith.constant 0 : i32
      %dma_start3A_462 = arith.constant 0 : i32
      %dma_start3A_463 = tpu.memref_slice %arg3[%arg1, %dma_start3A_461, %dma_start3A_462] : memref<16x158x128xi32, #tpu.memory_space<hbm>> -> memref<1x158x128xi32, #tpu.memory_space<hbm>>
      %dma_start3A_464 = tpu.memref_squeeze %dma_start3A_463 : memref<1x158x128xi32, #tpu.memory_space<hbm>> -> memref<158x128xi32, #tpu.memory_space<hbm>>
      %dma_start3A_465 = arith.constant 0 : i32
      %dma_start3A_466 = arith.constant 0 : i32
      %dma_start3A_467 = tpu.memref_slice %arg3[%arg1, %dma_start3A_465, %dma_start3A_466] : memref<16x158x128xi32, #tpu.memory_space<hbm>> -> memref<1x158x128xi32, #tpu.memory_space<hbm>>
      %dma_start3A_468 = tpu.memref_squeeze %dma_start3A_467 : memref<1x158x128xi32, #tpu.memory_space<hbm>> -> memref<158x128xi32, #tpu.memory_space<hbm>>
      tpu.enqueue_dma source(%dma_start3A_468 : memref<158x128xi32, #tpu.memory_space<hbm>>) target(%arg6 : memref<158x128xi32, #tpu.memory_space<vmem>>) target_semaphore(%run_scoped3A_460 : memref<!tpu.dma_semaphore, #tpu.memory_space<semaphore_mem>>)
      %dma_wait3A_469 = arith.constant 0 : i32
      %dma_wait3A_470 = arith.constant 0 : i32
      %dma_wait3A_471 = tpu.memref_slice %arg3[%arg1, %dma_wait3A_469, %dma_wait3A_470] : memref<16x158x128xi32, #tpu.memory_space<hbm>> -> memref<1x158x128xi32, #tpu.memory_space<hbm>>
      %dma_wait3A_472 = tpu.memref_squeeze %dma_wait3A_471 : memref<1x158x128xi32, #tpu.memory_space<hbm>> -> memref<158x128xi32, #tpu.memory_space<hbm>>
      %dma_wait3A_473 = arith.constant 0 : i32
      %dma_wait3A_474 = arith.constant 0 : i32
      %dma_wait3A_475 = tpu.memref_slice %arg3[%arg1, %dma_wait3A_473, %dma_wait3A_474] : memref<16x158x128xi32, #tpu.memory_space<hbm>> -> memref<1x158x128xi32, #tpu.memory_space<hbm>>
      %dma_wait3A_476 = tpu.memref_squeeze %dma_wait3A_475 : memref<1x158x128xi32, #tpu.memory_space<hbm>> -> memref<158x128xi32, #tpu.memory_space<hbm>>
      tpu.wait_dma2 semaphore(%run_scoped3A_460 : memref<!tpu.dma_semaphore, #tpu.memory_space<semaphore_mem>>) src(%dma_wait3A_476 : memref<158x128xi32, #tpu.memory_space<hbm>>) dst(%arg6 : memref<158x128xi32, #tpu.memory_space<vmem>>)
      tpu.yield
    }) : () -> ()
    %barrier3A = arith.constant 0 : index
    tpu.barrier barrier_id(%barrier3A)
    %get3A = arith.constant 0 : i32
    %get3A_44 = arith.index_cast %get3A : i32 to index
    %get3A_45 = arith.constant 0 : index
    %get3A_46 = tpu.vector_load %arg6[%get3A_44, %get3A_45] {strides = array<i32>} : memref<158x128xi32, #tpu.memory_space<vmem>>, vector<1x16xi32>,
    %get3A_47 = vector.shape_cast %get3A_46 : vector<1x16xi32> to vector<16xi32>
    %and3A = arith.constant 16383 : i32
    %and3A_48 = vector.broadcast %and3A : i32 to vector<16xi32>
    %and3A_49 = arith.andi %get3A_47, %and3A_48 : vector<16xi32>
    %swap3A_50 = arith.constant 0 : i32
    %swap3A_51 = arith.index_cast %swap3A_50 : i32 to index
    %swap3A_52 = arith.constant 0 : index
    %swap3A_53 = tpu.vector_load %arg7[%swap3A_51, %swap3A_52] {strides = array<i32>} : memref<2x128xi32, #tpu.memory_space<vmem>>, vector<1x16xi32>,
    %swap3A_54 = vector.shape_cast %swap3A_53 : vector<1x16xi32> to vector<16xi32>
    %swap3A_55 = vector.shape_cast %and3A_49 : vector<16xi32> to vector<1x16xi32>
    tpu.vector_store %arg7[%swap3A_51, %swap3A_52], %swap3A_55 {strides = array<i32>} : memref<2x128xi32, #tpu.memory_space<vmem>>, vector<1x16xi32>,
    %shift_right_logical3A = arith.constant 14 : i32
    %shift_right_logical3A_56 = vector.broadcast %shift_right_logical3A : i32 to vector<16xi32>
    %shift_right_logical3A_57 = arith.shrui %get3A_47, %shift_right_logical3A_56 : vector<16xi32>
    %swap3A_58 = arith.constant 0 : i32
    %swap3A_59 = arith.index_cast %swap3A_58 : i32 to index
    %swap3A_60 = arith.constant 0 : index
    %swap3A_61 = tpu.vector_load %arg8[%swap3A_59, %swap3A_60] {strides = array<i32>} : memref<2x128xi32, #tpu.memory_space<vmem>>, vector<1x16xi32>,
    %swap3A_62 = vector.shape_cast %swap3A_61 : vector<1x16xi32> to vector<16xi32>
    %swap3A_63 = vector.shape_cast %shift_right_logical3A_57 : vector<16xi32> to vector<1x16xi32>
    tpu.vector_store %arg8[%swap3A_59, %swap3A_60], %swap3A_63 {strides = array<i32>} : memref<2x128xi32, #tpu.memory_space<vmem>>, vector<1x16xi32>,
    %get3A_64 = arith.constant 0 : i32
    %get3A_65 = arith.index_cast %get3A_64 : i32 to index
    %get3A_66 = arith.constant 16 : index
    %get3A_67 = tpu.vector_load %arg6[%get3A_65, %get3A_66] {strides = array<i32>} : memref<158x128xi32, #tpu.memory_space<vmem>>, vector<1x16xi32>,
    %get3A_68 = vector.shape_cast %get3A_67 : vector<1x16xi32> to vector<16xi32>
    %and3A_69 = arith.constant 16383 : i32
    %and3A_70 = vector.broadcast %and3A_69 : i32 to vector<16xi32>
    %and3A_71 = arith.andi %get3A_68, %and3A_70 : vector<16xi32>
    %swap3A_72 = arith.constant 0 : i32
    %swap3A_73 = arith.index_cast %swap3A_72 : i32 to index
    %swap3A_74 = arith.constant 16 : index
    %swap3A_75 = tpu.vector_load %arg7[%swap3A_73, %swap3A_74] {strides = array<i32>} : memref<2x128xi32, #tpu.memory_space<vmem>>, vector<1x16xi32>,
    %swap3A_76 = vector.shape_cast %swap3A_75 : vector<1x16xi32> to vector<16xi32>
    %swap3A_77 = vector.shape_cast %and3A_71 : vector<16xi32> to vector<1x16xi32>
    tpu.vector_store %arg7[%swap3A_73, %swap3A_74], %swap3A_77 {strides = array<i32>} : memref<2x128xi32, #tpu.memory_space<vmem>>, vector<1x16xi32>,
    %shift_right_logical3A_78 = arith.constant 14 : i32
    %shift_right_logical3A_79 = vector.broadcast %shift_right_logical3A_78 : i32 to vector<16xi32>
    %shift_right_logical3A_80 = arith.shrui %get3A_68, %shift_right_logical3A_79 : vector<16xi32>
    %swap3A_81 = arith.constant 0 : i32
    %swap3A_82 = arith.index_cast %swap3A_81 : i32 to index
    %swap3A_83 = arith.constant 16 : index
    %swap3A_84 = tpu.vector_load %arg8[%swap3A_82, %swap3A_83] {strides = array<i32>} : memref<2x128xi32, #tpu.memory_space<vmem>>, vector<1x16xi32>,
    %swap3A_85 = vector.shape_cast %swap3A_84 : vector<1x16xi32> to vector<16xi32>
    %swap3A_86 = vector.shape_cast %shift_right_logical3A_80 : vector<16xi32> to vector<1x16xi32>
    tpu.vector_store %arg8[%swap3A_82, %swap3A_83], %swap3A_86 {strides = array<i32>} : memref<2x128xi32, #tpu.memory_space<vmem>>, vector<1x16xi32>,
    %get3A_87 = arith.constant 0 : i32
    %get3A_88 = arith.index_cast %get3A_87 : i32 to index
    %get3A_89 = arith.constant 32 : index
    %get3A_90 = tpu.vector_load %arg6[%get3A_88, %get3A_89] {strides = array<i32>} : memref<158x128xi32, #tpu.memory_space<vmem>>, vector<1x16xi32>,
    %get3A_91 = vector.shape_cast %get3A_90 : vector<1x16xi32> to vector<16xi32>
    %and3A_92 = arith.constant 16383 : i32
    %and3A_93 = vector.broadcast %and3A_92 : i32 to vector<16xi32>
    %and3A_94 = arith.andi %get3A_91, %and3A_93 : vector<16xi32>
    %swap3A_95 = arith.constant 0 : i32
    %swap3A_96 = arith.index_cast %swap3A_95 : i32 to index
    %swap3A_97 = arith.constant 32 : index
    %swap3A_98 = tpu.vector_load %arg7[%swap3A_96, %swap3A_97] {strides = array<i32>} : memref<2x128xi32, #tpu.memory_space<vmem>>, vector<1x16xi32>,
    %swap3A_99 = vector.shape_cast %swap3A_98 : vector<1x16xi32> to vector<16xi32>
    %swap3A_100 = vector.shape_cast %and3A_94 : vector<16xi32> to vector<1x16xi32>
    tpu.vector_store %arg7[%swap3A_96, %swap3A_97], %swap3A_100 {strides = array<i32>} : memref<2x128xi32, #tpu.memory_space<vmem>>, vector<1x16xi32>,
    %shift_right_logical3A_101 = arith.constant 14 : i32
    %shift_right_logical3A_102 = vector.broadcast %shift_right_logical3A_101 : i32 to vector<16xi32>
    %shift_right_logical3A_103 = arith.shrui %get3A_91, %shift_right_logical3A_102 : vector<16xi32>
    %swap3A_104 = arith.constant 0 : i32
    %swap3A_105 = arith.index_cast %swap3A_104 : i32 to index
    %swap3A_106 = arith.constant 32 : index
    %swap3A_107 = tpu.vector_load %arg8[%swap3A_105, %swap3A_106] {strides = array<i32>} : memref<2x128xi32, #tpu.memory_space<vmem>>, vector<1x16xi32>,
    %swap3A_108 = vector.shape_cast %swap3A_107 : vector<1x16xi32> to vector<16xi32>
    %swap3A_109 = vector.shape_cast %shift_right_logical3A_103 : vector<16xi32> to vector<1x16xi32>
    tpu.vector_store %arg8[%swap3A_105, %swap3A_106], %swap3A_109 {strides = array<i32>} : memref<2x128xi32, #tpu.memory_space<vmem>>, vector<1x16xi32>,
    %get3A_110 = arith.constant 0 : i32
    %get3A_111 = arith.index_cast %get3A_110 : i32 to index
    %get3A_112 = arith.constant 48 : index
    %get3A_113 = tpu.vector_load %arg6[%get3A_111, %get3A_112] {strides = array<i32>} : memref<158x128xi32, #tpu.memory_space<vmem>>, vector<1x16xi32>,
    %get3A_114 = vector.shape_cast %get3A_113 : vector<1x16xi32> to vector<16xi32>
    %and3A_115 = arith.constant 16383 : i32
    %and3A_116 = vector.broadcast %and3A_115 : i32 to vector<16xi32>
    %and3A_117 = arith.andi %get3A_114, %and3A_116 : vector<16xi32>
    %swap3A_118 = arith.constant 0 : i32
    %swap3A_119 = arith.index_cast %swap3A_118 : i32 to index
    %swap3A_120 = arith.constant 48 : index
    %swap3A_121 = tpu.vector_load %arg7[%swap3A_119, %swap3A_120] {strides = array<i32>} : memref<2x128xi32, #tpu.memory_space<vmem>>, vector<1x16xi32>,
    %swap3A_122 = vector.shape_cast %swap3A_121 : vector<1x16xi32> to vector<16xi32>
    %swap3A_123 = vector.shape_cast %and3A_117 : vector<16xi32> to vector<1x16xi32>
    tpu.vector_store %arg7[%swap3A_119, %swap3A_120], %swap3A_123 {strides = array<i32>} : memref<2x128xi32, #tpu.memory_space<vmem>>, vector<1x16xi32>,
    %shift_right_logical3A_124 = arith.constant 14 : i32
    %shift_right_logical3A_125 = vector.broadcast %shift_right_logical3A_124 : i32 to vector<16xi32>
    %shift_right_logical3A_126 = arith.shrui %get3A_114, %shift_right_logical3A_125 : vector<16xi32>
    %swap3A_127 = arith.constant 0 : i32
    %swap3A_128 = arith.index_cast %swap3A_127 : i32 to index
    %swap3A_129 = arith.constant 48 : index
    %swap3A_130 = tpu.vector_load %arg8[%swap3A_128, %swap3A_129] {strides = array<i32>} : memref<2x128xi32, #tpu.memory_space<vmem>>, vector<1x16xi32>,
    %swap3A_131 = vector.shape_cast %swap3A_130 : vector<1x16xi32> to vector<16xi32>
    %swap3A_132 = vector.shape_cast %shift_right_logical3A_126 : vector<16xi32> to vector<1x16xi32>
    tpu.vector_store %arg8[%swap3A_128, %swap3A_129], %swap3A_132 {strides = array<i32>} : memref<2x128xi32, #tpu.memory_space<vmem>>, vector<1x16xi32>,
    %get3A_133 = arith.constant 0 : i32
    %get3A_134 = arith.index_cast %get3A_133 : i32 to index
    %get3A_135 = arith.constant 64 : index
    %get3A_136 = tpu.vector_load %arg6[%get3A_134, %get3A_135] {strides = array<i32>} : memref<158x128xi32, #tpu.memory_space<vmem>>, vector<1x16xi32>,
    %get3A_137 = vector.shape_cast %get3A_136 : vector<1x16xi32> to vector<16xi32>
    %and3A_138 = arith.constant 16383 : i32
    %and3A_139 = vector.broadcast %and3A_138 : i32 to vector<16xi32>
    %and3A_140 = arith.andi %get3A_137, %and3A_139 : vector<16xi32>
    %swap3A_141 = arith.constant 0 : i32
    %swap3A_142 = arith.index_cast %swap3A_141 : i32 to index
    %swap3A_143 = arith.constant 64 : index
    %swap3A_144 = tpu.vector_load %arg7[%swap3A_142, %swap3A_143] {strides = array<i32>} : memref<2x128xi32, #tpu.memory_space<vmem>>, vector<1x16xi32>,
    %swap3A_145 = vector.shape_cast %swap3A_144 : vector<1x16xi32> to vector<16xi32>
    %swap3A_146 = vector.shape_cast %and3A_140 : vector<16xi32> to vector<1x16xi32>
    tpu.vector_store %arg7[%swap3A_142, %swap3A_143], %swap3A_146 {strides = array<i32>} : memref<2x128xi32, #tpu.memory_space<vmem>>, vector<1x16xi32>,
    %shift_right_logical3A_147 = arith.constant 14 : i32
    %shift_right_logical3A_148 = vector.broadcast %shift_right_logical3A_147 : i32 to vector<16xi32>
    %shift_right_logical3A_149 = arith.shrui %get3A_137, %shift_right_logical3A_148 : vector<16xi32>
    %swap3A_150 = arith.constant 0 : i32
    %swap3A_151 = arith.index_cast %swap3A_150 : i32 to index
    %swap3A_152 = arith.constant 64 : index
    %swap3A_153 = tpu.vector_load %arg8[%swap3A_151, %swap3A_152] {strides = array<i32>} : memref<2x128xi32, #tpu.memory_space<vmem>>, vector<1x16xi32>,
    %swap3A_154 = vector.shape_cast %swap3A_153 : vector<1x16xi32> to vector<16xi32>
    %swap3A_155 = vector.shape_cast %shift_right_logical3A_149 : vector<16xi32> to vector<1x16xi32>
    tpu.vector_store %arg8[%swap3A_151, %swap3A_152], %swap3A_155 {strides = array<i32>} : memref<2x128xi32, #tpu.memory_space<vmem>>, vector<1x16xi32>,
    %get3A_156 = arith.constant 0 : i32
    %get3A_157 = arith.index_cast %get3A_156 : i32 to index
    %get3A_158 = arith.constant 80 : index
    %get3A_159 = tpu.vector_load %arg6[%get3A_157, %get3A_158] {strides = array<i32>} : memref<158x128xi32, #tpu.memory_space<vmem>>, vector<1x16xi32>,
    %get3A_160 = vector.shape_cast %get3A_159 : vector<1x16xi32> to vector<16xi32>
    %and3A_161 = arith.constant 16383 : i32
    %and3A_162 = vector.broadcast %and3A_161 : i32 to vector<16xi32>
    %and3A_163 = arith.andi %get3A_160, %and3A_162 : vector<16xi32>
    %swap3A_164 = arith.constant 0 : i32
    %swap3A_165 = arith.index_cast %swap3A_164 : i32 to index
    %swap3A_166 = arith.constant 80 : index
    %swap3A_167 = tpu.vector_load %arg7[%swap3A_165, %swap3A_166] {strides = array<i32>} : memref<2x128xi32, #tpu.memory_space<vmem>>, vector<1x16xi32>,
    %swap3A_168 = vector.shape_cast %swap3A_167 : vector<1x16xi32> to vector<16xi32>
    %swap3A_169 = vector.shape_cast %and3A_163 : vector<16xi32> to vector<1x16xi32>
    tpu.vector_store %arg7[%swap3A_165, %swap3A_166], %swap3A_169 {strides = array<i32>} : memref<2x128xi32, #tpu.memory_space<vmem>>, vector<1x16xi32>,
    %shift_right_logical3A_170 = arith.constant 14 : i32
    %shift_right_logical3A_171 = vector.broadcast %shift_right_logical3A_170 : i32 to vector<16xi32>
    %shift_right_logical3A_172 = arith.shrui %get3A_160, %shift_right_logical3A_171 : vector<16xi32>
    %swap3A_173 = arith.constant 0 : i32
    %swap3A_174 = arith.index_cast %swap3A_173 : i32 to index
    %swap3A_175 = arith.constant 80 : index
    %swap3A_176 = tpu.vector_load %arg8[%swap3A_174, %swap3A_175] {strides = array<i32>} : memref<2x128xi32, #tpu.memory_space<vmem>>, vector<1x16xi32>,
    %swap3A_177 = vector.shape_cast %swap3A_176 : vector<1x16xi32> to vector<16xi32>
    %swap3A_178 = vector.shape_cast %shift_right_logical3A_172 : vector<16xi32> to vector<1x16xi32>
    tpu.vector_store %arg8[%swap3A_174, %swap3A_175], %swap3A_178 {strides = array<i32>} : memref<2x128xi32, #tpu.memory_space<vmem>>, vector<1x16xi32>,
    %get3A_179 = arith.constant 0 : i32
    %get3A_180 = arith.index_cast %get3A_179 : i32 to index
    %get3A_181 = arith.constant 96 : index
    %get3A_182 = tpu.vector_load %arg6[%get3A_180, %get3A_181] {strides = array<i32>} : memref<158x128xi32, #tpu.memory_space<vmem>>, vector<1x16xi32>,
    %get3A_183 = vector.shape_cast %get3A_182 : vector<1x16xi32> to vector<16xi32>
    %and3A_184 = arith.constant 16383 : i32
    %and3A_185 = vector.broadcast %and3A_184 : i32 to vector<16xi32>
    %and3A_186 = arith.andi %get3A_183, %and3A_185 : vector<16xi32>
    %swap3A_187 = arith.constant 0 : i32
    %swap3A_188 = arith.index_cast %swap3A_187 : i32 to index
    %swap3A_189 = arith.constant 96 : index
    %swap3A_190 = tpu.vector_load %arg7[%swap3A_188, %swap3A_189] {strides = array<i32>} : memref<2x128xi32, #tpu.memory_space<vmem>>, vector<1x16xi32>,
    %swap3A_191 = vector.shape_cast %swap3A_190 : vector<1x16xi32> to vector<16xi32>
    %swap3A_192 = vector.shape_cast %and3A_186 : vector<16xi32> to vector<1x16xi32>
    tpu.vector_store %arg7[%swap3A_188, %swap3A_189], %swap3A_192 {strides = array<i32>} : memref<2x128xi32, #tpu.memory_space<vmem>>, vector<1x16xi32>,
    %shift_right_logical3A_193 = arith.constant 14 : i32
    %shift_right_logical3A_194 = vector.broadcast %shift_right_logical3A_193 : i32 to vector<16xi32>
    %shift_right_logical3A_195 = arith.shrui %get3A_183, %shift_right_logical3A_194 : vector<16xi32>
    %swap3A_196 = arith.constant 0 : i32
    %swap3A_197 = arith.index_cast %swap3A_196 : i32 to index
    %swap3A_198 = arith.constant 96 : index
    %swap3A_199 = tpu.vector_load %arg8[%swap3A_197, %swap3A_198] {strides = array<i32>} : memref<2x128xi32, #tpu.memory_space<vmem>>, vector<1x16xi32>,
    %swap3A_200 = vector.shape_cast %swap3A_199 : vector<1x16xi32> to vector<16xi32>
    %swap3A_201 = vector.shape_cast %shift_right_logical3A_195 : vector<16xi32> to vector<1x16xi32>
    tpu.vector_store %arg8[%swap3A_197, %swap3A_198], %swap3A_201 {strides = array<i32>} : memref<2x128xi32, #tpu.memory_space<vmem>>, vector<1x16xi32>,
    %get3A_202 = arith.constant 0 : i32
    %get3A_203 = arith.index_cast %get3A_202 : i32 to index
    %get3A_204 = arith.constant 112 : index
    %get3A_205 = tpu.vector_load %arg6[%get3A_203, %get3A_204] {strides = array<i32>} : memref<158x128xi32, #tpu.memory_space<vmem>>, vector<1x16xi32>,
    %get3A_206 = vector.shape_cast %get3A_205 : vector<1x16xi32> to vector<16xi32>
    %and3A_207 = arith.constant 16383 : i32
    %and3A_208 = vector.broadcast %and3A_207 : i32 to vector<16xi32>
    %and3A_209 = arith.andi %get3A_206, %and3A_208 : vector<16xi32>
    %swap3A_210 = arith.constant 0 : i32
    %swap3A_211 = arith.index_cast %swap3A_210 : i32 to index
    %swap3A_212 = arith.constant 112 : index
    %swap3A_213 = tpu.vector_load %arg7[%swap3A_211, %swap3A_212] {strides = array<i32>} : memref<2x128xi32, #tpu.memory_space<vmem>>, vector<1x16xi32>,
    %swap3A_214 = vector.shape_cast %swap3A_213 : vector<1x16xi32> to vector<16xi32>
    %swap3A_215 = vector.shape_cast %and3A_209 : vector<16xi32> to vector<1x16xi32>
    tpu.vector_store %arg7[%swap3A_211, %swap3A_212], %swap3A_215 {strides = array<i32>} : memref<2x128xi32, #tpu.memory_space<vmem>>, vector<1x16xi32>,
    %shift_right_logical3A_216 = arith.constant 14 : i32
    %shift_right_logical3A_217 = vector.broadcast %shift_right_logical3A_216 : i32 to vector<16xi32>
    %shift_right_logical3A_218 = arith.shrui %get3A_206, %shift_right_logical3A_217 : vector<16xi32>
    %swap3A_219 = arith.constant 0 : i32
    %swap3A_220 = arith.index_cast %swap3A_219 : i32 to index
    %swap3A_221 = arith.constant 112 : index
    %swap3A_222 = tpu.vector_load %arg8[%swap3A_220, %swap3A_221] {strides = array<i32>} : memref<2x128xi32, #tpu.memory_space<vmem>>, vector<1x16xi32>,
    %swap3A_223 = vector.shape_cast %swap3A_222 : vector<1x16xi32> to vector<16xi32>
    %swap3A_224 = vector.shape_cast %shift_right_logical3A_218 : vector<16xi32> to vector<1x16xi32>
    tpu.vector_store %arg8[%swap3A_220, %swap3A_221], %swap3A_224 {strides = array<i32>} : memref<2x128xi32, #tpu.memory_space<vmem>>, vector<1x16xi32>,
    %dma_start3A = arith.constant 0 : i32
    %dma_start3A_225 = arith.constant 0 : i32
    %dma_start3A_226 = tpu.memref_slice %arg7[%dma_start3A, %dma_start3A_225] : memref<2x128xi32, #tpu.memory_space<vmem>> -> memref<1x128xi32, #tpu.memory_space<vmem>>
    %dma_start3A_227 = tpu.memref_squeeze %dma_start3A_226 : memref<1x128xi32, #tpu.memory_space<vmem>> -> memref<128xi32, #tpu.memory_space<vmem>>
    %dma_start3A_228 = arith.constant 0 : i32
    %dma_start3A_229 = arith.constant 0 : i32
    %dma_start3A_230 = tpu.memref_slice %arg2[%arg0, %dma_start3A_228, %dma_start3A_229] : memref<2x10000x64xf32, #tpu.memory_space<hbm>> -> memref<1x10000x64xf32, #tpu.memory_space<hbm>>
    %dma_start3A_231 = tpu.memref_squeeze %dma_start3A_230 : memref<1x10000x64xf32, #tpu.memory_space<hbm>> -> memref<10000x64xf32, #tpu.memory_space<hbm>>
    %dma_start3A_232 = arith.constant 0 : i32
    %dma_start3A_233 = arith.constant 0 : i32
    %dma_start3A_234 = tpu.memref_slice %dma_start3A_231[%dma_start3A_232, %dma_start3A_233] : memref<10000x64xf32, #tpu.memory_space<hbm>> -> memref<10000x64xf32, #tpu.memory_space<hbm>>
    tpu.enqueue_indirect_dma source(%dma_start3A_234 : memref<10000x64xf32, #tpu.memory_space<hbm>>) target(%arg9 : memref<128x64xf32, #tpu.memory_space<vmem>>) offsets(%dma_start3A_227 : memref<128xi32, #tpu.memory_space<vmem>>) semaphore(%arg16 : memref<!tpu.dma_semaphore, #tpu.memory_space<semaphore_mem>>)
    %scan3A_235 = arith.constant 0 : i32
    %scan3A_236 = arith.constant 78 : i32
    %scan3A_237 = arith.addi %scan3A_235, %scan3A_236 : i32
    %scan3A_238 = arith.constant 1 : i32
    scf.for %scan3A_460 = %scan3A_235 to %scan3A_237 step %scan3A_238  : i32 {
      %mul3A_461 = arith.constant 2 : i32
      %mul3A_462 = arith.muli %scan3A_460, %mul3A_461 : i32
      %add3A = arith.constant 0 : i32
      %add3A_463 = arith.addi %add3A, %mul3A_462 : i32
      %add3A_464 = arith.constant 1 : i32
      %add3A_465 = arith.addi %add3A_463, %add3A_464 : i32
      %get3A_466 = arith.index_cast %add3A_465 : i32 to index
      %get3A_467 = arith.constant 0 : index
      %get3A_468 = tpu.vector_load %arg6[%get3A_466, %get3A_467] {strides = array<i32>} : memref<158x128xi32, #tpu.memory_space<vmem>>, vector<1x16xi32>,
      %get3A_469 = vector.shape_cast %get3A_468 : vector<1x16xi32> to vector<16xi32>
      %and3A_470 = arith.constant 16383 : i32
      %and3A_471 = vector.broadcast %and3A_470 : i32 to vector<16xi32>
      %and3A_472 = arith.andi %get3A_469, %and3A_471 : vector<16xi32>
      %swap3A_473 = arith.constant 1 : i32
      %swap3A_474 = arith.index_cast %swap3A_473 : i32 to index
      %swap3A_475 = arith.constant 0 : index
      %swap3A_476 = tpu.vector_load %arg7[%swap3A_474, %swap3A_475] {strides = array<i32>} : memref<2x128xi32, #tpu.memory_space<vmem>>, vector<1x16xi32>,
      %swap3A_477 = vector.shape_cast %swap3A_476 : vector<1x16xi32> to vector<16xi32>
      %swap3A_478 = vector.shape_cast %and3A_472 : vector<16xi32> to vector<1x16xi32>
      tpu.vector_store %arg7[%swap3A_474, %swap3A_475], %swap3A_478 {strides = array<i32>} : memref<2x128xi32, #tpu.memory_space<vmem>>, vector<1x16xi32>,
      %shift_right_logical3A_479 = arith.constant 14 : i32
      %shift_right_logical3A_480 = vector.broadcast %shift_right_logical3A_479 : i32 to vector<16xi32>
      %shift_right_logical3A_481 = arith.shrui %get3A_469, %shift_right_logical3A_480 : vector<16xi32>
      %swap3A_482 = arith.constant 1 : i32
      %swap3A_483 = arith.index_cast %swap3A_482 : i32 to index
      %swap3A_484 = arith.constant 0 : index
      %swap3A_485 = tpu.vector_load %arg8[%swap3A_483, %swap3A_484] {strides = array<i32>} : memref<2x128xi32, #tpu.memory_space<vmem>>, vector<1x16xi32>,
      %swap3A_486 = vector.shape_cast %swap3A_485 : vector<1x16xi32> to vector<16xi32>
      %swap3A_487 = vector.shape_cast %shift_right_logical3A_481 : vector<16xi32> to vector<1x16xi32>
      tpu.vector_store %arg8[%swap3A_483, %swap3A_484], %swap3A_487 {strides = array<i32>} : memref<2x128xi32, #tpu.memory_space<vmem>>, vector<1x16xi32>,
      %get3A_488 = arith.index_cast %add3A_465 : i32 to index
      %get3A_489 = arith.constant 16 : index
      %get3A_490 = tpu.vector_load %arg6[%get3A_488, %get3A_489] {strides = array<i32>} : memref<158x128xi32, #tpu.memory_space<vmem>>, vector<1x16xi32>,
      %get3A_491 = vector.shape_cast %get3A_490 : vector<1x16xi32> to vector<16xi32>
      %and3A_492 = arith.constant 16383 : i32
      %and3A_493 = vector.broadcast %and3A_492 : i32 to vector<16xi32>
      %and3A_494 = arith.andi %get3A_491, %and3A_493 : vector<16xi32>
      %swap3A_495 = arith.constant 1 : i32
      %swap3A_496 = arith.index_cast %swap3A_495 : i32 to index
      %swap3A_497 = arith.constant 16 : index
      %swap3A_498 = tpu.vector_load %arg7[%swap3A_496, %swap3A_497] {strides = array<i32>} : memref<2x128xi32, #tpu.memory_space<vmem>>, vector<1x16xi32>,
      %swap3A_499 = vector.shape_cast %swap3A_498 : vector<1x16xi32> to vector<16xi32>
      %swap3A_500 = vector.shape_cast %and3A_494 : vector<16xi32> to vector<1x16xi32>
      tpu.vector_store %arg7[%swap3A_496, %swap3A_497], %swap3A_500 {strides = array<i32>} : memref<2x128xi32, #tpu.memory_space<vmem>>, vector<1x16xi32>,
      %shift_right_logical3A_501 = arith.constant 14 : i32
      %shift_right_logical3A_502 = vector.broadcast %shift_right_logical3A_501 : i32 to vector<16xi32>
      %shift_right_logical3A_503 = arith.shrui %get3A_491, %shift_right_logical3A_502 : vector<16xi32>
      %swap3A_504 = arith.constant 1 : i32
      %swap3A_505 = arith.index_cast %swap3A_504 : i32 to index
      %swap3A_506 = arith.constant 16 : index
      %swap3A_507 = tpu.vector_load %arg8[%swap3A_505, %swap3A_506] {strides = array<i32>} : memref<2x128xi32, #tpu.memory_space<vmem>>, vector<1x16xi32>,
      %swap3A_508 = vector.shape_cast %swap3A_507 : vector<1x16xi32> to vector<16xi32>
      %swap3A_509 = vector.shape_cast %shift_right_logical3A_503 : vector<16xi32> to vector<1x16xi32>
      tpu.vector_store %arg8[%swap3A_505, %swap3A_506], %swap3A_509 {strides = array<i32>} : memref<2x128xi32, #tpu.memory_space<vmem>>, vector<1x16xi32>,
      %get3A_510 = arith.index_cast %add3A_465 : i32 to index
      %get3A_511 = arith.constant 32 : index
      %get3A_512 = tpu.vector_load %arg6[%get3A_510, %get3A_511] {strides = array<i32>} : memref<158x128xi32, #tpu.memory_space<vmem>>, vector<1x16xi32>,
      %get3A_513 = vector.shape_cast %get3A_512 : vector<1x16xi32> to vector<16xi32>
      %and3A_514 = arith.constant 16383 : i32
      %and3A_515 = vector.broadcast %and3A_514 : i32 to vector<16xi32>
      %and3A_516 = arith.andi %get3A_513, %and3A_515 : vector<16xi32>
      %swap3A_517 = arith.constant 1 : i32
      %swap3A_518 = arith.index_cast %swap3A_517 : i32 to index
      %swap3A_519 = arith.constant 32 : index
      %swap3A_520 = tpu.vector_load %arg7[%swap3A_518, %swap3A_519] {strides = array<i32>} : memref<2x128xi32, #tpu.memory_space<vmem>>, vector<1x16xi32>,
      %swap3A_521 = vector.shape_cast %swap3A_520 : vector<1x16xi32> to vector<16xi32>
      %swap3A_522 = vector.shape_cast %and3A_516 : vector<16xi32> to vector<1x16xi32>
      tpu.vector_store %arg7[%swap3A_518, %swap3A_519], %swap3A_522 {strides = array<i32>} : memref<2x128xi32, #tpu.memory_space<vmem>>, vector<1x16xi32>,
      %shift_right_logical3A_523 = arith.constant 14 : i32
      %shift_right_logical3A_524 = vector.broadcast %shift_right_logical3A_523 : i32 to vector<16xi32>
      %shift_right_logical3A_525 = arith.shrui %get3A_513, %shift_right_logical3A_524 : vector<16xi32>
      %swap3A_526 = arith.constant 1 : i32
      %swap3A_527 = arith.index_cast %swap3A_526 : i32 to index
      %swap3A_528 = arith.constant 32 : index
      %swap3A_529 = tpu.vector_load %arg8[%swap3A_527, %swap3A_528] {strides = array<i32>} : memref<2x128xi32, #tpu.memory_space<vmem>>, vector<1x16xi32>,
      %swap3A_530 = vector.shape_cast %swap3A_529 : vector<1x16xi32> to vector<16xi32>
      %swap3A_531 = vector.shape_cast %shift_right_logical3A_525 : vector<16xi32> to vector<1x16xi32>
      tpu.vector_store %arg8[%swap3A_527, %swap3A_528], %swap3A_531 {strides = array<i32>} : memref<2x128xi32, #tpu.memory_space<vmem>>, vector<1x16xi32>,
      %get3A_532 = arith.index_cast %add3A_465 : i32 to index
      %get3A_533 = arith.constant 48 : index
      %get3A_534 = tpu.vector_load %arg6[%get3A_532, %get3A_533] {strides = array<i32>} : memref<158x128xi32, #tpu.memory_space<vmem>>, vector<1x16xi32>,
      %get3A_535 = vector.shape_cast %get3A_534 : vector<1x16xi32> to vector<16xi32>
      %and3A_536 = arith.constant 16383 : i32
      %and3A_537 = vector.broadcast %and3A_536 : i32 to vector<16xi32>
      %and3A_538 = arith.andi %get3A_535, %and3A_537 : vector<16xi32>
      %swap3A_539 = arith.constant 1 : i32
      %swap3A_540 = arith.index_cast %swap3A_539 : i32 to index
      %swap3A_541 = arith.constant 48 : index
      %swap3A_542 = tpu.vector_load %arg7[%swap3A_540, %swap3A_541] {strides = array<i32>} : memref<2x128xi32, #tpu.memory_space<vmem>>, vector<1x16xi32>,
      %swap3A_543 = vector.shape_cast %swap3A_542 : vector<1x16xi32> to vector<16xi32>
      %swap3A_544 = vector.shape_cast %and3A_538 : vector<16xi32> to vector<1x16xi32>
      tpu.vector_store %arg7[%swap3A_540, %swap3A_541], %swap3A_544 {strides = array<i32>} : memref<2x128xi32, #tpu.memory_space<vmem>>, vector<1x16xi32>,
      %shift_right_logical3A_545 = arith.constant 14 : i32
      %shift_right_logical3A_546 = vector.broadcast %shift_right_logical3A_545 : i32 to vector<16xi32>
      %shift_right_logical3A_547 = arith.shrui %get3A_535, %shift_right_logical3A_546 : vector<16xi32>
      %swap3A_548 = arith.constant 1 : i32
      %swap3A_549 = arith.index_cast %swap3A_548 : i32 to index
      %swap3A_550 = arith.constant 48 : index
      %swap3A_551 = tpu.vector_load %arg8[%swap3A_549, %swap3A_550] {strides = array<i32>} : memref<2x128xi32, #tpu.memory_space<vmem>>, vector<1x16xi32>,
      %swap3A_552 = vector.shape_cast %swap3A_551 : vector<1x16xi32> to vector<16xi32>
      %swap3A_553 = vector.shape_cast %shift_right_logical3A_547 : vector<16xi32> to vector<1x16xi32>
      tpu.vector_store %arg8[%swap3A_549, %swap3A_550], %swap3A_553 {strides = array<i32>} : memref<2x128xi32, #tpu.memory_space<vmem>>, vector<1x16xi32>,
      %get3A_554 = arith.index_cast %add3A_465 : i32 to index
      %get3A_555 = arith.constant 64 : index
      %get3A_556 = tpu.vector_load %arg6[%get3A_554, %get3A_555] {strides = array<i32>} : memref<158x128xi32, #tpu.memory_space<vmem>>, vector<1x16xi32>,
      %get3A_557 = vector.shape_cast %get3A_556 : vector<1x16xi32> to vector<16xi32>
      %and3A_558 = arith.constant 16383 : i32
      %and3A_559 = vector.broadcast %and3A_558 : i32 to vector<16xi32>
      %and3A_560 = arith.andi %get3A_557, %and3A_559 : vector<16xi32>
      %swap3A_561 = arith.constant 1 : i32
      %swap3A_562 = arith.index_cast %swap3A_561 : i32 to index
      %swap3A_563 = arith.constant 64 : index
      %swap3A_564 = tpu.vector_load %arg7[%swap3A_562, %swap3A_563] {strides = array<i32>} : memref<2x128xi32, #tpu.memory_space<vmem>>, vector<1x16xi32>,
      %swap3A_565 = vector.shape_cast %swap3A_564 : vector<1x16xi32> to vector<16xi32>
      %swap3A_566 = vector.shape_cast %and3A_560 : vector<16xi32> to vector<1x16xi32>
      tpu.vector_store %arg7[%swap3A_562, %swap3A_563], %swap3A_566 {strides = array<i32>} : memref<2x128xi32, #tpu.memory_space<vmem>>, vector<1x16xi32>,
      %shift_right_logical3A_567 = arith.constant 14 : i32
      %shift_right_logical3A_568 = vector.broadcast %shift_right_logical3A_567 : i32 to vector<16xi32>
      %shift_right_logical3A_569 = arith.shrui %get3A_557, %shift_right_logical3A_568 : vector<16xi32>
      %swap3A_570 = arith.constant 1 : i32
      %swap3A_571 = arith.index_cast %swap3A_570 : i32 to index
      %swap3A_572 = arith.constant 64 : index
      %swap3A_573 = tpu.vector_load %arg8[%swap3A_571, %swap3A_572] {strides = array<i32>} : memref<2x128xi32, #tpu.memory_space<vmem>>, vector<1x16xi32>,
      %swap3A_574 = vector.shape_cast %swap3A_573 : vector<1x16xi32> to vector<16xi32>
      %swap3A_575 = vector.shape_cast %shift_right_logical3A_569 : vector<16xi32> to vector<1x16xi32>
      tpu.vector_store %arg8[%swap3A_571, %swap3A_572], %swap3A_575 {strides = array<i32>} : memref<2x128xi32, #tpu.memory_space<vmem>>, vector<1x16xi32>,
      %get3A_576 = arith.index_cast %add3A_465 : i32 to index
      %get3A_577 = arith.constant 80 : index
      %get3A_578 = tpu.vector_load %arg6[%get3A_576, %get3A_577] {strides = array<i32>} : memref<158x128xi32, #tpu.memory_space<vmem>>, vector<1x16xi32>,
      %get3A_579 = vector.shape_cast %get3A_578 : vector<1x16xi32> to vector<16xi32>
      %and3A_580 = arith.constant 16383 : i32
      %and3A_581 = vector.broadcast %and3A_580 : i32 to vector<16xi32>
      %and3A_582 = arith.andi %get3A_579, %and3A_581 : vector<16xi32>
      %swap3A_583 = arith.constant 1 : i32
      %swap3A_584 = arith.index_cast %swap3A_583 : i32 to index
      %swap3A_585 = arith.constant 80 : index
      %swap3A_586 = tpu.vector_load %arg7[%swap3A_584, %swap3A_585] {strides = array<i32>} : memref<2x128xi32, #tpu.memory_space<vmem>>, vector<1x16xi32>,
      %swap3A_587 = vector.shape_cast %swap3A_586 : vector<1x16xi32> to vector<16xi32>
      %swap3A_588 = vector.shape_cast %and3A_582 : vector<16xi32> to vector<1x16xi32>
      tpu.vector_store %arg7[%swap3A_584, %swap3A_585], %swap3A_588 {strides = array<i32>} : memref<2x128xi32, #tpu.memory_space<vmem>>, vector<1x16xi32>,
      %shift_right_logical3A_589 = arith.constant 14 : i32
      %shift_right_logical3A_590 = vector.broadcast %shift_right_logical3A_589 : i32 to vector<16xi32>
      %shift_right_logical3A_591 = arith.shrui %get3A_579, %shift_right_logical3A_590 : vector<16xi32>
      %swap3A_592 = arith.constant 1 : i32
      %swap3A_593 = arith.index_cast %swap3A_592 : i32 to index
      %swap3A_594 = arith.constant 80 : index
      %swap3A_595 = tpu.vector_load %arg8[%swap3A_593, %swap3A_594] {strides = array<i32>} : memref<2x128xi32, #tpu.memory_space<vmem>>, vector<1x16xi32>,
      %swap3A_596 = vector.shape_cast %swap3A_595 : vector<1x16xi32> to vector<16xi32>
      %swap3A_597 = vector.shape_cast %shift_right_logical3A_591 : vector<16xi32> to vector<1x16xi32>
      tpu.vector_store %arg8[%swap3A_593, %swap3A_594], %swap3A_597 {strides = array<i32>} : memref<2x128xi32, #tpu.memory_space<vmem>>, vector<1x16xi32>,
      %get3A_598 = arith.index_cast %add3A_465 : i32 to index
      %get3A_599 = arith.constant 96 : index
      %get3A_600 = tpu.vector_load %arg6[%get3A_598, %get3A_599] {strides = array<i32>} : memref<158x128xi32, #tpu.memory_space<vmem>>, vector<1x16xi32>,
      %get3A_601 = vector.shape_cast %get3A_600 : vector<1x16xi32> to vector<16xi32>
      %and3A_602 = arith.constant 16383 : i32
      %and3A_603 = vector.broadcast %and3A_602 : i32 to vector<16xi32>
      %and3A_604 = arith.andi %get3A_601, %and3A_603 : vector<16xi32>
      %swap3A_605 = arith.constant 1 : i32
      %swap3A_606 = arith.index_cast %swap3A_605 : i32 to index
      %swap3A_607 = arith.constant 96 : index
      %swap3A_608 = tpu.vector_load %arg7[%swap3A_606, %swap3A_607] {strides = array<i32>} : memref<2x128xi32, #tpu.memory_space<vmem>>, vector<1x16xi32>,
      %swap3A_609 = vector.shape_cast %swap3A_608 : vector<1x16xi32> to vector<16xi32>
      %swap3A_610 = vector.shape_cast %and3A_604 : vector<16xi32> to vector<1x16xi32>
      tpu.vector_store %arg7[%swap3A_606, %swap3A_607], %swap3A_610 {strides = array<i32>} : memref<2x128xi32, #tpu.memory_space<vmem>>, vector<1x16xi32>,
      %shift_right_logical3A_611 = arith.constant 14 : i32
      %shift_right_logical3A_612 = vector.broadcast %shift_right_logical3A_611 : i32 to vector<16xi32>
      %shift_right_logical3A_613 = arith.shrui %get3A_601, %shift_right_logical3A_612 : vector<16xi32>
      %swap3A_614 = arith.constant 1 : i32
      %swap3A_615 = arith.index_cast %swap3A_614 : i32 to index
      %swap3A_616 = arith.constant 96 : index
      %swap3A_617 = tpu.vector_load %arg8[%swap3A_615, %swap3A_616] {strides = array<i32>} : memref<2x128xi32, #tpu.memory_space<vmem>>, vector<1x16xi32>,
      %swap3A_618 = vector.shape_cast %swap3A_617 : vector<1x16xi32> to vector<16xi32>
      %swap3A_619 = vector.shape_cast %shift_right_logical3A_613 : vector<16xi32> to vector<1x16xi32>
      tpu.vector_store %arg8[%swap3A_615, %swap3A_616], %swap3A_619 {strides = array<i32>} : memref<2x128xi32, #tpu.memory_space<vmem>>, vector<1x16xi32>,
      %get3A_620 = arith.index_cast %add3A_465 : i32 to index
      %get3A_621 = arith.constant 112 : index
      %get3A_622 = tpu.vector_load %arg6[%get3A_620, %get3A_621] {strides = array<i32>} : memref<158x128xi32, #tpu.memory_space<vmem>>, vector<1x16xi32>,
      %get3A_623 = vector.shape_cast %get3A_622 : vector<1x16xi32> to vector<16xi32>
      %and3A_624 = arith.constant 16383 : i32
      %and3A_625 = vector.broadcast %and3A_624 : i32 to vector<16xi32>
      %and3A_626 = arith.andi %get3A_623, %and3A_625 : vector<16xi32>
      %swap3A_627 = arith.constant 1 : i32
      %swap3A_628 = arith.index_cast %swap3A_627 : i32 to index
      %swap3A_629 = arith.constant 112 : index
      %swap3A_630 = tpu.vector_load %arg7[%swap3A_628, %swap3A_629] {strides = array<i32>} : memref<2x128xi32, #tpu.memory_space<vmem>>, vector<1x16xi32>,
      %swap3A_631 = vector.shape_cast %swap3A_630 : vector<1x16xi32> to vector<16xi32>
      %swap3A_632 = vector.shape_cast %and3A_626 : vector<16xi32> to vector<1x16xi32>
      tpu.vector_store %arg7[%swap3A_628, %swap3A_629], %swap3A_632 {strides = array<i32>} : memref<2x128xi32, #tpu.memory_space<vmem>>, vector<1x16xi32>,
      %shift_right_logical3A_633 = arith.constant 14 : i32
      %shift_right_logical3A_634 = vector.broadcast %shift_right_logical3A_633 : i32 to vector<16xi32>
      %shift_right_logical3A_635 = arith.shrui %get3A_623, %shift_right_logical3A_634 : vector<16xi32>
      %swap3A_636 = arith.constant 1 : i32
      %swap3A_637 = arith.index_cast %swap3A_636 : i32 to index
      %swap3A_638 = arith.constant 112 : index
      %swap3A_639 = tpu.vector_load %arg8[%swap3A_637, %swap3A_638] {strides = array<i32>} : memref<2x128xi32, #tpu.memory_space<vmem>>, vector<1x16xi32>,
      %swap3A_640 = vector.shape_cast %swap3A_639 : vector<1x16xi32> to vector<16xi32>
      %swap3A_641 = vector.shape_cast %shift_right_logical3A_635 : vector<16xi32> to vector<1x16xi32>
      tpu.vector_store %arg8[%swap3A_637, %swap3A_638], %swap3A_641 {strides = array<i32>} : memref<2x128xi32, #tpu.memory_space<vmem>>, vector<1x16xi32>,
      %dma_start3A_642 = arith.constant 1 : i32
      %dma_start3A_643 = arith.constant 0 : i32
      %dma_start3A_644 = tpu.memref_slice %arg7[%dma_start3A_642, %dma_start3A_643] : memref<2x128xi32, #tpu.memory_space<vmem>> -> memref<1x128xi32, #tpu.memory_space<vmem>>
      %dma_start3A_645 = tpu.memref_squeeze %dma_start3A_644 : memref<1x128xi32, #tpu.memory_space<vmem>> -> memref<128xi32, #tpu.memory_space<vmem>>
      %dma_start3A_646 = arith.constant 0 : i32
      %dma_start3A_647 = arith.constant 0 : i32
      %dma_start3A_648 = tpu.memref_slice %arg2[%arg0, %dma_start3A_646, %dma_start3A_647] : memref<2x10000x64xf32, #tpu.memory_space<hbm>> -> memref<1x10000x64xf32, #tpu.memory_space<hbm>>
      %dma_start3A_649 = tpu.memref_squeeze %dma_start3A_648 : memref<1x10000x64xf32, #tpu.memory_space<hbm>> -> memref<10000x64xf32, #tpu.memory_space<hbm>>
      %dma_start3A_650 = arith.constant 0 : i32
      %dma_start3A_651 = arith.constant 0 : i32
      %dma_start3A_652 = tpu.memref_slice %dma_start3A_649[%dma_start3A_650, %dma_start3A_651] : memref<10000x64xf32, #tpu.memory_space<hbm>> -> memref<10000x64xf32, #tpu.memory_space<hbm>>
      tpu.enqueue_indirect_dma source(%dma_start3A_652 : memref<10000x64xf32, #tpu.memory_space<hbm>>) target(%arg10 : memref<128x64xf32, #tpu.memory_space<vmem>>) offsets(%dma_start3A_645 : memref<128xi32, #tpu.memory_space<vmem>>) semaphore(%arg17 : memref<!tpu.dma_semaphore, #tpu.memory_space<semaphore_mem>>)
      %dma_wait3A_653 = arith.constant 0 : i32
      %dma_wait3A_654 = arith.constant 0 : i32
      %dma_wait3A_655 = tpu.memref_slice %arg7[%dma_wait3A_653, %dma_wait3A_654] : memref<2x128xi32, #tpu.memory_space<vmem>> -> memref<1x128xi32, #tpu.memory_space<vmem>>
      %dma_wait3A_656 = tpu.memref_squeeze %dma_wait3A_655 : memref<1x128xi32, #tpu.memory_space<vmem>> -> memref<128xi32, #tpu.memory_space<vmem>>
      %dma_wait3A_657 = arith.constant 0 : i32
      %dma_wait3A_658 = arith.constant 0 : i32
      %dma_wait3A_659 = tpu.memref_slice %arg2[%arg0, %dma_wait3A_657, %dma_wait3A_658] : memref<2x10000x64xf32, #tpu.memory_space<hbm>> -> memref<1x10000x64xf32, #tpu.memory_space<hbm>>
      %dma_wait3A_660 = tpu.memref_squeeze %dma_wait3A_659 : memref<1x10000x64xf32, #tpu.memory_space<hbm>> -> memref<10000x64xf32, #tpu.memory_space<hbm>>
      %dma_wait3A_661 = arith.constant 0 : i32
      %dma_wait3A_662 = arith.constant 0 : i32
      %dma_wait3A_663 = tpu.memref_slice %dma_wait3A_660[%dma_wait3A_661, %dma_wait3A_662] : memref<10000x64xf32, #tpu.memory_space<hbm>> -> memref<10000x64xf32, #tpu.memory_space<hbm>>
      tpu.wait_indirect_dma semaphore(%arg16 : memref<!tpu.dma_semaphore, #tpu.memory_space<semaphore_mem>>) src(%dma_wait3A_663 : memref<10000x64xf32, #tpu.memory_space<hbm>>) dst(%arg9 : memref<128x64xf32, #tpu.memory_space<vmem>>)
      %run_scoped3A_664 = arith.constant 0 : i32
      "tpu.region"() ({
        %run_scoped3A_868 = tpu.sem_alloc : memref<!tpu.dma_semaphore, #tpu.memory_space<semaphore_mem>>
        %dma_start3A_869 = arith.constant 0 : i32
        %dma_start3A_870 = tpu.memref_slice %arg8[%run_scoped3A_664, %dma_start3A_869] : memref<2x128xi32, #tpu.memory_space<vmem>> -> memref<1x128xi32, #tpu.memory_space<vmem>>
        %dma_start3A_871 = tpu.memref_squeeze %dma_start3A_870 : memref<1x128xi32, #tpu.memory_space<vmem>> -> memref<128xi32, #tpu.memory_space<vmem>>
        %dma_start3A_872 = arith.constant 0 : i32
        %dma_start3A_873 = arith.constant 0 : i32
        %dma_start3A_874 = tpu.memref_slice %arg14[%dma_start3A_872, %dma_start3A_873] : memref<10112x64xf32, #tpu.memory_space<vmem_shared>> -> memref<10112x64xf32, #tpu.memory_space<vmem_shared>>
        tpu.enqueue_indirect_dma source(%arg9 : memref<128x64xf32, #tpu.memory_space<vmem>>) target(%dma_start3A_874 : memref<10112x64xf32, #tpu.memory_space<vmem_shared>>) offsets(%dma_start3A_871 : memref<128xi32, #tpu.memory_space<vmem>>) semaphore(%run_scoped3A_868 : memref<!tpu.dma_semaphore, #tpu.memory_space<semaphore_mem>>) {add = true}
        %dma_wait3A_875 = arith.constant 0 : i32
        %dma_wait3A_876 = tpu.memref_slice %arg8[%run_scoped3A_664, %dma_wait3A_875] : memref<2x128xi32, #tpu.memory_space<vmem>> -> memref<1x128xi32, #tpu.memory_space<vmem>>
        %dma_wait3A_877 = tpu.memref_squeeze %dma_wait3A_876 : memref<1x128xi32, #tpu.memory_space<vmem>> -> memref<128xi32, #tpu.memory_space<vmem>>
        %dma_wait3A_878 = arith.constant 0 : i32
        %dma_wait3A_879 = arith.constant 0 : i32
        %dma_wait3A_880 = tpu.memref_slice %arg14[%dma_wait3A_878, %dma_wait3A_879] : memref<10112x64xf32, #tpu.memory_space<vmem_shared>> -> memref<10112x64xf32, #tpu.memory_space<vmem_shared>>
        tpu.wait_indirect_dma semaphore(%run_scoped3A_868 : memref<!tpu.dma_semaphore, #tpu.memory_space<semaphore_mem>>) src(%arg9 : memref<128x64xf32, #tpu.memory_space<vmem>>) dst(%dma_wait3A_880 : memref<10112x64xf32, #tpu.memory_space<vmem_shared>>)
        tpu.yield
      }) : () -> ()
      %run_scoped3A_665 = arith.constant 0 : i32
      "tpu.region"() ({
        %run_scoped3A_868 = tpu.sem_alloc : memref<!tpu.dma_semaphore, #tpu.memory_space<semaphore_mem>>
        %dma_start3A_869 = arith.constant 0 : i32
        %dma_start3A_870 = tpu.memref_slice %arg8[%run_scoped3A_665, %dma_start3A_869] : memref<2x128xi32, #tpu.memory_space<vmem>> -> memref<1x128xi32, #tpu.memory_space<vmem>>
        %dma_start3A_871 = tpu.memref_squeeze %dma_start3A_870 : memref<1x128xi32, #tpu.memory_space<vmem>> -> memref<128xi32, #tpu.memory_space<vmem>>
        %dma_start3A_872 = arith.constant 0 : i32
        %dma_start3A_873 = tpu.memref_slice %arg15[%dma_start3A_872] : memref<10112xf32, #tpu.memory_space<vmem_shared>> -> memref<10112xf32, #tpu.memory_space<vmem_shared>>
        tpu.enqueue_indirect_dma source(%arg11 : memref<128xf32, #tpu.memory_space<vmem>>) target(%dma_start3A_873 : memref<10112xf32, #tpu.memory_space<vmem_shared>>) offsets(%dma_start3A_871 : memref<128xi32, #tpu.memory_space<vmem>>) semaphore(%run_scoped3A_868 : memref<!tpu.dma_semaphore, #tpu.memory_space<semaphore_mem>>) {add = true}
        %dma_wait3A_874 = arith.constant 0 : i32
        %dma_wait3A_875 = tpu.memref_slice %arg8[%run_scoped3A_665, %dma_wait3A_874] : memref<2x128xi32, #tpu.memory_space<vmem>> -> memref<1x128xi32, #tpu.memory_space<vmem>>
        %dma_wait3A_876 = tpu.memref_squeeze %dma_wait3A_875 : memref<1x128xi32, #tpu.memory_space<vmem>> -> memref<128xi32, #tpu.memory_space<vmem>>
        %dma_wait3A_877 = arith.constant 0 : i32
        %dma_wait3A_878 = tpu.memref_slice %arg15[%dma_wait3A_877] : memref<10112xf32, #tpu.memory_space<vmem_shared>> -> memref<10112xf32, #tpu.memory_space<vmem_shared>>
        tpu.wait_indirect_dma semaphore(%run_scoped3A_868 : memref<!tpu.dma_semaphore, #tpu.memory_space<semaphore_mem>>) src(%arg11 : memref<128xf32, #tpu.memory_space<vmem>>) dst(%dma_wait3A_878 : memref<10112xf32, #tpu.memory_space<vmem_shared>>)
        tpu.yield
      }) : () -> ()
      %add3A_666 = arith.constant 2 : i32
      %add3A_667 = arith.addi %add3A_463, %add3A_666 : i32
      %get3A_668 = arith.index_cast %add3A_667 : i32 to index
      %get3A_669 = arith.constant 0 : index
      %get3A_670 = tpu.vector_load %arg6[%get3A_668, %get3A_669] {strides = array<i32>} : memref<158x128xi32, #tpu.memory_space<vmem>>, vector<1x16xi32>,
      %get3A_671 = vector.shape_cast %get3A_670 : vector<1x16xi32> to vector<16xi32>
      %and3A_672 = arith.constant 16383 : i32
      %and3A_673 = vector.broadcast %and3A_672 : i32 to vector<16xi32>
      %and3A_674 = arith.andi %get3A_671, %and3A_673 : vector<16xi32>
      %swap3A_675 = arith.constant 0 : i32
      %swap3A_676 = arith.index_cast %swap3A_675 : i32 to index
      %swap3A_677 = arith.constant 0 : index
      %swap3A_678 = tpu.vector_load %arg7[%swap3A_676, %swap3A_677] {strides = array<i32>} : memref<2x128xi32, #tpu.memory_space<vmem>>, vector<1x16xi32>,
      %swap3A_679 = vector.shape_cast %swap3A_678 : vector<1x16xi32> to vector<16xi32>
      %swap3A_680 = vector.shape_cast %and3A_674 : vector<16xi32> to vector<1x16xi32>
      tpu.vector_store %arg7[%swap3A_676, %swap3A_677], %swap3A_680 {strides = array<i32>} : memref<2x128xi32, #tpu.memory_space<vmem>>, vector<1x16xi32>,
      %shift_right_logical3A_681 = arith.constant 14 : i32
      %shift_right_logical3A_682 = vector.broadcast %shift_right_logical3A_681 : i32 to vector<16xi32>
      %shift_right_logical3A_683 = arith.shrui %get3A_671, %shift_right_logical3A_682 : vector<16xi32>
      %swap3A_684 = arith.constant 0 : i32
      %swap3A_685 = arith.index_cast %swap3A_684 : i32 to index
      %swap3A_686 = arith.constant 0 : index
      %swap3A_687 = tpu.vector_load %arg8[%swap3A_685, %swap3A_686] {strides = array<i32>} : memref<2x128xi32, #tpu.memory_space<vmem>>, vector<1x16xi32>,
      %swap3A_688 = vector.shape_cast %swap3A_687 : vector<1x16xi32> to vector<16xi32>
      %swap3A_689 = vector.shape_cast %shift_right_logical3A_683 : vector<16xi32> to vector<1x16xi32>
      tpu.vector_store %arg8[%swap3A_685, %swap3A_686], %swap3A_689 {strides = array<i32>} : memref<2x128xi32, #tpu.memory_space<vmem>>, vector<1x16xi32>,
      %get3A_690 = arith.index_cast %add3A_667 : i32 to index
      %get3A_691 = arith.constant 16 : index
      %get3A_692 = tpu.vector_load %arg6[%get3A_690, %get3A_691] {strides = array<i32>} : memref<158x128xi32, #tpu.memory_space<vmem>>, vector<1x16xi32>,
      %get3A_693 = vector.shape_cast %get3A_692 : vector<1x16xi32> to vector<16xi32>
      %and3A_694 = arith.constant 16383 : i32
      %and3A_695 = vector.broadcast %and3A_694 : i32 to vector<16xi32>
      %and3A_696 = arith.andi %get3A_693, %and3A_695 : vector<16xi32>
      %swap3A_697 = arith.constant 0 : i32
      %swap3A_698 = arith.index_cast %swap3A_697 : i32 to index
      %swap3A_699 = arith.constant 16 : index
      %swap3A_700 = tpu.vector_load %arg7[%swap3A_698, %swap3A_699] {strides = array<i32>} : memref<2x128xi32, #tpu.memory_space<vmem>>, vector<1x16xi32>,
      %swap3A_701 = vector.shape_cast %swap3A_700 : vector<1x16xi32> to vector<16xi32>
      %swap3A_702 = vector.shape_cast %and3A_696 : vector<16xi32> to vector<1x16xi32>
      tpu.vector_store %arg7[%swap3A_698, %swap3A_699], %swap3A_702 {strides = array<i32>} : memref<2x128xi32, #tpu.memory_space<vmem>>, vector<1x16xi32>,
      %shift_right_logical3A_703 = arith.constant 14 : i32
      %shift_right_logical3A_704 = vector.broadcast %shift_right_logical3A_703 : i32 to vector<16xi32>
      %shift_right_logical3A_705 = arith.shrui %get3A_693, %shift_right_logical3A_704 : vector<16xi32>
      %swap3A_706 = arith.constant 0 : i32
      %swap3A_707 = arith.index_cast %swap3A_706 : i32 to index
      %swap3A_708 = arith.constant 16 : index
      %swap3A_709 = tpu.vector_load %arg8[%swap3A_707, %swap3A_708] {strides = array<i32>} : memref<2x128xi32, #tpu.memory_space<vmem>>, vector<1x16xi32>,
      %swap3A_710 = vector.shape_cast %swap3A_709 : vector<1x16xi32> to vector<16xi32>
      %swap3A_711 = vector.shape_cast %shift_right_logical3A_705 : vector<16xi32> to vector<1x16xi32>
      tpu.vector_store %arg8[%swap3A_707, %swap3A_708], %swap3A_711 {strides = array<i32>} : memref<2x128xi32, #tpu.memory_space<vmem>>, vector<1x16xi32>,
      %get3A_712 = arith.index_cast %add3A_667 : i32 to index
      %get3A_713 = arith.constant 32 : index
      %get3A_714 = tpu.vector_load %arg6[%get3A_712, %get3A_713] {strides = array<i32>} : memref<158x128xi32, #tpu.memory_space<vmem>>, vector<1x16xi32>,
      %get3A_715 = vector.shape_cast %get3A_714 : vector<1x16xi32> to vector<16xi32>
      %and3A_716 = arith.constant 16383 : i32
      %and3A_717 = vector.broadcast %and3A_716 : i32 to vector<16xi32>
      %and3A_718 = arith.andi %get3A_715, %and3A_717 : vector<16xi32>
      %swap3A_719 = arith.constant 0 : i32
      %swap3A_720 = arith.index_cast %swap3A_719 : i32 to index
      %swap3A_721 = arith.constant 32 : index
      %swap3A_722 = tpu.vector_load %arg7[%swap3A_720, %swap3A_721] {strides = array<i32>} : memref<2x128xi32, #tpu.memory_space<vmem>>, vector<1x16xi32>,
      %swap3A_723 = vector.shape_cast %swap3A_722 : vector<1x16xi32> to vector<16xi32>
      %swap3A_724 = vector.shape_cast %and3A_718 : vector<16xi32> to vector<1x16xi32>
      tpu.vector_store %arg7[%swap3A_720, %swap3A_721], %swap3A_724 {strides = array<i32>} : memref<2x128xi32, #tpu.memory_space<vmem>>, vector<1x16xi32>,
      %shift_right_logical3A_725 = arith.constant 14 : i32
      %shift_right_logical3A_726 = vector.broadcast %shift_right_logical3A_725 : i32 to vector<16xi32>
      %shift_right_logical3A_727 = arith.shrui %get3A_715, %shift_right_logical3A_726 : vector<16xi32>
      %swap3A_728 = arith.constant 0 : i32
      %swap3A_729 = arith.index_cast %swap3A_728 : i32 to index
      %swap3A_730 = arith.constant 32 : index
      %swap3A_731 = tpu.vector_load %arg8[%swap3A_729, %swap3A_730] {strides = array<i32>} : memref<2x128xi32, #tpu.memory_space<vmem>>, vector<1x16xi32>,
      %swap3A_732 = vector.shape_cast %swap3A_731 : vector<1x16xi32> to vector<16xi32>
      %swap3A_733 = vector.shape_cast %shift_right_logical3A_727 : vector<16xi32> to vector<1x16xi32>
      tpu.vector_store %arg8[%swap3A_729, %swap3A_730], %swap3A_733 {strides = array<i32>} : memref<2x128xi32, #tpu.memory_space<vmem>>, vector<1x16xi32>,
      %get3A_734 = arith.index_cast %add3A_667 : i32 to index
      %get3A_735 = arith.constant 48 : index
      %get3A_736 = tpu.vector_load %arg6[%get3A_734, %get3A_735] {strides = array<i32>} : memref<158x128xi32, #tpu.memory_space<vmem>>, vector<1x16xi32>,
      %get3A_737 = vector.shape_cast %get3A_736 : vector<1x16xi32> to vector<16xi32>
      %and3A_738 = arith.constant 16383 : i32
      %and3A_739 = vector.broadcast %and3A_738 : i32 to vector<16xi32>
      %and3A_740 = arith.andi %get3A_737, %and3A_739 : vector<16xi32>
      %swap3A_741 = arith.constant 0 : i32
      %swap3A_742 = arith.index_cast %swap3A_741 : i32 to index
      %swap3A_743 = arith.constant 48 : index
      %swap3A_744 = tpu.vector_load %arg7[%swap3A_742, %swap3A_743] {strides = array<i32>} : memref<2x128xi32, #tpu.memory_space<vmem>>, vector<1x16xi32>,
      %swap3A_745 = vector.shape_cast %swap3A_744 : vector<1x16xi32> to vector<16xi32>
      %swap3A_746 = vector.shape_cast %and3A_740 : vector<16xi32> to vector<1x16xi32>
      tpu.vector_store %arg7[%swap3A_742, %swap3A_743], %swap3A_746 {strides = array<i32>} : memref<2x128xi32, #tpu.memory_space<vmem>>, vector<1x16xi32>,
      %shift_right_logical3A_747 = arith.constant 14 : i32
      %shift_right_logical3A_748 = vector.broadcast %shift_right_logical3A_747 : i32 to vector<16xi32>
      %shift_right_logical3A_749 = arith.shrui %get3A_737, %shift_right_logical3A_748 : vector<16xi32>
      %swap3A_750 = arith.constant 0 : i32
      %swap3A_751 = arith.index_cast %swap3A_750 : i32 to index
      %swap3A_752 = arith.constant 48 : index
      %swap3A_753 = tpu.vector_load %arg8[%swap3A_751, %swap3A_752] {strides = array<i32>} : memref<2x128xi32, #tpu.memory_space<vmem>>, vector<1x16xi32>,
      %swap3A_754 = vector.shape_cast %swap3A_753 : vector<1x16xi32> to vector<16xi32>
      %swap3A_755 = vector.shape_cast %shift_right_logical3A_749 : vector<16xi32> to vector<1x16xi32>
      tpu.vector_store %arg8[%swap3A_751, %swap3A_752], %swap3A_755 {strides = array<i32>} : memref<2x128xi32, #tpu.memory_space<vmem>>, vector<1x16xi32>,
      %get3A_756 = arith.index_cast %add3A_667 : i32 to index
      %get3A_757 = arith.constant 64 : index
      %get3A_758 = tpu.vector_load %arg6[%get3A_756, %get3A_757] {strides = array<i32>} : memref<158x128xi32, #tpu.memory_space<vmem>>, vector<1x16xi32>,
      %get3A_759 = vector.shape_cast %get3A_758 : vector<1x16xi32> to vector<16xi32>
      %and3A_760 = arith.constant 16383 : i32
      %and3A_761 = vector.broadcast %and3A_760 : i32 to vector<16xi32>
      %and3A_762 = arith.andi %get3A_759, %and3A_761 : vector<16xi32>
      %swap3A_763 = arith.constant 0 : i32
      %swap3A_764 = arith.index_cast %swap3A_763 : i32 to index
      %swap3A_765 = arith.constant 64 : index
      %swap3A_766 = tpu.vector_load %arg7[%swap3A_764, %swap3A_765] {strides = array<i32>} : memref<2x128xi32, #tpu.memory_space<vmem>>, vector<1x16xi32>,
      %swap3A_767 = vector.shape_cast %swap3A_766 : vector<1x16xi32> to vector<16xi32>
      %swap3A_768 = vector.shape_cast %and3A_762 : vector<16xi32> to vector<1x16xi32>
      tpu.vector_store %arg7[%swap3A_764, %swap3A_765], %swap3A_768 {strides = array<i32>} : memref<2x128xi32, #tpu.memory_space<vmem>>, vector<1x16xi32>,
      %shift_right_logical3A_769 = arith.constant 14 : i32
      %shift_right_logical3A_770 = vector.broadcast %shift_right_logical3A_769 : i32 to vector<16xi32>
      %shift_right_logical3A_771 = arith.shrui %get3A_759, %shift_right_logical3A_770 : vector<16xi32>
      %swap3A_772 = arith.constant 0 : i32
      %swap3A_773 = arith.index_cast %swap3A_772 : i32 to index
      %swap3A_774 = arith.constant 64 : index
      %swap3A_775 = tpu.vector_load %arg8[%swap3A_773, %swap3A_774] {strides = array<i32>} : memref<2x128xi32, #tpu.memory_space<vmem>>, vector<1x16xi32>,
      %swap3A_776 = vector.shape_cast %swap3A_775 : vector<1x16xi32> to vector<16xi32>
      %swap3A_777 = vector.shape_cast %shift_right_logical3A_771 : vector<16xi32> to vector<1x16xi32>
      tpu.vector_store %arg8[%swap3A_773, %swap3A_774], %swap3A_777 {strides = array<i32>} : memref<2x128xi32, #tpu.memory_space<vmem>>, vector<1x16xi32>,
      %get3A_778 = arith.index_cast %add3A_667 : i32 to index
      %get3A_779 = arith.constant 80 : index
      %get3A_780 = tpu.vector_load %arg6[%get3A_778, %get3A_779] {strides = array<i32>} : memref<158x128xi32, #tpu.memory_space<vmem>>, vector<1x16xi32>,
      %get3A_781 = vector.shape_cast %get3A_780 : vector<1x16xi32> to vector<16xi32>
      %and3A_782 = arith.constant 16383 : i32
      %and3A_783 = vector.broadcast %and3A_782 : i32 to vector<16xi32>
      %and3A_784 = arith.andi %get3A_781, %and3A_783 : vector<16xi32>
      %swap3A_785 = arith.constant 0 : i32
      %swap3A_786 = arith.index_cast %swap3A_785 : i32 to index
      %swap3A_787 = arith.constant 80 : index
      %swap3A_788 = tpu.vector_load %arg7[%swap3A_786, %swap3A_787] {strides = array<i32>} : memref<2x128xi32, #tpu.memory_space<vmem>>, vector<1x16xi32>,
      %swap3A_789 = vector.shape_cast %swap3A_788 : vector<1x16xi32> to vector<16xi32>
      %swap3A_790 = vector.shape_cast %and3A_784 : vector<16xi32> to vector<1x16xi32>
      tpu.vector_store %arg7[%swap3A_786, %swap3A_787], %swap3A_790 {strides = array<i32>} : memref<2x128xi32, #tpu.memory_space<vmem>>, vector<1x16xi32>,
      %shift_right_logical3A_791 = arith.constant 14 : i32
      %shift_right_logical3A_792 = vector.broadcast %shift_right_logical3A_791 : i32 to vector<16xi32>
      %shift_right_logical3A_793 = arith.shrui %get3A_781, %shift_right_logical3A_792 : vector<16xi32>
      %swap3A_794 = arith.constant 0 : i32
      %swap3A_795 = arith.index_cast %swap3A_794 : i32 to index
      %swap3A_796 = arith.constant 80 : index
      %swap3A_797 = tpu.vector_load %arg8[%swap3A_795, %swap3A_796] {strides = array<i32>} : memref<2x128xi32, #tpu.memory_space<vmem>>, vector<1x16xi32>,
      %swap3A_798 = vector.shape_cast %swap3A_797 : vector<1x16xi32> to vector<16xi32>
      %swap3A_799 = vector.shape_cast %shift_right_logical3A_793 : vector<16xi32> to vector<1x16xi32>
      tpu.vector_store %arg8[%swap3A_795, %swap3A_796], %swap3A_799 {strides = array<i32>} : memref<2x128xi32, #tpu.memory_space<vmem>>, vector<1x16xi32>,
      %get3A_800 = arith.index_cast %add3A_667 : i32 to index
      %get3A_801 = arith.constant 96 : index
      %get3A_802 = tpu.vector_load %arg6[%get3A_800, %get3A_801] {strides = array<i32>} : memref<158x128xi32, #tpu.memory_space<vmem>>, vector<1x16xi32>,
      %get3A_803 = vector.shape_cast %get3A_802 : vector<1x16xi32> to vector<16xi32>
      %and3A_804 = arith.constant 16383 : i32
      %and3A_805 = vector.broadcast %and3A_804 : i32 to vector<16xi32>
      %and3A_806 = arith.andi %get3A_803, %and3A_805 : vector<16xi32>
      %swap3A_807 = arith.constant 0 : i32
      %swap3A_808 = arith.index_cast %swap3A_807 : i32 to index
      %swap3A_809 = arith.constant 96 : index
      %swap3A_810 = tpu.vector_load %arg7[%swap3A_808, %swap3A_809] {strides = array<i32>} : memref<2x128xi32, #tpu.memory_space<vmem>>, vector<1x16xi32>,
      %swap3A_811 = vector.shape_cast %swap3A_810 : vector<1x16xi32> to vector<16xi32>
      %swap3A_812 = vector.shape_cast %and3A_806 : vector<16xi32> to vector<1x16xi32>
      tpu.vector_store %arg7[%swap3A_808, %swap3A_809], %swap3A_812 {strides = array<i32>} : memref<2x128xi32, #tpu.memory_space<vmem>>, vector<1x16xi32>,
      %shift_right_logical3A_813 = arith.constant 14 : i32
      %shift_right_logical3A_814 = vector.broadcast %shift_right_logical3A_813 : i32 to vector<16xi32>
      %shift_right_logical3A_815 = arith.shrui %get3A_803, %shift_right_logical3A_814 : vector<16xi32>
      %swap3A_816 = arith.constant 0 : i32
      %swap3A_817 = arith.index_cast %swap3A_816 : i32 to index
      %swap3A_818 = arith.constant 96 : index
      %swap3A_819 = tpu.vector_load %arg8[%swap3A_817, %swap3A_818] {strides = array<i32>} : memref<2x128xi32, #tpu.memory_space<vmem>>, vector<1x16xi32>,
      %swap3A_820 = vector.shape_cast %swap3A_819 : vector<1x16xi32> to vector<16xi32>
      %swap3A_821 = vector.shape_cast %shift_right_logical3A_815 : vector<16xi32> to vector<1x16xi32>
      tpu.vector_store %arg8[%swap3A_817, %swap3A_818], %swap3A_821 {strides = array<i32>} : memref<2x128xi32, #tpu.memory_space<vmem>>, vector<1x16xi32>,
      %get3A_822 = arith.index_cast %add3A_667 : i32 to index
      %get3A_823 = arith.constant 112 : index
      %get3A_824 = tpu.vector_load %arg6[%get3A_822, %get3A_823] {strides = array<i32>} : memref<158x128xi32, #tpu.memory_space<vmem>>, vector<1x16xi32>,
      %get3A_825 = vector.shape_cast %get3A_824 : vector<1x16xi32> to vector<16xi32>
      %and3A_826 = arith.constant 16383 : i32
      %and3A_827 = vector.broadcast %and3A_826 : i32 to vector<16xi32>
      %and3A_828 = arith.andi %get3A_825, %and3A_827 : vector<16xi32>
      %swap3A_829 = arith.constant 0 : i32
      %swap3A_830 = arith.index_cast %swap3A_829 : i32 to index
      %swap3A_831 = arith.constant 112 : index
      %swap3A_832 = tpu.vector_load %arg7[%swap3A_830, %swap3A_831] {strides = array<i32>} : memref<2x128xi32, #tpu.memory_space<vmem>>, vector<1x16xi32>,
      %swap3A_833 = vector.shape_cast %swap3A_832 : vector<1x16xi32> to vector<16xi32>
      %swap3A_834 = vector.shape_cast %and3A_828 : vector<16xi32> to vector<1x16xi32>
      tpu.vector_store %arg7[%swap3A_830, %swap3A_831], %swap3A_834 {strides = array<i32>} : memref<2x128xi32, #tpu.memory_space<vmem>>, vector<1x16xi32>,
      %shift_right_logical3A_835 = arith.constant 14 : i32
      %shift_right_logical3A_836 = vector.broadcast %shift_right_logical3A_835 : i32 to vector<16xi32>
      %shift_right_logical3A_837 = arith.shrui %get3A_825, %shift_right_logical3A_836 : vector<16xi32>
      %swap3A_838 = arith.constant 0 : i32
      %swap3A_839 = arith.index_cast %swap3A_838 : i32 to index
      %swap3A_840 = arith.constant 112 : index
      %swap3A_841 = tpu.vector_load %arg8[%swap3A_839, %swap3A_840] {strides = array<i32>} : memref<2x128xi32, #tpu.memory_space<vmem>>, vector<1x16xi32>,
      %swap3A_842 = vector.shape_cast %swap3A_841 : vector<1x16xi32> to vector<16xi32>
      %swap3A_843 = vector.shape_cast %shift_right_logical3A_837 : vector<16xi32> to vector<1x16xi32>
      tpu.vector_store %arg8[%swap3A_839, %swap3A_840], %swap3A_843 {strides = array<i32>} : memref<2x128xi32, #tpu.memory_space<vmem>>, vector<1x16xi32>,
      %dma_start3A_844 = arith.constant 0 : i32
      %dma_start3A_845 = arith.constant 0 : i32
      %dma_start3A_846 = tpu.memref_slice %arg7[%dma_start3A_844, %dma_start3A_845] : memref<2x128xi32, #tpu.memory_space<vmem>> -> memref<1x128xi32, #tpu.memory_space<vmem>>
      %dma_start3A_847 = tpu.memref_squeeze %dma_start3A_846 : memref<1x128xi32, #tpu.memory_space<vmem>> -> memref<128xi32, #tpu.memory_space<vmem>>
      %dma_start3A_848 = arith.constant 0 : i32
      %dma_start3A_849 = arith.constant 0 : i32
      %dma_start3A_850 = tpu.memref_slice %arg2[%arg0, %dma_start3A_848, %dma_start3A_849] : memref<2x10000x64xf32, #tpu.memory_space<hbm>> -> memref<1x10000x64xf32, #tpu.memory_space<hbm>>
      %dma_start3A_851 = tpu.memref_squeeze %dma_start3A_850 : memref<1x10000x64xf32, #tpu.memory_space<hbm>> -> memref<10000x64xf32, #tpu.memory_space<hbm>>
      %dma_start3A_852 = arith.constant 0 : i32
      %dma_start3A_853 = arith.constant 0 : i32
      %dma_start3A_854 = tpu.memref_slice %dma_start3A_851[%dma_start3A_852, %dma_start3A_853] : memref<10000x64xf32, #tpu.memory_space<hbm>> -> memref<10000x64xf32, #tpu.memory_space<hbm>>
      tpu.enqueue_indirect_dma source(%dma_start3A_854 : memref<10000x64xf32, #tpu.memory_space<hbm>>) target(%arg9 : memref<128x64xf32, #tpu.memory_space<vmem>>) offsets(%dma_start3A_847 : memref<128xi32, #tpu.memory_space<vmem>>) semaphore(%arg16 : memref<!tpu.dma_semaphore, #tpu.memory_space<semaphore_mem>>)
      %dma_wait3A_855 = arith.constant 1 : i32
      %dma_wait3A_856 = arith.constant 0 : i32
      %dma_wait3A_857 = tpu.memref_slice %arg7[%dma_wait3A_855, %dma_wait3A_856] : memref<2x128xi32, #tpu.memory_space<vmem>> -> memref<1x128xi32, #tpu.memory_space<vmem>>
      %dma_wait3A_858 = tpu.memref_squeeze %dma_wait3A_857 : memref<1x128xi32, #tpu.memory_space<vmem>> -> memref<128xi32, #tpu.memory_space<vmem>>
      %dma_wait3A_859 = arith.constant 0 : i32
      %dma_wait3A_860 = arith.constant 0 : i32
      %dma_wait3A_861 = tpu.memref_slice %arg2[%arg0, %dma_wait3A_859, %dma_wait3A_860] : memref<2x10000x64xf32, #tpu.memory_space<hbm>> -> memref<1x10000x64xf32, #tpu.memory_space<hbm>>
      %dma_wait3A_862 = tpu.memref_squeeze %dma_wait3A_861 : memref<1x10000x64xf32, #tpu.memory_space<hbm>> -> memref<10000x64xf32, #tpu.memory_space<hbm>>
      %dma_wait3A_863 = arith.constant 0 : i32
      %dma_wait3A_864 = arith.constant 0 : i32
      %dma_wait3A_865 = tpu.memref_slice %dma_wait3A_862[%dma_wait3A_863, %dma_wait3A_864] : memref<10000x64xf32, #tpu.memory_space<hbm>> -> memref<10000x64xf32, #tpu.memory_space<hbm>>
      tpu.wait_indirect_dma semaphore(%arg17 : memref<!tpu.dma_semaphore, #tpu.memory_space<semaphore_mem>>) src(%dma_wait3A_865 : memref<10000x64xf32, #tpu.memory_space<hbm>>) dst(%arg10 : memref<128x64xf32, #tpu.memory_space<vmem>>)
      %run_scoped3A_866 = arith.constant 1 : i32
      "tpu.region"() ({
        %run_scoped3A_868 = tpu.sem_alloc : memref<!tpu.dma_semaphore, #tpu.memory_space<semaphore_mem>>
        %dma_start3A_869 = arith.constant 0 : i32
        %dma_start3A_870 = tpu.memref_slice %arg8[%run_scoped3A_866, %dma_start3A_869] : memref<2x128xi32, #tpu.memory_space<vmem>> -> memref<1x128xi32, #tpu.memory_space<vmem>>
        %dma_start3A_871 = tpu.memref_squeeze %dma_start3A_870 : memref<1x128xi32, #tpu.memory_space<vmem>> -> memref<128xi32, #tpu.memory_space<vmem>>
        %dma_start3A_872 = arith.constant 0 : i32
        %dma_start3A_873 = arith.constant 0 : i32
        %dma_start3A_874 = tpu.memref_slice %arg14[%dma_start3A_872, %dma_start3A_873] : memref<10112x64xf32, #tpu.memory_space<vmem_shared>> -> memref<10112x64xf32, #tpu.memory_space<vmem_shared>>
        tpu.enqueue_indirect_dma source(%arg10 : memref<128x64xf32, #tpu.memory_space<vmem>>) target(%dma_start3A_874 : memref<10112x64xf32, #tpu.memory_space<vmem_shared>>) offsets(%dma_start3A_871 : memref<128xi32, #tpu.memory_space<vmem>>) semaphore(%run_scoped3A_868 : memref<!tpu.dma_semaphore, #tpu.memory_space<semaphore_mem>>) {add = true}
        %dma_wait3A_875 = arith.constant 0 : i32
        %dma_wait3A_876 = tpu.memref_slice %arg8[%run_scoped3A_866, %dma_wait3A_875] : memref<2x128xi32, #tpu.memory_space<vmem>> -> memref<1x128xi32, #tpu.memory_space<vmem>>
        %dma_wait3A_877 = tpu.memref_squeeze %dma_wait3A_876 : memref<1x128xi32, #tpu.memory_space<vmem>> -> memref<128xi32, #tpu.memory_space<vmem>>
        %dma_wait3A_878 = arith.constant 0 : i32
        %dma_wait3A_879 = arith.constant 0 : i32
        %dma_wait3A_880 = tpu.memref_slice %arg14[%dma_wait3A_878, %dma_wait3A_879] : memref<10112x64xf32, #tpu.memory_space<vmem_shared>> -> memref<10112x64xf32, #tpu.memory_space<vmem_shared>>
        tpu.wait_indirect_dma semaphore(%run_scoped3A_868 : memref<!tpu.dma_semaphore, #tpu.memory_space<semaphore_mem>>) src(%arg10 : memref<128x64xf32, #tpu.memory_space<vmem>>) dst(%dma_wait3A_880 : memref<10112x64xf32, #tpu.memory_space<vmem_shared>>)
        tpu.yield
      }) : () -> ()
      %run_scoped3A_867 = arith.constant 1 : i32
      "tpu.region"() ({
        %run_scoped3A_868 = tpu.sem_alloc : memref<!tpu.dma_semaphore, #tpu.memory_space<semaphore_mem>>
        %dma_start3A_869 = arith.constant 0 : i32
        %dma_start3A_870 = tpu.memref_slice %arg8[%run_scoped3A_867, %dma_start3A_869] : memref<2x128xi32, #tpu.memory_space<vmem>> -> memref<1x128xi32, #tpu.memory_space<vmem>>
        %dma_start3A_871 = tpu.memref_squeeze %dma_start3A_870 : memref<1x128xi32, #tpu.memory_space<vmem>> -> memref<128xi32, #tpu.memory_space<vmem>>
        %dma_start3A_872 = arith.constant 0 : i32
        %dma_start3A_873 = tpu.memref_slice %arg15[%dma_start3A_872] : memref<10112xf32, #tpu.memory_space<vmem_shared>> -> memref<10112xf32, #tpu.memory_space<vmem_shared>>
        tpu.enqueue_indirect_dma source(%arg11 : memref<128xf32, #tpu.memory_space<vmem>>) target(%dma_start3A_873 : memref<10112xf32, #tpu.memory_space<vmem_shared>>) offsets(%dma_start3A_871 : memref<128xi32, #tpu.memory_space<vmem>>) semaphore(%run_scoped3A_868 : memref<!tpu.dma_semaphore, #tpu.memory_space<semaphore_mem>>) {add = true}
        %dma_wait3A_874 = arith.constant 0 : i32
        %dma_wait3A_875 = tpu.memref_slice %arg8[%run_scoped3A_867, %dma_wait3A_874] : memref<2x128xi32, #tpu.memory_space<vmem>> -> memref<1x128xi32, #tpu.memory_space<vmem>>
        %dma_wait3A_876 = tpu.memref_squeeze %dma_wait3A_875 : memref<1x128xi32, #tpu.memory_space<vmem>> -> memref<128xi32, #tpu.memory_space<vmem>>
        %dma_wait3A_877 = arith.constant 0 : i32
        %dma_wait3A_878 = tpu.memref_slice %arg15[%dma_wait3A_877] : memref<10112xf32, #tpu.memory_space<vmem_shared>> -> memref<10112xf32, #tpu.memory_space<vmem_shared>>
        tpu.wait_indirect_dma semaphore(%run_scoped3A_868 : memref<!tpu.dma_semaphore, #tpu.memory_space<semaphore_mem>>) src(%arg11 : memref<128xf32, #tpu.memory_space<vmem>>) dst(%dma_wait3A_878 : memref<10112xf32, #tpu.memory_space<vmem_shared>>)
        tpu.yield
      }) : () -> ()
    }
    %scan3A_239 = arith.constant 78 : i32
    %get3A_240 = arith.constant 157 : i32
    %get3A_241 = arith.index_cast %get3A_240 : i32 to index
    %get3A_242 = arith.constant 0 : index
    %get3A_243 = tpu.vector_load %arg6[%get3A_241, %get3A_242] {strides = array<i32>} : memref<158x128xi32, #tpu.memory_space<vmem>>, vector<1x16xi32>,
    %get3A_244 = vector.shape_cast %get3A_243 : vector<1x16xi32> to vector<16xi32>
    %and3A_245 = arith.constant 16383 : i32
    %and3A_246 = vector.broadcast %and3A_245 : i32 to vector<16xi32>
    %and3A_247 = arith.andi %get3A_244, %and3A_246 : vector<16xi32>
    %swap3A_248 = arith.constant 1 : i32
    %swap3A_249 = arith.index_cast %swap3A_248 : i32 to index
    %swap3A_250 = arith.constant 0 : index
    %swap3A_251 = tpu.vector_load %arg7[%swap3A_249, %swap3A_250] {strides = array<i32>} : memref<2x128xi32, #tpu.memory_space<vmem>>, vector<1x16xi32>,
    %swap3A_252 = vector.shape_cast %swap3A_251 : vector<1x16xi32> to vector<16xi32>
    %swap3A_253 = vector.shape_cast %and3A_247 : vector<16xi32> to vector<1x16xi32>
    tpu.vector_store %arg7[%swap3A_249, %swap3A_250], %swap3A_253 {strides = array<i32>} : memref<2x128xi32, #tpu.memory_space<vmem>>, vector<1x16xi32>,
    %shift_right_logical3A_254 = arith.constant 14 : i32
    %shift_right_logical3A_255 = vector.broadcast %shift_right_logical3A_254 : i32 to vector<16xi32>
    %shift_right_logical3A_256 = arith.shrui %get3A_244, %shift_right_logical3A_255 : vector<16xi32>
    %swap3A_257 = arith.constant 1 : i32
    %swap3A_258 = arith.index_cast %swap3A_257 : i32 to index
    %swap3A_259 = arith.constant 0 : index
    %swap3A_260 = tpu.vector_load %arg8[%swap3A_258, %swap3A_259] {strides = array<i32>} : memref<2x128xi32, #tpu.memory_space<vmem>>, vector<1x16xi32>,
    %swap3A_261 = vector.shape_cast %swap3A_260 : vector<1x16xi32> to vector<16xi32>
    %swap3A_262 = vector.shape_cast %shift_right_logical3A_256 : vector<16xi32> to vector<1x16xi32>
    tpu.vector_store %arg8[%swap3A_258, %swap3A_259], %swap3A_262 {strides = array<i32>} : memref<2x128xi32, #tpu.memory_space<vmem>>, vector<1x16xi32>,
    %get3A_263 = arith.constant 157 : i32
    %get3A_264 = arith.index_cast %get3A_263 : i32 to index
    %get3A_265 = arith.constant 16 : index
    %get3A_266 = tpu.vector_load %arg6[%get3A_264, %get3A_265] {strides = array<i32>} : memref<158x128xi32, #tpu.memory_space<vmem>>, vector<1x16xi32>,
    %get3A_267 = vector.shape_cast %get3A_266 : vector<1x16xi32> to vector<16xi32>
    %and3A_268 = arith.constant 16383 : i32
    %and3A_269 = vector.broadcast %and3A_268 : i32 to vector<16xi32>
    %and3A_270 = arith.andi %get3A_267, %and3A_269 : vector<16xi32>
    %swap3A_271 = arith.constant 1 : i32
    %swap3A_272 = arith.index_cast %swap3A_271 : i32 to index
    %swap3A_273 = arith.constant 16 : index
    %swap3A_274 = tpu.vector_load %arg7[%swap3A_272, %swap3A_273] {strides = array<i32>} : memref<2x128xi32, #tpu.memory_space<vmem>>, vector<1x16xi32>,
    %swap3A_275 = vector.shape_cast %swap3A_274 : vector<1x16xi32> to vector<16xi32>
    %swap3A_276 = vector.shape_cast %and3A_270 : vector<16xi32> to vector<1x16xi32>
    tpu.vector_store %arg7[%swap3A_272, %swap3A_273], %swap3A_276 {strides = array<i32>} : memref<2x128xi32, #tpu.memory_space<vmem>>, vector<1x16xi32>,
    %shift_right_logical3A_277 = arith.constant 14 : i32
    %shift_right_logical3A_278 = vector.broadcast %shift_right_logical3A_277 : i32 to vector<16xi32>
    %shift_right_logical3A_279 = arith.shrui %get3A_267, %shift_right_logical3A_278 : vector<16xi32>
    %swap3A_280 = arith.constant 1 : i32
    %swap3A_281 = arith.index_cast %swap3A_280 : i32 to index
    %swap3A_282 = arith.constant 16 : index
    %swap3A_283 = tpu.vector_load %arg8[%swap3A_281, %swap3A_282] {strides = array<i32>} : memref<2x128xi32, #tpu.memory_space<vmem>>, vector<1x16xi32>,
    %swap3A_284 = vector.shape_cast %swap3A_283 : vector<1x16xi32> to vector<16xi32>
    %swap3A_285 = vector.shape_cast %shift_right_logical3A_279 : vector<16xi32> to vector<1x16xi32>
    tpu.vector_store %arg8[%swap3A_281, %swap3A_282], %swap3A_285 {strides = array<i32>} : memref<2x128xi32, #tpu.memory_space<vmem>>, vector<1x16xi32>,
    %get3A_286 = arith.constant 157 : i32
    %get3A_287 = arith.index_cast %get3A_286 : i32 to index
    %get3A_288 = arith.constant 32 : index
    %get3A_289 = tpu.vector_load %arg6[%get3A_287, %get3A_288] {strides = array<i32>} : memref<158x128xi32, #tpu.memory_space<vmem>>, vector<1x16xi32>,
    %get3A_290 = vector.shape_cast %get3A_289 : vector<1x16xi32> to vector<16xi32>
    %and3A_291 = arith.constant 16383 : i32
    %and3A_292 = vector.broadcast %and3A_291 : i32 to vector<16xi32>
    %and3A_293 = arith.andi %get3A_290, %and3A_292 : vector<16xi32>
    %swap3A_294 = arith.constant 1 : i32
    %swap3A_295 = arith.index_cast %swap3A_294 : i32 to index
    %swap3A_296 = arith.constant 32 : index
    %swap3A_297 = tpu.vector_load %arg7[%swap3A_295, %swap3A_296] {strides = array<i32>} : memref<2x128xi32, #tpu.memory_space<vmem>>, vector<1x16xi32>,
    %swap3A_298 = vector.shape_cast %swap3A_297 : vector<1x16xi32> to vector<16xi32>
    %swap3A_299 = vector.shape_cast %and3A_293 : vector<16xi32> to vector<1x16xi32>
    tpu.vector_store %arg7[%swap3A_295, %swap3A_296], %swap3A_299 {strides = array<i32>} : memref<2x128xi32, #tpu.memory_space<vmem>>, vector<1x16xi32>,
    %shift_right_logical3A_300 = arith.constant 14 : i32
    %shift_right_logical3A_301 = vector.broadcast %shift_right_logical3A_300 : i32 to vector<16xi32>
    %shift_right_logical3A_302 = arith.shrui %get3A_290, %shift_right_logical3A_301 : vector<16xi32>
    %swap3A_303 = arith.constant 1 : i32
    %swap3A_304 = arith.index_cast %swap3A_303 : i32 to index
    %swap3A_305 = arith.constant 32 : index
    %swap3A_306 = tpu.vector_load %arg8[%swap3A_304, %swap3A_305] {strides = array<i32>} : memref<2x128xi32, #tpu.memory_space<vmem>>, vector<1x16xi32>,
    %swap3A_307 = vector.shape_cast %swap3A_306 : vector<1x16xi32> to vector<16xi32>
    %swap3A_308 = vector.shape_cast %shift_right_logical3A_302 : vector<16xi32> to vector<1x16xi32>
    tpu.vector_store %arg8[%swap3A_304, %swap3A_305], %swap3A_308 {strides = array<i32>} : memref<2x128xi32, #tpu.memory_space<vmem>>, vector<1x16xi32>,
    %get3A_309 = arith.constant 157 : i32
    %get3A_310 = arith.index_cast %get3A_309 : i32 to index
    %get3A_311 = arith.constant 48 : index
    %get3A_312 = tpu.vector_load %arg6[%get3A_310, %get3A_311] {strides = array<i32>} : memref<158x128xi32, #tpu.memory_space<vmem>>, vector<1x16xi32>,
    %get3A_313 = vector.shape_cast %get3A_312 : vector<1x16xi32> to vector<16xi32>
    %and3A_314 = arith.constant 16383 : i32
    %and3A_315 = vector.broadcast %and3A_314 : i32 to vector<16xi32>
    %and3A_316 = arith.andi %get3A_313, %and3A_315 : vector<16xi32>
    %swap3A_317 = arith.constant 1 : i32
    %swap3A_318 = arith.index_cast %swap3A_317 : i32 to index
    %swap3A_319 = arith.constant 48 : index
    %swap3A_320 = tpu.vector_load %arg7[%swap3A_318, %swap3A_319] {strides = array<i32>} : memref<2x128xi32, #tpu.memory_space<vmem>>, vector<1x16xi32>,
    %swap3A_321 = vector.shape_cast %swap3A_320 : vector<1x16xi32> to vector<16xi32>
    %swap3A_322 = vector.shape_cast %and3A_316 : vector<16xi32> to vector<1x16xi32>
    tpu.vector_store %arg7[%swap3A_318, %swap3A_319], %swap3A_322 {strides = array<i32>} : memref<2x128xi32, #tpu.memory_space<vmem>>, vector<1x16xi32>,
    %shift_right_logical3A_323 = arith.constant 14 : i32
    %shift_right_logical3A_324 = vector.broadcast %shift_right_logical3A_323 : i32 to vector<16xi32>
    %shift_right_logical3A_325 = arith.shrui %get3A_313, %shift_right_logical3A_324 : vector<16xi32>
    %swap3A_326 = arith.constant 1 : i32
    %swap3A_327 = arith.index_cast %swap3A_326 : i32 to index
    %swap3A_328 = arith.constant 48 : index
    %swap3A_329 = tpu.vector_load %arg8[%swap3A_327, %swap3A_328] {strides = array<i32>} : memref<2x128xi32, #tpu.memory_space<vmem>>, vector<1x16xi32>,
    %swap3A_330 = vector.shape_cast %swap3A_329 : vector<1x16xi32> to vector<16xi32>
    %swap3A_331 = vector.shape_cast %shift_right_logical3A_325 : vector<16xi32> to vector<1x16xi32>
    tpu.vector_store %arg8[%swap3A_327, %swap3A_328], %swap3A_331 {strides = array<i32>} : memref<2x128xi32, #tpu.memory_space<vmem>>, vector<1x16xi32>,
    %get3A_332 = arith.constant 157 : i32
    %get3A_333 = arith.index_cast %get3A_332 : i32 to index
    %get3A_334 = arith.constant 64 : index
    %get3A_335 = tpu.vector_load %arg6[%get3A_333, %get3A_334] {strides = array<i32>} : memref<158x128xi32, #tpu.memory_space<vmem>>, vector<1x16xi32>,
    %get3A_336 = vector.shape_cast %get3A_335 : vector<1x16xi32> to vector<16xi32>
    %and3A_337 = arith.constant 16383 : i32
    %and3A_338 = vector.broadcast %and3A_337 : i32 to vector<16xi32>
    %and3A_339 = arith.andi %get3A_336, %and3A_338 : vector<16xi32>
    %swap3A_340 = arith.constant 1 : i32
    %swap3A_341 = arith.index_cast %swap3A_340 : i32 to index
    %swap3A_342 = arith.constant 64 : index
    %swap3A_343 = tpu.vector_load %arg7[%swap3A_341, %swap3A_342] {strides = array<i32>} : memref<2x128xi32, #tpu.memory_space<vmem>>, vector<1x16xi32>,
    %swap3A_344 = vector.shape_cast %swap3A_343 : vector<1x16xi32> to vector<16xi32>
    %swap3A_345 = vector.shape_cast %and3A_339 : vector<16xi32> to vector<1x16xi32>
    tpu.vector_store %arg7[%swap3A_341, %swap3A_342], %swap3A_345 {strides = array<i32>} : memref<2x128xi32, #tpu.memory_space<vmem>>, vector<1x16xi32>,
    %shift_right_logical3A_346 = arith.constant 14 : i32
    %shift_right_logical3A_347 = vector.broadcast %shift_right_logical3A_346 : i32 to vector<16xi32>
    %shift_right_logical3A_348 = arith.shrui %get3A_336, %shift_right_logical3A_347 : vector<16xi32>
    %swap3A_349 = arith.constant 1 : i32
    %swap3A_350 = arith.index_cast %swap3A_349 : i32 to index
    %swap3A_351 = arith.constant 64 : index
    %swap3A_352 = tpu.vector_load %arg8[%swap3A_350, %swap3A_351] {strides = array<i32>} : memref<2x128xi32, #tpu.memory_space<vmem>>, vector<1x16xi32>,
    %swap3A_353 = vector.shape_cast %swap3A_352 : vector<1x16xi32> to vector<16xi32>
    %swap3A_354 = vector.shape_cast %shift_right_logical3A_348 : vector<16xi32> to vector<1x16xi32>
    tpu.vector_store %arg8[%swap3A_350, %swap3A_351], %swap3A_354 {strides = array<i32>} : memref<2x128xi32, #tpu.memory_space<vmem>>, vector<1x16xi32>,
    %get3A_355 = arith.constant 157 : i32
    %get3A_356 = arith.index_cast %get3A_355 : i32 to index
    %get3A_357 = arith.constant 80 : index
    %get3A_358 = tpu.vector_load %arg6[%get3A_356, %get3A_357] {strides = array<i32>} : memref<158x128xi32, #tpu.memory_space<vmem>>, vector<1x16xi32>,
    %get3A_359 = vector.shape_cast %get3A_358 : vector<1x16xi32> to vector<16xi32>
    %and3A_360 = arith.constant 16383 : i32
    %and3A_361 = vector.broadcast %and3A_360 : i32 to vector<16xi32>
    %and3A_362 = arith.andi %get3A_359, %and3A_361 : vector<16xi32>
    %swap3A_363 = arith.constant 1 : i32
    %swap3A_364 = arith.index_cast %swap3A_363 : i32 to index
    %swap3A_365 = arith.constant 80 : index
    %swap3A_366 = tpu.vector_load %arg7[%swap3A_364, %swap3A_365] {strides = array<i32>} : memref<2x128xi32, #tpu.memory_space<vmem>>, vector<1x16xi32>,
    %swap3A_367 = vector.shape_cast %swap3A_366 : vector<1x16xi32> to vector<16xi32>
    %swap3A_368 = vector.shape_cast %and3A_362 : vector<16xi32> to vector<1x16xi32>
    tpu.vector_store %arg7[%swap3A_364, %swap3A_365], %swap3A_368 {strides = array<i32>} : memref<2x128xi32, #tpu.memory_space<vmem>>, vector<1x16xi32>,
    %shift_right_logical3A_369 = arith.constant 14 : i32
    %shift_right_logical3A_370 = vector.broadcast %shift_right_logical3A_369 : i32 to vector<16xi32>
    %shift_right_logical3A_371 = arith.shrui %get3A_359, %shift_right_logical3A_370 : vector<16xi32>
    %swap3A_372 = arith.constant 1 : i32
    %swap3A_373 = arith.index_cast %swap3A_372 : i32 to index
    %swap3A_374 = arith.constant 80 : index
    %swap3A_375 = tpu.vector_load %arg8[%swap3A_373, %swap3A_374] {strides = array<i32>} : memref<2x128xi32, #tpu.memory_space<vmem>>, vector<1x16xi32>,
    %swap3A_376 = vector.shape_cast %swap3A_375 : vector<1x16xi32> to vector<16xi32>
    %swap3A_377 = vector.shape_cast %shift_right_logical3A_371 : vector<16xi32> to vector<1x16xi32>
    tpu.vector_store %arg8[%swap3A_373, %swap3A_374], %swap3A_377 {strides = array<i32>} : memref<2x128xi32, #tpu.memory_space<vmem>>, vector<1x16xi32>,
    %get3A_378 = arith.constant 157 : i32
    %get3A_379 = arith.index_cast %get3A_378 : i32 to index
    %get3A_380 = arith.constant 96 : index
    %get3A_381 = tpu.vector_load %arg6[%get3A_379, %get3A_380] {strides = array<i32>} : memref<158x128xi32, #tpu.memory_space<vmem>>, vector<1x16xi32>,
    %get3A_382 = vector.shape_cast %get3A_381 : vector<1x16xi32> to vector<16xi32>
    %and3A_383 = arith.constant 16383 : i32
    %and3A_384 = vector.broadcast %and3A_383 : i32 to vector<16xi32>
    %and3A_385 = arith.andi %get3A_382, %and3A_384 : vector<16xi32>
    %swap3A_386 = arith.constant 1 : i32
    %swap3A_387 = arith.index_cast %swap3A_386 : i32 to index
    %swap3A_388 = arith.constant 96 : index
    %swap3A_389 = tpu.vector_load %arg7[%swap3A_387, %swap3A_388] {strides = array<i32>} : memref<2x128xi32, #tpu.memory_space<vmem>>, vector<1x16xi32>,
    %swap3A_390 = vector.shape_cast %swap3A_389 : vector<1x16xi32> to vector<16xi32>
    %swap3A_391 = vector.shape_cast %and3A_385 : vector<16xi32> to vector<1x16xi32>
    tpu.vector_store %arg7[%swap3A_387, %swap3A_388], %swap3A_391 {strides = array<i32>} : memref<2x128xi32, #tpu.memory_space<vmem>>, vector<1x16xi32>,
    %shift_right_logical3A_392 = arith.constant 14 : i32
    %shift_right_logical3A_393 = vector.broadcast %shift_right_logical3A_392 : i32 to vector<16xi32>
    %shift_right_logical3A_394 = arith.shrui %get3A_382, %shift_right_logical3A_393 : vector<16xi32>
    %swap3A_395 = arith.constant 1 : i32
    %swap3A_396 = arith.index_cast %swap3A_395 : i32 to index
    %swap3A_397 = arith.constant 96 : index
    %swap3A_398 = tpu.vector_load %arg8[%swap3A_396, %swap3A_397] {strides = array<i32>} : memref<2x128xi32, #tpu.memory_space<vmem>>, vector<1x16xi32>,
    %swap3A_399 = vector.shape_cast %swap3A_398 : vector<1x16xi32> to vector<16xi32>
    %swap3A_400 = vector.shape_cast %shift_right_logical3A_394 : vector<16xi32> to vector<1x16xi32>
    tpu.vector_store %arg8[%swap3A_396, %swap3A_397], %swap3A_400 {strides = array<i32>} : memref<2x128xi32, #tpu.memory_space<vmem>>, vector<1x16xi32>,
    %get3A_401 = arith.constant 157 : i32
    %get3A_402 = arith.index_cast %get3A_401 : i32 to index
    %get3A_403 = arith.constant 112 : index
    %get3A_404 = tpu.vector_load %arg6[%get3A_402, %get3A_403] {strides = array<i32>} : memref<158x128xi32, #tpu.memory_space<vmem>>, vector<1x16xi32>,
    %get3A_405 = vector.shape_cast %get3A_404 : vector<1x16xi32> to vector<16xi32>
    %and3A_406 = arith.constant 16383 : i32
    %and3A_407 = vector.broadcast %and3A_406 : i32 to vector<16xi32>
    %and3A_408 = arith.andi %get3A_405, %and3A_407 : vector<16xi32>
    %swap3A_409 = arith.constant 1 : i32
    %swap3A_410 = arith.index_cast %swap3A_409 : i32 to index
    %swap3A_411 = arith.constant 112 : index
    %swap3A_412 = tpu.vector_load %arg7[%swap3A_410, %swap3A_411] {strides = array<i32>} : memref<2x128xi32, #tpu.memory_space<vmem>>, vector<1x16xi32>,
    %swap3A_413 = vector.shape_cast %swap3A_412 : vector<1x16xi32> to vector<16xi32>
    %swap3A_414 = vector.shape_cast %and3A_408 : vector<16xi32> to vector<1x16xi32>
    tpu.vector_store %arg7[%swap3A_410, %swap3A_411], %swap3A_414 {strides = array<i32>} : memref<2x128xi32, #tpu.memory_space<vmem>>, vector<1x16xi32>,
    %shift_right_logical3A_415 = arith.constant 14 : i32
    %shift_right_logical3A_416 = vector.broadcast %shift_right_logical3A_415 : i32 to vector<16xi32>
    %shift_right_logical3A_417 = arith.shrui %get3A_405, %shift_right_logical3A_416 : vector<16xi32>
    %swap3A_418 = arith.constant 1 : i32
    %swap3A_419 = arith.index_cast %swap3A_418 : i32 to index
    %swap3A_420 = arith.constant 112 : index
    %swap3A_421 = tpu.vector_load %arg8[%swap3A_419, %swap3A_420] {strides = array<i32>} : memref<2x128xi32, #tpu.memory_space<vmem>>, vector<1x16xi32>,
    %swap3A_422 = vector.shape_cast %swap3A_421 : vector<1x16xi32> to vector<16xi32>
    %swap3A_423 = vector.shape_cast %shift_right_logical3A_417 : vector<16xi32> to vector<1x16xi32>
    tpu.vector_store %arg8[%swap3A_419, %swap3A_420], %swap3A_423 {strides = array<i32>} : memref<2x128xi32, #tpu.memory_space<vmem>>, vector<1x16xi32>,
    %dma_start3A_424 = arith.constant 1 : i32
    %dma_start3A_425 = arith.constant 0 : i32
    %dma_start3A_426 = tpu.memref_slice %arg7[%dma_start3A_424, %dma_start3A_425] : memref<2x128xi32, #tpu.memory_space<vmem>> -> memref<1x128xi32, #tpu.memory_space<vmem>>
    %dma_start3A_427 = tpu.memref_squeeze %dma_start3A_426 : memref<1x128xi32, #tpu.memory_space<vmem>> -> memref<128xi32, #tpu.memory_space<vmem>>
    %dma_start3A_428 = arith.constant 0 : i32
    %dma_start3A_429 = arith.constant 0 : i32
    %dma_start3A_430 = tpu.memref_slice %arg2[%arg0, %dma_start3A_428, %dma_start3A_429] : memref<2x10000x64xf32, #tpu.memory_space<hbm>> -> memref<1x10000x64xf32, #tpu.memory_space<hbm>>
    %dma_start3A_431 = tpu.memref_squeeze %dma_start3A_430 : memref<1x10000x64xf32, #tpu.memory_space<hbm>> -> memref<10000x64xf32, #tpu.memory_space<hbm>>
    %dma_start3A_432 = arith.constant 0 : i32
    %dma_start3A_433 = arith.constant 0 : i32
    %dma_start3A_434 = tpu.memref_slice %dma_start3A_431[%dma_start3A_432, %dma_start3A_433] : memref<10000x64xf32, #tpu.memory_space<hbm>> -> memref<10000x64xf32, #tpu.memory_space<hbm>>
    tpu.enqueue_indirect_dma source(%dma_start3A_434 : memref<10000x64xf32, #tpu.memory_space<hbm>>) target(%arg10 : memref<128x64xf32, #tpu.memory_space<vmem>>) offsets(%dma_start3A_427 : memref<128xi32, #tpu.memory_space<vmem>>) semaphore(%arg17 : memref<!tpu.dma_semaphore, #tpu.memory_space<semaphore_mem>>)
    %dma_wait3A = arith.constant 0 : i32
    %dma_wait3A_435 = arith.constant 0 : i32
    %dma_wait3A_436 = tpu.memref_slice %arg7[%dma_wait3A, %dma_wait3A_435] : memref<2x128xi32, #tpu.memory_space<vmem>> -> memref<1x128xi32, #tpu.memory_space<vmem>>
    %dma_wait3A_437 = tpu.memref_squeeze %dma_wait3A_436 : memref<1x128xi32, #tpu.memory_space<vmem>> -> memref<128xi32, #tpu.memory_space<vmem>>
    %dma_wait3A_438 = arith.constant 0 : i32
    %dma_wait3A_439 = arith.constant 0 : i32
    %dma_wait3A_440 = tpu.memref_slice %arg2[%arg0, %dma_wait3A_438, %dma_wait3A_439] : memref<2x10000x64xf32, #tpu.memory_space<hbm>> -> memref<1x10000x64xf32, #tpu.memory_space<hbm>>
    %dma_wait3A_441 = tpu.memref_squeeze %dma_wait3A_440 : memref<1x10000x64xf32, #tpu.memory_space<hbm>> -> memref<10000x64xf32, #tpu.memory_space<hbm>>
    %dma_wait3A_442 = arith.constant 0 : i32
    %dma_wait3A_443 = arith.constant 0 : i32
    %dma_wait3A_444 = tpu.memref_slice %dma_wait3A_441[%dma_wait3A_442, %dma_wait3A_443] : memref<10000x64xf32, #tpu.memory_space<hbm>> -> memref<10000x64xf32, #tpu.memory_space<hbm>>
    tpu.wait_indirect_dma semaphore(%arg16 : memref<!tpu.dma_semaphore, #tpu.memory_space<semaphore_mem>>) src(%dma_wait3A_444 : memref<10000x64xf32, #tpu.memory_space<hbm>>) dst(%arg9 : memref<128x64xf32, #tpu.memory_space<vmem>>)
    %run_scoped3A = arith.constant 0 : i32
    "tpu.region"() ({
      %run_scoped3A_460 = tpu.sem_alloc : memref<!tpu.dma_semaphore, #tpu.memory_space<semaphore_mem>>
      %dma_start3A_461 = arith.constant 0 : i32
      %dma_start3A_462 = tpu.memref_slice %arg8[%run_scoped3A, %dma_start3A_461] : memref<2x128xi32, #tpu.memory_space<vmem>> -> memref<1x128xi32, #tpu.memory_space<vmem>>
      %dma_start3A_463 = tpu.memref_squeeze %dma_start3A_462 : memref<1x128xi32, #tpu.memory_space<vmem>> -> memref<128xi32, #tpu.memory_space<vmem>>
      %dma_start3A_464 = arith.constant 0 : i32
      %dma_start3A_465 = arith.constant 0 : i32
      %dma_start3A_466 = tpu.memref_slice %arg14[%dma_start3A_464, %dma_start3A_465] : memref<10112x64xf32, #tpu.memory_space<vmem_shared>> -> memref<10112x64xf32, #tpu.memory_space<vmem_shared>>
      tpu.enqueue_indirect_dma source(%arg9 : memref<128x64xf32, #tpu.memory_space<vmem>>) target(%dma_start3A_466 : memref<10112x64xf32, #tpu.memory_space<vmem_shared>>) offsets(%dma_start3A_463 : memref<128xi32, #tpu.memory_space<vmem>>) semaphore(%run_scoped3A_460 : memref<!tpu.dma_semaphore, #tpu.memory_space<semaphore_mem>>) {add = true}
      %dma_wait3A_467 = arith.constant 0 : i32
      %dma_wait3A_468 = tpu.memref_slice %arg8[%run_scoped3A, %dma_wait3A_467] : memref<2x128xi32, #tpu.memory_space<vmem>> -> memref<1x128xi32, #tpu.memory_space<vmem>>
      %dma_wait3A_469 = tpu.memref_squeeze %dma_wait3A_468 : memref<1x128xi32, #tpu.memory_space<vmem>> -> memref<128xi32, #tpu.memory_space<vmem>>
      %dma_wait3A_470 = arith.constant 0 : i32
      %dma_wait3A_471 = arith.constant 0 : i32
      %dma_wait3A_472 = tpu.memref_slice %arg14[%dma_wait3A_470, %dma_wait3A_471] : memref<10112x64xf32, #tpu.memory_space<vmem_shared>> -> memref<10112x64xf32, #tpu.memory_space<vmem_shared>>
      tpu.wait_indirect_dma semaphore(%run_scoped3A_460 : memref<!tpu.dma_semaphore, #tpu.memory_space<semaphore_mem>>) src(%arg9 : memref<128x64xf32, #tpu.memory_space<vmem>>) dst(%dma_wait3A_472 : memref<10112x64xf32, #tpu.memory_space<vmem_shared>>)
      tpu.yield
    }) : () -> ()
    %run_scoped3A_445 = arith.constant 0 : i32
    "tpu.region"() ({
      %run_scoped3A_460 = tpu.sem_alloc : memref<!tpu.dma_semaphore, #tpu.memory_space<semaphore_mem>>
      %dma_start3A_461 = arith.constant 0 : i32
      %dma_start3A_462 = tpu.memref_slice %arg8[%run_scoped3A_445, %dma_start3A_461] : memref<2x128xi32, #tpu.memory_space<vmem>> -> memref<1x128xi32, #tpu.memory_space<vmem>>
      %dma_start3A_463 = tpu.memref_squeeze %dma_start3A_462 : memref<1x128xi32, #tpu.memory_space<vmem>> -> memref<128xi32, #tpu.memory_space<vmem>>
      %dma_start3A_464 = arith.constant 0 : i32
      %dma_start3A_465 = tpu.memref_slice %arg15[%dma_start3A_464] : memref<10112xf32, #tpu.memory_space<vmem_shared>> -> memref<10112xf32, #tpu.memory_space<vmem_shared>>
      tpu.enqueue_indirect_dma source(%arg11 : memref<128xf32, #tpu.memory_space<vmem>>) target(%dma_start3A_465 : memref<10112xf32, #tpu.memory_space<vmem_shared>>) offsets(%dma_start3A_463 : memref<128xi32, #tpu.memory_space<vmem>>) semaphore(%run_scoped3A_460 : memref<!tpu.dma_semaphore, #tpu.memory_space<semaphore_mem>>) {add = true}
      %dma_wait3A_466 = arith.constant 0 : i32
      %dma_wait3A_467 = tpu.memref_slice %arg8[%run_scoped3A_445, %dma_wait3A_466] : memref<2x128xi32, #tpu.memory_space<vmem>> -> memref<1x128xi32, #tpu.memory_space<vmem>>
      %dma_wait3A_468 = tpu.memref_squeeze %dma_wait3A_467 : memref<1x128xi32, #tpu.memory_space<vmem>> -> memref<128xi32, #tpu.memory_space<vmem>>
      %dma_wait3A_469 = arith.constant 0 : i32
      %dma_wait3A_470 = tpu.memref_slice %arg15[%dma_wait3A_469] : memref<10112xf32, #tpu.memory_space<vmem_shared>> -> memref<10112xf32, #tpu.memory_space<vmem_shared>>
      tpu.wait_indirect_dma semaphore(%run_scoped3A_460 : memref<!tpu.dma_semaphore, #tpu.memory_space<semaphore_mem>>) src(%arg11 : memref<128xf32, #tpu.memory_space<vmem>>) dst(%dma_wait3A_470 : memref<10112xf32, #tpu.memory_space<vmem_shared>>)
      tpu.yield
    }) : () -> ()
    %dma_wait3A_446 = arith.constant 1 : i32
    %dma_wait3A_447 = arith.constant 0 : i32
    %dma_wait3A_448 = tpu.memref_slice %arg7[%dma_wait3A_446, %dma_wait3A_447] : memref<2x128xi32, #tpu.memory_space<vmem>> -> memref<1x128xi32, #tpu.memory_space<vmem>>
    %dma_wait3A_449 = tpu.memref_squeeze %dma_wait3A_448 : memref<1x128xi32, #tpu.memory_space<vmem>> -> memref<128xi32, #tpu.memory_space<vmem>>
    %dma_wait3A_450 = arith.constant 0 : i32
    %dma_wait3A_451 = arith.constant 0 : i32
    %dma_wait3A_452 = tpu.memref_slice %arg2[%arg0, %dma_wait3A_450, %dma_wait3A_451] : memref<2x10000x64xf32, #tpu.memory_space<hbm>> -> memref<1x10000x64xf32, #tpu.memory_space<hbm>>
    %dma_wait3A_453 = tpu.memref_squeeze %dma_wait3A_452 : memref<1x10000x64xf32, #tpu.memory_space<hbm>> -> memref<10000x64xf32, #tpu.memory_space<hbm>>
    %dma_wait3A_454 = arith.constant 0 : i32
    %dma_wait3A_455 = arith.constant 0 : i32
    %dma_wait3A_456 = tpu.memref_slice %dma_wait3A_453[%dma_wait3A_454, %dma_wait3A_455] : memref<10000x64xf32, #tpu.memory_space<hbm>> -> memref<10000x64xf32, #tpu.memory_space<hbm>>
    tpu.wait_indirect_dma semaphore(%arg17 : memref<!tpu.dma_semaphore, #tpu.memory_space<semaphore_mem>>) src(%dma_wait3A_456 : memref<10000x64xf32, #tpu.memory_space<hbm>>) dst(%arg10 : memref<128x64xf32, #tpu.memory_space<vmem>>)
    %run_scoped3A_457 = arith.constant 1 : i32
    "tpu.region"() ({
      %run_scoped3A_460 = tpu.sem_alloc : memref<!tpu.dma_semaphore, #tpu.memory_space<semaphore_mem>>
      %dma_start3A_461 = arith.constant 0 : i32
      %dma_start3A_462 = tpu.memref_slice %arg8[%run_scoped3A_457, %dma_start3A_461] : memref<2x128xi32, #tpu.memory_space<vmem>> -> memref<1x128xi32, #tpu.memory_space<vmem>>
      %dma_start3A_463 = tpu.memref_squeeze %dma_start3A_462 : memref<1x128xi32, #tpu.memory_space<vmem>> -> memref<128xi32, #tpu.memory_space<vmem>>
      %dma_start3A_464 = arith.constant 0 : i32
      %dma_start3A_465 = arith.constant 0 : i32
      %dma_start3A_466 = tpu.memref_slice %arg14[%dma_start3A_464, %dma_start3A_465] : memref<10112x64xf32, #tpu.memory_space<vmem_shared>> -> memref<10112x64xf32, #tpu.memory_space<vmem_shared>>
      tpu.enqueue_indirect_dma source(%arg10 : memref<128x64xf32, #tpu.memory_space<vmem>>) target(%dma_start3A_466 : memref<10112x64xf32, #tpu.memory_space<vmem_shared>>) offsets(%dma_start3A_463 : memref<128xi32, #tpu.memory_space<vmem>>) semaphore(%run_scoped3A_460 : memref<!tpu.dma_semaphore, #tpu.memory_space<semaphore_mem>>) {add = true}
      %dma_wait3A_467 = arith.constant 0 : i32
      %dma_wait3A_468 = tpu.memref_slice %arg8[%run_scoped3A_457, %dma_wait3A_467] : memref<2x128xi32, #tpu.memory_space<vmem>> -> memref<1x128xi32, #tpu.memory_space<vmem>>
      %dma_wait3A_469 = tpu.memref_squeeze %dma_wait3A_468 : memref<1x128xi32, #tpu.memory_space<vmem>> -> memref<128xi32, #tpu.memory_space<vmem>>
      %dma_wait3A_470 = arith.constant 0 : i32
      %dma_wait3A_471 = arith.constant 0 : i32
      %dma_wait3A_472 = tpu.memref_slice %arg14[%dma_wait3A_470, %dma_wait3A_471] : memref<10112x64xf32, #tpu.memory_space<vmem_shared>> -> memref<10112x64xf32, #tpu.memory_space<vmem_shared>>
      tpu.wait_indirect_dma semaphore(%run_scoped3A_460 : memref<!tpu.dma_semaphore, #tpu.memory_space<semaphore_mem>>) src(%arg10 : memref<128x64xf32, #tpu.memory_space<vmem>>) dst(%dma_wait3A_472 : memref<10112x64xf32, #tpu.memory_space<vmem_shared>>)
      tpu.yield
    }) : () -> ()
    %run_scoped3A_458 = arith.constant 1 : i32
    "tpu.region"() ({
      %run_scoped3A_460 = tpu.sem_alloc : memref<!tpu.dma_semaphore, #tpu.memory_space<semaphore_mem>>
      %dma_start3A_461 = arith.constant 0 : i32
      %dma_start3A_462 = tpu.memref_slice %arg8[%run_scoped3A_458, %dma_start3A_461] : memref<2x128xi32, #tpu.memory_space<vmem>> -> memref<1x128xi32, #tpu.memory_space<vmem>>
      %dma_start3A_463 = tpu.memref_squeeze %dma_start3A_462 : memref<1x128xi32, #tpu.memory_space<vmem>> -> memref<128xi32, #tpu.memory_space<vmem>>
      %dma_start3A_464 = arith.constant 0 : i32
      %dma_start3A_465 = tpu.memref_slice %arg15[%dma_start3A_464] : memref<10112xf32, #tpu.memory_space<vmem_shared>> -> memref<10112xf32, #tpu.memory_space<vmem_shared>>
      tpu.enqueue_indirect_dma source(%arg11 : memref<128xf32, #tpu.memory_space<vmem>>) target(%dma_start3A_465 : memref<10112xf32, #tpu.memory_space<vmem_shared>>) offsets(%dma_start3A_463 : memref<128xi32, #tpu.memory_space<vmem>>) semaphore(%run_scoped3A_460 : memref<!tpu.dma_semaphore, #tpu.memory_space<semaphore_mem>>) {add = true}
      %dma_wait3A_466 = arith.constant 0 : i32
      %dma_wait3A_467 = tpu.memref_slice %arg8[%run_scoped3A_458, %dma_wait3A_466] : memref<2x128xi32, #tpu.memory_space<vmem>> -> memref<1x128xi32, #tpu.memory_space<vmem>>
      %dma_wait3A_468 = tpu.memref_squeeze %dma_wait3A_467 : memref<1x128xi32, #tpu.memory_space<vmem>> -> memref<128xi32, #tpu.memory_space<vmem>>
      %dma_wait3A_469 = arith.constant 0 : i32
      %dma_wait3A_470 = tpu.memref_slice %arg15[%dma_wait3A_469] : memref<10112xf32, #tpu.memory_space<vmem_shared>> -> memref<10112xf32, #tpu.memory_space<vmem_shared>>
      tpu.wait_indirect_dma semaphore(%run_scoped3A_460 : memref<!tpu.dma_semaphore, #tpu.memory_space<semaphore_mem>>) src(%arg11 : memref<128xf32, #tpu.memory_space<vmem>>) dst(%dma_wait3A_470 : memref<10112xf32, #tpu.memory_space<vmem_shared>>)
      tpu.yield
    }) : () -> ()
    %barrier3A_459 = arith.constant 0 : index
    tpu.barrier barrier_id(%barrier3A_459)
    "tpu.region"() ({
      %run_scoped3A_460 = tpu.sem_alloc : memref<!tpu.dma_semaphore, #tpu.memory_space<semaphore_mem>>
      %dma_start3A_461 = arith.constant 0 : i32
      %dma_start3A_462 = tpu.memref_slice %arg14[%mul3A_0, %dma_start3A_461] : memref<10112x64xf32, #tpu.memory_space<vmem_shared>> -> memref<632x64xf32, #tpu.memory_space<vmem_shared>>
      %dma_start3A_463 = arith.constant 0 : i32
      %dma_start3A_464 = tpu.memref_slice %arg14[%mul3A_0, %dma_start3A_463] : memref<10112x64xf32, #tpu.memory_space<vmem_shared>> -> memref<632x64xf32, #tpu.memory_space<vmem_shared>>
      tpu.enqueue_dma source(%dma_start3A_464 : memref<632x64xf32, #tpu.memory_space<vmem_shared>>) target(%arg12 : memref<632x64xf32, #tpu.memory_space<vmem>>) target_semaphore(%run_scoped3A_460 : memref<!tpu.dma_semaphore, #tpu.memory_space<semaphore_mem>>)
      %dma_wait3A_465 = arith.constant 0 : i32
      %dma_wait3A_466 = tpu.memref_slice %arg14[%mul3A_0, %dma_wait3A_465] : memref<10112x64xf32, #tpu.memory_space<vmem_shared>> -> memref<632x64xf32, #tpu.memory_space<vmem_shared>>
      %dma_wait3A_467 = arith.constant 0 : i32
      %dma_wait3A_468 = tpu.memref_slice %arg14[%mul3A_0, %dma_wait3A_467] : memref<10112x64xf32, #tpu.memory_space<vmem_shared>> -> memref<632x64xf32, #tpu.memory_space<vmem_shared>>
      tpu.wait_dma2 semaphore(%run_scoped3A_460 : memref<!tpu.dma_semaphore, #tpu.memory_space<semaphore_mem>>) src(%dma_wait3A_468 : memref<632x64xf32, #tpu.memory_space<vmem_shared>>) dst(%arg12 : memref<632x64xf32, #tpu.memory_space<vmem>>)
      tpu.yield
    }) : () -> ()
    "tpu.region"() ({
      %run_scoped3A_460 = tpu.sem_alloc : memref<!tpu.dma_semaphore, #tpu.memory_space<semaphore_mem>>
      %dma_start3A_461 = arith.constant 0 : i32
      %dma_start3A_462 = arith.constant 0 : i32
      %dma_start3A_463 = tpu.memref_slice %arg4[%arg0, %dma_start3A_461, %dma_start3A_462] : memref<2x10112x64xf32, #tpu.memory_space<hbm>> -> memref<1x10112x64xf32, #tpu.memory_space<hbm>>
      %dma_start3A_464 = tpu.memref_squeeze %dma_start3A_463 : memref<1x10112x64xf32, #tpu.memory_space<hbm>> -> memref<10112x64xf32, #tpu.memory_space<hbm>>
      %dma_start3A_465 = arith.constant 0 : i32
      %dma_start3A_466 = tpu.memref_slice %dma_start3A_464[%mul3A_0, %dma_start3A_465] : memref<10112x64xf32, #tpu.memory_space<hbm>> -> memref<632x64xf32, #tpu.memory_space<hbm>>
      %dma_start3A_467 = arith.constant 0 : i32
      %dma_start3A_468 = arith.constant 0 : i32
      %dma_start3A_469 = tpu.memref_slice %arg4[%arg0, %dma_start3A_467, %dma_start3A_468] : memref<2x10112x64xf32, #tpu.memory_space<hbm>> -> memref<1x10112x64xf32, #tpu.memory_space<hbm>>
      %dma_start3A_470 = tpu.memref_squeeze %dma_start3A_469 : memref<1x10112x64xf32, #tpu.memory_space<hbm>> -> memref<10112x64xf32, #tpu.memory_space<hbm>>
      %dma_start3A_471 = arith.constant 0 : i32
      %dma_start3A_472 = tpu.memref_slice %dma_start3A_470[%mul3A_0, %dma_start3A_471] : memref<10112x64xf32, #tpu.memory_space<hbm>> -> memref<632x64xf32, #tpu.memory_space<hbm>>
      tpu.enqueue_dma source(%arg12 : memref<632x64xf32, #tpu.memory_space<vmem>>) target(%dma_start3A_472 : memref<632x64xf32, #tpu.memory_space<hbm>>) target_semaphore(%run_scoped3A_460 : memref<!tpu.dma_semaphore, #tpu.memory_space<semaphore_mem>>)
      %dma_wait3A_473 = arith.constant 0 : i32
      %dma_wait3A_474 = arith.constant 0 : i32
      %dma_wait3A_475 = tpu.memref_slice %arg4[%arg0, %dma_wait3A_473, %dma_wait3A_474] : memref<2x10112x64xf32, #tpu.memory_space<hbm>> -> memref<1x10112x64xf32, #tpu.memory_space<hbm>>
      %dma_wait3A_476 = tpu.memref_squeeze %dma_wait3A_475 : memref<1x10112x64xf32, #tpu.memory_space<hbm>> -> memref<10112x64xf32, #tpu.memory_space<hbm>>
      %dma_wait3A_477 = arith.constant 0 : i32
      %dma_wait3A_478 = tpu.memref_slice %dma_wait3A_476[%mul3A_0, %dma_wait3A_477] : memref<10112x64xf32, #tpu.memory_space<hbm>> -> memref<632x64xf32, #tpu.memory_space<hbm>>
      %dma_wait3A_479 = arith.constant 0 : i32
      %dma_wait3A_480 = arith.constant 0 : i32
      %dma_wait3A_481 = tpu.memref_slice %arg4[%arg0, %dma_wait3A_479, %dma_wait3A_480] : memref<2x10112x64xf32, #tpu.memory_space<hbm>> -> memref<1x10112x64xf32, #tpu.memory_space<hbm>>
      %dma_wait3A_482 = tpu.memref_squeeze %dma_wait3A_481 : memref<1x10112x64xf32, #tpu.memory_space<hbm>> -> memref<10112x64xf32, #tpu.memory_space<hbm>>
      %dma_wait3A_483 = arith.constant 0 : i32
      %dma_wait3A_484 = tpu.memref_slice %dma_wait3A_482[%mul3A_0, %dma_wait3A_483] : memref<10112x64xf32, #tpu.memory_space<hbm>> -> memref<632x64xf32, #tpu.memory_space<hbm>>
      tpu.wait_dma2 semaphore(%run_scoped3A_460 : memref<!tpu.dma_semaphore, #tpu.memory_space<semaphore_mem>>) src(%arg12 : memref<632x64xf32, #tpu.memory_space<vmem>>) dst(%dma_wait3A_484 : memref<632x64xf32, #tpu.memory_space<hbm>>)
      tpu.yield
    }) : () -> ()
    "tpu.region"() ({
      %run_scoped3A_460 = tpu.sem_alloc : memref<!tpu.dma_semaphore, #tpu.memory_space<semaphore_mem>>
      %dma_start3A_461 = tpu.memref_slice %arg15[%mul3A_0] : memref<10112xf32, #tpu.memory_space<vmem_shared>> -> memref<632xf32, #tpu.memory_space<vmem_shared>>
      %dma_start3A_462 = tpu.memref_slice %arg15[%mul3A_0] : memref<10112xf32, #tpu.memory_space<vmem_shared>> -> memref<632xf32, #tpu.memory_space<vmem_shared>>
      tpu.enqueue_dma source(%dma_start3A_462 : memref<632xf32, #tpu.memory_space<vmem_shared>>) target(%arg13 : memref<632xf32, #tpu.memory_space<vmem>>) target_semaphore(%run_scoped3A_460 : memref<!tpu.dma_semaphore, #tpu.memory_space<semaphore_mem>>)
      %dma_wait3A_463 = tpu.memref_slice %arg15[%mul3A_0] : memref<10112xf32, #tpu.memory_space<vmem_shared>> -> memref<632xf32, #tpu.memory_space<vmem_shared>>
      %dma_wait3A_464 = tpu.memref_slice %arg15[%mul3A_0] : memref<10112xf32, #tpu.memory_space<vmem_shared>> -> memref<632xf32, #tpu.memory_space<vmem_shared>>
      tpu.wait_dma2 semaphore(%run_scoped3A_460 : memref<!tpu.dma_semaphore, #tpu.memory_space<semaphore_mem>>) src(%dma_wait3A_464 : memref<632xf32, #tpu.memory_space<vmem_shared>>) dst(%arg13 : memref<632xf32, #tpu.memory_space<vmem>>)
      tpu.yield
    }) : () -> ()
    "tpu.region"() ({
      %run_scoped3A_460 = tpu.sem_alloc : memref<!tpu.dma_semaphore, #tpu.memory_space<semaphore_mem>>
      %dma_start3A_461 = arith.constant 0 : i32
      %dma_start3A_462 = tpu.memref_slice %arg5[%arg0, %dma_start3A_461] : memref<2x10112xf32, #tpu.memory_space<hbm>> -> memref<1x10112xf32, #tpu.memory_space<hbm>>
      %dma_start3A_463 = tpu.memref_squeeze %dma_start3A_462 : memref<1x10112xf32, #tpu.memory_space<hbm>> -> memref<10112xf32, #tpu.memory_space<hbm>>
      %dma_start3A_464 = tpu.memref_slice %dma_start3A_463[%mul3A_0] : memref<10112xf32, #tpu.memory_space<hbm>> -> memref<632xf32, #tpu.memory_space<hbm>>
      %dma_start3A_465 = arith.constant 0 : i32
      %dma_start3A_466 = tpu.memref_slice %arg5[%arg0, %dma_start3A_465] : memref<2x10112xf32, #tpu.memory_space<hbm>> -> memref<1x10112xf32, #tpu.memory_space<hbm>>
      %dma_start3A_467 = tpu.memref_squeeze %dma_start3A_466 : memref<1x10112xf32, #tpu.memory_space<hbm>> -> memref<10112xf32, #tpu.memory_space<hbm>>
      %dma_start3A_468 = tpu.memref_slice %dma_start3A_467[%mul3A_0] : memref<10112xf32, #tpu.memory_space<hbm>> -> memref<632xf32, #tpu.memory_space<hbm>>
      tpu.enqueue_dma source(%arg13 : memref<632xf32, #tpu.memory_space<vmem>>) target(%dma_start3A_468 : memref<632xf32, #tpu.memory_space<hbm>>) target_semaphore(%run_scoped3A_460 : memref<!tpu.dma_semaphore, #tpu.memory_space<semaphore_mem>>)
      %dma_wait3A_469 = arith.constant 0 : i32
      %dma_wait3A_470 = tpu.memref_slice %arg5[%arg0, %dma_wait3A_469] : memref<2x10112xf32, #tpu.memory_space<hbm>> -> memref<1x10112xf32, #tpu.memory_space<hbm>>
      %dma_wait3A_471 = tpu.memref_squeeze %dma_wait3A_470 : memref<1x10112xf32, #tpu.memory_space<hbm>> -> memref<10112xf32, #tpu.memory_space<hbm>>
      %dma_wait3A_472 = tpu.memref_slice %dma_wait3A_471[%mul3A_0] : memref<10112xf32, #tpu.memory_space<hbm>> -> memref<632xf32, #tpu.memory_space<hbm>>
      %dma_wait3A_473 = arith.constant 0 : i32
      %dma_wait3A_474 = tpu.memref_slice %arg5[%arg0, %dma_wait3A_473] : memref<2x10112xf32, #tpu.memory_space<hbm>> -> memref<1x10112xf32, #tpu.memory_space<hbm>>
      %dma_wait3A_475 = tpu.memref_squeeze %dma_wait3A_474 : memref<1x10112xf32, #tpu.memory_space<hbm>> -> memref<10112xf32, #tpu.memory_space<hbm>>
      %dma_wait3A_476 = tpu.memref_slice %dma_wait3A_475[%mul3A_0] : memref<10112xf32, #tpu.memory_space<hbm>> -> memref<632xf32, #tpu.memory_space<hbm>>
      tpu.wait_dma2 semaphore(%run_scoped3A_460 : memref<!tpu.dma_semaphore, #tpu.memory_space<semaphore_mem>>) src(%arg13 : memref<632xf32, #tpu.memory_space<vmem>>) dst(%dma_wait3A_476 : memref<632xf32, #tpu.memory_space<hbm>>)
      tpu.yield
    }) : () -> ()
    return
  }
}

module attributes {stable_mosaic.version = 14 : i64} {
  func.func @_tc_body(%arg0: i32, %arg1: memref<2x2000x64xf32, #tpu.memory_space<vmem>>, %arg2: memref<2x2000x1xf32, #tpu.memory_space<vmem>>, %arg3: memref<2x2000x64xf32, #tpu.memory_space<vmem>>, %arg4: memref<128x128xf32, #tpu.memory_space<vmem>>, %arg5: memref<1x128xf32, #tpu.memory_space<vmem>>, %arg6: memref<128x128xf32, #tpu.memory_space<vmem>>, %arg7: memref<2x2000x64xf32, #tpu.memory_space<vmem>>) attributes {dimension_semantics = [#tpu.dimension_semantics<arbitrary>], iteration_bounds = array<i64: 5>, scalar_prefetch = 0 : i64, scratch_operands = 0 : i64, tpu.core_type = #tpu.core_type<tc>, window_params = [{transform_indices = @transform_0, window_bounds = array<i64: 2, 2000, 64>}, {transform_indices = @transform_1, window_bounds = array<i64: 2, 2000, 1>}, {transform_indices = @transform_2, window_bounds = array<i64: 2, 2000, 64>}, {pipeline_mode = #tpu.pipeline_mode<synchronous>, transform_indices = @transform_3, window_bounds = array<i64: 128, 128>}, {pipeline_mode = #tpu.pipeline_mode<synchronous>, transform_indices = @transform_4, window_bounds = array<i64: 1, 128>}, {pipeline_mode = #tpu.pipeline_mode<synchronous>, transform_indices = @transform_5, window_bounds = array<i64: 128, 128>}, {transform_indices = @transform_6, window_bounds = array<i64: 2, 2000, 64>}]} {
    %get3A = arith.constant 0 : index
    %get3A_0 = arith.constant 0 : index
    %get3A_1 = arith.constant 0 : index
    %get3A_2 = vector.load %arg2[%get3A, %get3A_0, %get3A_1] : memref<2x2000x1xf32, #tpu.memory_space<vmem>>, vector<1x2000x1xf32>
    %get3A_3 = vector.shape_cast %get3A_2 : vector<1x2000x1xf32> to vector<2000x1xf32>
    %jit3A = arith.constant 1.000000e+00 : f32
    %max3A = vector.broadcast %jit3A : f32 to vector<2000x1xf32>
    %max3A_4 = arith.maximumf %max3A, %get3A_3 : vector<2000x1xf32>
    %get3A_5 = arith.constant 0 : index
    %get3A_6 = arith.constant 0 : index
    %get3A_7 = arith.constant 0 : index
    %get3A_8 = vector.load %arg1[%get3A_5, %get3A_6, %get3A_7] : memref<2x2000x64xf32, #tpu.memory_space<vmem>>, vector<1x2000x64xf32>
    %get3A_9 = vector.shape_cast %get3A_8 : vector<1x2000x64xf32> to vector<2000x64xf32>
    %get3A_10 = arith.constant 1 : index
    %get3A_11 = arith.constant 0 : index
    %get3A_12 = arith.constant 0 : index
    %get3A_13 = vector.load %arg1[%get3A_10, %get3A_11, %get3A_12] : memref<2x2000x64xf32, #tpu.memory_space<vmem>>, vector<1x2000x64xf32>
    %get3A_14 = vector.shape_cast %get3A_13 : vector<1x2000x64xf32> to vector<2000x64xf32>
    %concatenate3A = tpu.concatenate %get3A_9, %get3A_14 in 1 : vector<2000x64xf32>, vector<2000x64xf32> -> vector<2000x128xf32>
    %get3A_15 = arith.constant 0 : index
    %get3A_16 = arith.constant 0 : index
    %get3A_17 = arith.constant 0 : index
    %get3A_18 = vector.load %arg3[%get3A_15, %get3A_16, %get3A_17] : memref<2x2000x64xf32, #tpu.memory_space<vmem>>, vector<1x2000x64xf32>
    %get3A_19 = vector.shape_cast %get3A_18 : vector<1x2000x64xf32> to vector<2000x64xf32>
    %get3A_20 = arith.constant 1 : index
    %get3A_21 = arith.constant 0 : index
    %get3A_22 = arith.constant 0 : index
    %get3A_23 = vector.load %arg3[%get3A_20, %get3A_21, %get3A_22] : memref<2x2000x64xf32, #tpu.memory_space<vmem>>, vector<1x2000x64xf32>
    %get3A_24 = vector.shape_cast %get3A_23 : vector<1x2000x64xf32> to vector<2000x64xf32>
    %concatenate3A_25 = tpu.concatenate %get3A_19, %get3A_24 in 1 : vector<2000x64xf32>, vector<2000x64xf32> -> vector<2000x128xf32>
    %div3A = vector.broadcast %max3A_4 : vector<2000x1xf32> to vector<2000x128xf32>
    %div3A_26 = arith.divf %concatenate3A, %div3A : vector<2000x128xf32>
    %get3A_27 = arith.constant 0 : index
    %get3A_28 = arith.constant 0 : index
    %get3A_29 = vector.load %arg4[%get3A_27, %get3A_28] : memref<128x128xf32, #tpu.memory_space<vmem>>, vector<128x128xf32>
    %dot_general3A = arith.constant dense<0.000000e+00> : vector<2000x128xf32>
    %dot_general3A_30 = tpu.matmul %div3A_26, %get3A_29, %dot_general3A {dimension_numbers = #tpu.dot_dimension_numbers<[1], [0], [0], [1], [0, 0, 1, 1], [], []>, transpose_lhs_hint = false} : vector<2000x128xf32>, vector<128x128xf32>, vector<2000x128xf32> -> vector<2000x128xf32>
    %get3A_31 = arith.constant 0 : index
    %get3A_32 = arith.constant 0 : index
    %get3A_33 = vector.load %arg5[%get3A_31, %get3A_32] : memref<1x128xf32, #tpu.memory_space<vmem>>, vector<1x128xf32>
    %add3A = vector.broadcast %get3A_33 : vector<1x128xf32> to vector<2000x128xf32>
    %add3A_34 = arith.addf %dot_general3A_30, %add3A : vector<2000x128xf32>
    %get3A_35 = arith.constant 0 : index
    %get3A_36 = arith.constant 0 : index
    %get3A_37 = vector.load %arg6[%get3A_35, %get3A_36] : memref<128x128xf32, #tpu.memory_space<vmem>>, vector<128x128xf32>
    %dot_general3A_38 = arith.constant dense<0.000000e+00> : vector<2000x128xf32>
    %dot_general3A_39 = tpu.matmul %concatenate3A_25, %get3A_37, %dot_general3A_38 {dimension_numbers = #tpu.dot_dimension_numbers<[1], [0], [0], [1], [0, 0, 1, 1], [], []>, transpose_lhs_hint = false} : vector<2000x128xf32>, vector<128x128xf32>, vector<2000x128xf32> -> vector<2000x128xf32>
    %add3A_40 = arith.addf %add3A_34, %dot_general3A_39 : vector<2000x128xf32>
    %slice3A = vector.extract_strided_slice %add3A_40 {offsets = [0, 0], sizes = [2000, 64], strides = [1, 1]} : vector<2000x128xf32> to vector<2000x64xf32>
    %swap3A = arith.constant 0 : index
    %swap3A_41 = arith.constant 0 : index
    %swap3A_42 = arith.constant 0 : index
    %swap3A_43 = vector.load %arg7[%swap3A, %swap3A_41, %swap3A_42] : memref<2x2000x64xf32, #tpu.memory_space<vmem>>, vector<1x2000x64xf32>
    %swap3A_44 = vector.shape_cast %swap3A_43 : vector<1x2000x64xf32> to vector<2000x64xf32>
    %swap3A_45 = vector.shape_cast %slice3A : vector<2000x64xf32> to vector<1x2000x64xf32>
    tpu.vector_store %arg7[%swap3A, %swap3A_41, %swap3A_42], %swap3A_45 {strides = array<i32>} : memref<2x2000x64xf32, #tpu.memory_space<vmem>>, vector<1x2000x64xf32>,
    %slice3A_46 = vector.extract_strided_slice %add3A_40 {offsets = [0, 64], sizes = [2000, 64], strides = [1, 1]} : vector<2000x128xf32> to vector<2000x64xf32>
    %swap3A_47 = arith.constant 1 : index
    %swap3A_48 = arith.constant 0 : index
    %swap3A_49 = arith.constant 0 : index
    %swap3A_50 = vector.load %arg7[%swap3A_47, %swap3A_48, %swap3A_49] : memref<2x2000x64xf32, #tpu.memory_space<vmem>>, vector<1x2000x64xf32>
    %swap3A_51 = vector.shape_cast %swap3A_50 : vector<1x2000x64xf32> to vector<2000x64xf32>
    %swap3A_52 = vector.shape_cast %slice3A_46 : vector<2000x64xf32> to vector<1x2000x64xf32>
    tpu.vector_store %arg7[%swap3A_47, %swap3A_48, %swap3A_49], %swap3A_52 {strides = array<i32>} : memref<2x2000x64xf32, #tpu.memory_space<vmem>>, vector<1x2000x64xf32>,
    return
  }
  func.func @transform_0(%arg0: i32) -> (i32, i32, i32) {
    %c0_i32 = arith.constant 0 : i32
    %c0_i32_0 = arith.constant 0 : i32
    %c0_i32_1 = arith.constant 0 : i32
    return %c0_i32, %arg0, %c0_i32_0 : i32, i32, i32
  }
  func.func @transform_1(%arg0: i32) -> (i32, i32, i32) {
    %c0_i32 = arith.constant 0 : i32
    %c0_i32_0 = arith.constant 0 : i32
    %c0_i32_1 = arith.constant 0 : i32
    return %c0_i32, %arg0, %c0_i32_0 : i32, i32, i32
  }
  func.func @transform_2(%arg0: i32) -> (i32, i32, i32) {
    %c0_i32 = arith.constant 0 : i32
    %c0_i32_0 = arith.constant 0 : i32
    %c0_i32_1 = arith.constant 0 : i32
    return %c0_i32, %arg0, %c0_i32_0 : i32, i32, i32
  }
  func.func @transform_3(%arg0: i32) -> (i32, i32) {
    %c0_i32 = arith.constant 0 : i32
    %c0_i32_0 = arith.constant 0 : i32
    %c0_i32_1 = arith.constant 0 : i32
    return %c0_i32, %c0_i32_0 : i32, i32
  }
  func.func @transform_4(%arg0: i32) -> (i32, i32) {
    %c0_i32 = arith.constant 0 : i32
    %c0_i32_0 = arith.constant 0 : i32
    %c0_i32_1 = arith.constant 0 : i32
    return %c0_i32, %c0_i32_0 : i32, i32
  }
  func.func @transform_5(%arg0: i32) -> (i32, i32) {
    %c0_i32 = arith.constant 0 : i32
    %c0_i32_0 = arith.constant 0 : i32
    %c0_i32_1 = arith.constant 0 : i32
    return %c0_i32, %c0_i32_0 : i32, i32
  }
  func.func @transform_6(%arg0: i32) -> (i32, i32, i32) {
    %c0_i32 = arith.constant 0 : i32
    %c0_i32_0 = arith.constant 0 : i32
    %c0_i32_1 = arith.constant 0 : i32
    return %c0_i32, %arg0, %c0_i32_0 : i32, i32, i32
  }
}

module attributes {stable_mosaic.version = 14 : i64} {
  func.func @_tc_body(%arg0: i32, %arg1: memref<2x2000x64xf32, #tpu.memory_space<vmem>>, %arg2: memref<2x2000x1xf32, #tpu.memory_space<vmem>>, %arg3: memref<2x2000x64xf32, #tpu.memory_space<vmem>>, %arg4: memref<128x128xf32, #tpu.memory_space<vmem>>, %arg5: memref<1x128xf32, #tpu.memory_space<vmem>>, %arg6: memref<128x128xf32, #tpu.memory_space<vmem>>, %arg7: memref<2000x128xf32, #tpu.memory_space<vmem>>) attributes {dimension_semantics = [#tpu.dimension_semantics<arbitrary>], iteration_bounds = array<i64: 5>, scalar_prefetch = 0 : i64, scratch_operands = 0 : i64, tpu.core_type = #tpu.core_type<tc>, window_params = [{transform_indices = @transform_0, window_bounds = array<i64: 2, 2000, 64>}, {transform_indices = @transform_1, window_bounds = array<i64: 2, 2000, 1>}, {transform_indices = @transform_2, window_bounds = array<i64: 2, 2000, 64>}, {pipeline_mode = #tpu.pipeline_mode<synchronous>, transform_indices = @transform_3, window_bounds = array<i64: 128, 128>}, {pipeline_mode = #tpu.pipeline_mode<synchronous>, transform_indices = @transform_4, window_bounds = array<i64: 1, 128>}, {pipeline_mode = #tpu.pipeline_mode<synchronous>, transform_indices = @transform_5, window_bounds = array<i64: 128, 128>}, {transform_indices = @transform_6, window_bounds = array<i64: 2000, 128>}]} {
    %get3A = arith.constant 0 : index
    %get3A_0 = arith.constant 0 : index
    %get3A_1 = arith.constant 0 : index
    %get3A_2 = vector.load %arg2[%get3A, %get3A_0, %get3A_1] : memref<2x2000x1xf32, #tpu.memory_space<vmem>>, vector<1x2000x1xf32>
    %get3A_3 = vector.shape_cast %get3A_2 : vector<1x2000x1xf32> to vector<2000x1xf32>
    %jit3A = arith.constant 1.000000e+00 : f32
    %max3A = vector.broadcast %jit3A : f32 to vector<2000x1xf32>
    %max3A_4 = arith.maximumf %max3A, %get3A_3 : vector<2000x1xf32>
    %get3A_5 = arith.constant 0 : index
    %get3A_6 = arith.constant 0 : index
    %get3A_7 = arith.constant 0 : index
    %get3A_8 = vector.load %arg1[%get3A_5, %get3A_6, %get3A_7] : memref<2x2000x64xf32, #tpu.memory_space<vmem>>, vector<1x2000x64xf32>
    %get3A_9 = vector.shape_cast %get3A_8 : vector<1x2000x64xf32> to vector<2000x64xf32>
    %get3A_10 = arith.constant 1 : index
    %get3A_11 = arith.constant 0 : index
    %get3A_12 = arith.constant 0 : index
    %get3A_13 = vector.load %arg1[%get3A_10, %get3A_11, %get3A_12] : memref<2x2000x64xf32, #tpu.memory_space<vmem>>, vector<1x2000x64xf32>
    %get3A_14 = vector.shape_cast %get3A_13 : vector<1x2000x64xf32> to vector<2000x64xf32>
    %concatenate3A = tpu.concatenate %get3A_9, %get3A_14 in 1 : vector<2000x64xf32>, vector<2000x64xf32> -> vector<2000x128xf32>
    %get3A_15 = arith.constant 0 : index
    %get3A_16 = arith.constant 0 : index
    %get3A_17 = arith.constant 0 : index
    %get3A_18 = vector.load %arg3[%get3A_15, %get3A_16, %get3A_17] : memref<2x2000x64xf32, #tpu.memory_space<vmem>>, vector<1x2000x64xf32>
    %get3A_19 = vector.shape_cast %get3A_18 : vector<1x2000x64xf32> to vector<2000x64xf32>
    %get3A_20 = arith.constant 1 : index
    %get3A_21 = arith.constant 0 : index
    %get3A_22 = arith.constant 0 : index
    %get3A_23 = vector.load %arg3[%get3A_20, %get3A_21, %get3A_22] : memref<2x2000x64xf32, #tpu.memory_space<vmem>>, vector<1x2000x64xf32>
    %get3A_24 = vector.shape_cast %get3A_23 : vector<1x2000x64xf32> to vector<2000x64xf32>
    %concatenate3A_25 = tpu.concatenate %get3A_19, %get3A_24 in 1 : vector<2000x64xf32>, vector<2000x64xf32> -> vector<2000x128xf32>
    %div3A = vector.broadcast %max3A_4 : vector<2000x1xf32> to vector<2000x128xf32>
    %div3A_26 = arith.divf %concatenate3A, %div3A : vector<2000x128xf32>
    %get3A_27 = arith.constant 0 : index
    %get3A_28 = arith.constant 0 : index
    %get3A_29 = vector.load %arg4[%get3A_27, %get3A_28] : memref<128x128xf32, #tpu.memory_space<vmem>>, vector<128x128xf32>
    %dot_general3A = arith.constant dense<0.000000e+00> : vector<2000x128xf32>
    %dot_general3A_30 = tpu.matmul %div3A_26, %get3A_29, %dot_general3A {dimension_numbers = #tpu.dot_dimension_numbers<[1], [0], [0], [1], [0, 0, 1, 1], [], []>, transpose_lhs_hint = false} : vector<2000x128xf32>, vector<128x128xf32>, vector<2000x128xf32> -> vector<2000x128xf32>
    %get3A_31 = arith.constant 0 : index
    %get3A_32 = arith.constant 0 : index
    %get3A_33 = vector.load %arg5[%get3A_31, %get3A_32] : memref<1x128xf32, #tpu.memory_space<vmem>>, vector<1x128xf32>
    %add3A = vector.broadcast %get3A_33 : vector<1x128xf32> to vector<2000x128xf32>
    %add3A_34 = arith.addf %dot_general3A_30, %add3A : vector<2000x128xf32>
    %get3A_35 = arith.constant 0 : index
    %get3A_36 = arith.constant 0 : index
    %get3A_37 = vector.load %arg6[%get3A_35, %get3A_36] : memref<128x128xf32, #tpu.memory_space<vmem>>, vector<128x128xf32>
    %dot_general3A_38 = arith.constant dense<0.000000e+00> : vector<2000x128xf32>
    %dot_general3A_39 = tpu.matmul %concatenate3A_25, %get3A_37, %dot_general3A_38 {dimension_numbers = #tpu.dot_dimension_numbers<[1], [0], [0], [1], [0, 0, 1, 1], [], []>, transpose_lhs_hint = false} : vector<2000x128xf32>, vector<128x128xf32>, vector<2000x128xf32> -> vector<2000x128xf32>
    %add3A_40 = arith.addf %add3A_34, %dot_general3A_39 : vector<2000x128xf32>
    %logistic3A = arith.negf %add3A_40 : vector<2000x128xf32>
    %logistic3A_41 = math.exp %logistic3A : vector<2000x128xf32>
    %logistic3A_42 = arith.constant 1.000000e+00 : f32
    %logistic3A_43 = vector.broadcast %logistic3A_42 : f32 to vector<2000x128xf32>
    %logistic3A_44 = arith.addf %logistic3A_43, %logistic3A_41 : vector<2000x128xf32>
    %logistic3A_45 = arith.divf %logistic3A_43, %logistic3A_44 : vector<2000x128xf32>
    %swap3A = arith.constant 0 : index
    %swap3A_46 = arith.constant 0 : index
    %swap3A_47 = vector.load %arg7[%swap3A, %swap3A_46] : memref<2000x128xf32, #tpu.memory_space<vmem>>, vector<2000x128xf32>
    tpu.vector_store %arg7[%swap3A, %swap3A_46], %logistic3A_45 {strides = array<i32>} : memref<2000x128xf32, #tpu.memory_space<vmem>>, vector<2000x128xf32>,
    return
  }
  func.func @transform_0(%arg0: i32) -> (i32, i32, i32) {
    %c0_i32 = arith.constant 0 : i32
    %c0_i32_0 = arith.constant 0 : i32
    %c0_i32_1 = arith.constant 0 : i32
    return %c0_i32, %arg0, %c0_i32_0 : i32, i32, i32
  }
  func.func @transform_1(%arg0: i32) -> (i32, i32, i32) {
    %c0_i32 = arith.constant 0 : i32
    %c0_i32_0 = arith.constant 0 : i32
    %c0_i32_1 = arith.constant 0 : i32
    return %c0_i32, %arg0, %c0_i32_0 : i32, i32, i32
  }
  func.func @transform_2(%arg0: i32) -> (i32, i32, i32) {
    %c0_i32 = arith.constant 0 : i32
    %c0_i32_0 = arith.constant 0 : i32
    %c0_i32_1 = arith.constant 0 : i32
    return %c0_i32, %arg0, %c0_i32_0 : i32, i32, i32
  }
  func.func @transform_3(%arg0: i32) -> (i32, i32) {
    %c0_i32 = arith.constant 0 : i32
    %c0_i32_0 = arith.constant 0 : i32
    %c0_i32_1 = arith.constant 0 : i32
    return %c0_i32, %c0_i32_0 : i32, i32
  }
  func.func @transform_4(%arg0: i32) -> (i32, i32) {
    %c0_i32 = arith.constant 0 : i32
    %c0_i32_0 = arith.constant 0 : i32
    %c0_i32_1 = arith.constant 0 : i32
    return %c0_i32, %c0_i32_0 : i32, i32
  }
  func.func @transform_5(%arg0: i32) -> (i32, i32) {
    %c0_i32 = arith.constant 0 : i32
    %c0_i32_0 = arith.constant 0 : i32
    %c0_i32_1 = arith.constant 0 : i32
    return %c0_i32, %c0_i32_0 : i32, i32
  }
  func.func @transform_6(%arg0: i32) -> (i32, i32) {
    %c0_i32 = arith.constant 0 : i32
    %c0_i32_0 = arith.constant 0 : i32
    return %arg0, %c0_i32 : i32, i32
  }
}

</mosaic_0001>

<sc_bundles>
// kernel: kernel.6.cloned.1.call-start
scs
__scs_entry_jumppad:
0x0: {  	(pc) =	sbr.rel $0x88, $3  }
0x1: {  	(tag) =	ssettag $0x0;
	lr =	simm.s32 $0x1  }
0x2: {  	[smem:$0x3F99] =	sst lr;
	_ =	strace $0xD0000000  }
0x3: {  	_ = 	snop  }
0x4: {  	_ = 	snop  }
0x5: {  	_ = 	snop  }
0x6: {  	_ = 	snop  }
0x7: {  	_ = 	snop  }
__scs_overlays_trampoline_lowered:
0x8: {  	[smem:$0x3FA8] =	sst s0  }
0x9: {  	[smem:$0x3FA9] =	sst s1  }
0xa: {  	[smem:$0x3FAA] =	sst s2  }
0xb: {  	[smem:$0x3FAB] =	sst s3  }
0xc: {  	[smem:$0x3FAC] =	sst s4  }
0xd: {  	[smem:$0x3FAD] =	sst s5  }
0xe: {  	[smem:$0x3FAE] =	sst s6  }
0xf: {  	[smem:$0x3FAF] =	sst s7  }
0x10: {  	[smem:$0x3FB0] =	sst s8  }
0x11: {  	[smem:$0x3FB1] =	sst s9;
	s0 =	simm.s32 @!p0 $0x0  }
0x12: {  	s1 =	sld [smem:$0x3F97];
	s0 =	simm.s32 @p0 $0x1  }
0x13: {  	[smem:$0x3FB2] =	sst s0;
	s0 =	simm.s32 @!p1 $0x0  }
0x14: {  	s2 =	sld [smem:$0x3F96];
	s0 =	simm.s32 @p1 $0x1  }
0x15: {  	[smem:$0x3FB3] =	sst s0;
	s0 =	simm.s32 @!p2 $0x0  }
0x16: {  	s3 =	sld [smem:$0x3FDB];
	s0 =	simm.s32 @p2 $0x1  }
0x17: {  	s4 =	simm.s32 $0x1BF5;
	[smem:$0x3FB5] =	sst s0  }
0x18: {  	s0 =	sld [smem:$0x3F98];
	_ =	swait.ge [sflag:s4], $0x0  }
0x19: {  	s7 =	sld [smem:$0x3F99]  }
0x1a: {  	s8 =	sadd.s32 $0xFFFFE003, lr  }
0x1b: {  	s9 =	sadd.s32 $0xFFFFFEF7, lr;
	s5 =	simm.s32 $0xFFFFFFFF;
	p2 =	slt.u32 s8, $0xFFFFF086  }
0x1c: {  	p1 =	slt.u32 s9, $0xF7A;
	s5 =	simm.s32 @!p2 $0x0  }
0x1d: {  	s5 =	simm.s32 @p1 $0x1;
	p0 =	seq.s32 s7, s2  }
0x1e: {  	s7 =	smul.u32 @!p0 $0xF7A, s2;
	p2 =	seq.s32 @!p0 s5, $0x0  }
0x1f: {  	s9 =	smul.u32 $0xF7A, s1;
	s8 =	simm.s32 @!p0 $0x1BF5;
	p2 =	por !p2, p0  }
0x20: {  	[sflag:s8] =	ssyncset.s32 @!p0 $0xFFFFF086;
	s6 =	sadd.s32 @!p0 s3, s7;
	s7 =	simm.s32 @!p0 $0x108  }
0x21: {  	s3 =	sadd.s32 s3, s9;
	s6 =	sadd.s32 @!p0 $0x88, s6;
	s7 =	simm.s32 @p2 $0x1082  }
0x22: {  	[simem:s7], [sflag:s8] =	dma.local @!p0 [hbm:s6], $0xF7A  }
0x23: {  	s9 =	sor.u32 $0xD0000000, s2;
	s6 =	simm.s32 $0x108;
	_ =	swait.ge @!p0 [sflag:s8], $0x0  }
0x24: {  	s3 =	sadd.s32 $0x88, s3;
	s6 =	simm.s32 @!p1 $0x1082;
	[sflag:s4] =	ssyncset.s32 $0xFFFFF086  }
0x25: {  	[simem:s6], [sflag:s4] =	dma.local [hbm:s3], $0xF7A  }
0x26: {  	[smem:$0x3F99] =	sst s1;
	(tag) =	ssettag s2;
	_ =	strace s9  }
0x27: {  	s1 =	sld [smem:$0x3FA9]  }
0x28: {  	s2 =	sld [smem:$0x3FAA]  }
0x29: {  	s4 =	sld [smem:$0x3FAC]  }
0x2a: {  	p0 =	seq.s32 s5, $0x0;
	s5 =	sld [smem:$0x3FAD]  }
0x2b: {  	s6 =	sld [smem:$0x3FAE]  }
0x2c: {  	s7 =	sld [smem:$0x3FAF]  }
0x2d: {  	s3 =	simm.s32 $0x108;
	s8 =	sld [smem:$0x3FB0]  }
0x2e: {  	s3 =	simm.s32 @!p0 $0x1082;
	s9 =	sld [smem:$0x3FB1]  }
0x2f: {  	lr =	sadd.s32 s0, s3;
	s0 =	sld [smem:$0x3FA8]  }
0x30: {  	s3 =	sld [smem:$0x3FAB]  }
0x31: {  	[smem:$0x3FB4] =	sst s10  }
0x32: {  	s10 =	sld [smem:$0x3FB2];
	_ =	sdelay $0x3  }
0x33: {  	p0 =	seq.s32 s10, $0x1;
	s10 =	sld [smem:$0x3FB4];
	_ =	sdelay $0x3  }
0x34: {  	[smem:$0x3FB4] =	sst s10  }
0x35: {  	s10 =	sld [smem:$0x3FB3];
	_ =	sdelay $0x3  }
0x36: {  	p1 =	seq.s32 s10, $0x1;
	s10 =	sld [smem:$0x3FB4];
	_ =	sdelay $0x3  }
0x37: {  	[smem:$0x3FB4] =	sst s10  }
0x38: {  	s10 =	sld [smem:$0x3FB5]  }
0x39: {  	_ = 	snop;
	(pc) =	sbr.ind lr, $3  }
0x3a: {  	_ = 	snop  }
0x3b: {  	_ = 	snop  }
0x3c: {  	p2 =	seq.s32 s10, $0x1;
	s10 =	sld [smem:$0x3FB4]  }
0x3d: {  	_ =	shalt  }
0x3e: {  	_ =	shalt  }
0x3f: {  	_ =	shalt  }
0x40: {  	_ =	shalt  }
0x41: {  	_ =	shalt  }
0x42: {  	_ =	shalt  }
0x43: {  	_ =	shalt  }
0x44: {  	_ =	shalt  }
0x45: {  	_ =	shalt  }
0x46: {  	_ =	shalt  }
0x47: {  	_ =	shalt  }
0x48: {  	_ =	shalt  }
0x49: {  	_ =	shalt  }
0x4a: {  	_ =	shalt  }
0x4b: {  	_ =	shalt  }
0x4c: {  	_ =	shalt  }
0x4d: {  	_ =	shalt  }
0x4e: {  	_ =	shalt  }
0x4f: {  	_ =	shalt  }
0x50: {  	_ =	shalt  }
0x51: {  	_ =	shalt  }
0x52: {  	_ =	shalt  }
0x53: {  	_ =	shalt  }
0x54: {  	_ =	shalt  }
0x55: {  	_ =	shalt  }
0x56: {  	_ =	shalt  }
0x57: {  	_ =	shalt  }
0x58: {  	_ =	shalt  }
0x59: {  	_ =	shalt  }
0x5a: {  	_ =	shalt  }
0x5b: {  	_ =	shalt  }
0x5c: {  	_ =	shalt  }
0x5d: {  	_ =	shalt  }
0x5e: {  	_ =	shalt  }
0x5f: {  	_ =	shalt  }
0x60: {  	_ =	shalt  }
0x61: {  	_ =	shalt  }
0x62: {  	_ =	shalt  }
0x63: {  	_ =	shalt  }
0x64: {  	_ =	shalt  }
0x65: {  	_ =	shalt  }
0x66: {  	_ =	shalt  }
0x67: {  	_ =	shalt  }
0x68: {  	_ =	shalt  }
0x69: {  	_ =	shalt  }
0x6a: {  	_ =	shalt  }
0x6b: {  	_ =	shalt  }
0x6c: {  	_ =	shalt  }
0x6d: {  	_ =	shalt  }
0x6e: {  	_ =	shalt  }
0x6f: {  	_ =	shalt  }
0x70: {  	_ =	shalt  }
0x71: {  	_ =	shalt  }
0x72: {  	_ =	shalt  }
0x73: {  	_ =	shalt  }
0x74: {  	_ =	shalt  }
0x75: {  	_ =	shalt  }
0x76: {  	_ =	shalt  }
0x77: {  	_ =	shalt  }
0x78: {  	_ =	shalt  }
0x79: {  	_ =	shalt  }
0x7a: {  	_ =	shalt  }
0x7b: {  	_ =	shalt  }
0x7c: {  	_ =	shalt  }
0x7d: {  	_ =	shalt  }
0x7e: {  	_ =	shalt  }
0x7f: {  	_ =	shalt  }
0x80: {  	_ =	shalt  }
0x81: {  	_ =	shalt  }
0x82: {  	_ =	shalt  }
0x83: {  	_ =	shalt  }
0x84: {  	_ =	shalt  }
0x85: {  	_ =	shalt  }
0x86: {  	_ =	shalt  }
0x87: {  	_ =	shalt  }
.Lfunc_end0:
.L_simem_size_0:
called_computation_lowered:
.L_overlay_start_0:
0x88: {  	s2 =	sld [smem:$0x3FD9]  }
0x89: {  	s3 =	sld [smem:$0x3FFE];
	_ =	sdelay $0x1  }
0x8a: {  	s1 =	srdreg.scid  }
0x8b: {  	s0 =	sand.u32 $0x1, s1  }
0x8c: {  	s17 =	sshll.u32 s0, $0xA;
	s2 =	sadd.s32 s3, s2  }
0x8d: {  	s2 =	sadd.s32 s2, s17  }
0x8e: {  	[smem:$0x3FC0] =	sst s2  }
0x8f: {  	_ = 	snop  }
0x90: {  	s2 =	sld [smem:$0x3FD0];
	(tm) =	ssettm $0x1  }
0x91: {  	s18 =	sld [smem:$0x3FFB];
	_ =	sdelay $0x3  }
0x92: {  	_ =	strace s18  }
0x93: {  	s3 =	sld [smem:$0x3FFC];
	_ =	sdelay $0x3  }
0x94: {  	_ =	strace s3  }
0x95: {  	s3 =	sld [smem:$0x3FFD];
	_ =	sdelay $0x3  }
0x96: {  	_ =	strace s3  }
0x97: {  	_ =	strace $0x8FFFFFFF  }
0x98: {  	s19 =	sld [smem:$0x3FDB];
	_ =	sdelay $0x1  }
0x99: {  	s4 =	simm.s32 $_scs_section_size  }
0x9a: {  	s5 =	simm.s32 $_size__tile_overlayer_lowered;
	s6 =	simm.s32 $_tile_overlayer_lowered  }
0x9b: {  	s22 =	simm.s32 $0x1BFF;
	s21 =	sshll.u32 s6, $0x1;
	s3 =	sadd.s32 s4, s19  }
0x9c: {  	s7 =	simm.s32 $0x0;
	s20 =	sshll.u32 s5, $0x1;
	s5 =	sadd.s32 s21, s3  }
0x9d: {  	[timem:s7], [sflag:s22] =	dma.local [hbm:s5], s20  }
0x9e: {  	_ =	swait.ge [sflag:s22], s20  }
0x9f: {  	s4 =	ssub.s32 $0x0, s20;
	[sflag:s22] =	ssyncset.done $0x0  }
0xa0: {  	[sflag:s22] =	ssyncadd.s32 s4;
	_ =	sdelay $0x1  }
0xa1: {  	s23 =	simm.s32 $0x1B8B  }
0xa2: {  	_ =	swait.ge [sflag:s23], $0x1  }
0xa3: {  	[sflag:s23] =	ssyncset.done $0x0  }
0xa4: {  	s25 =	simm.s32 $0x1B8E;
	s24 =	sld [smem:$0x3FFE];
	[sflag:s23] =	ssyncadd.s32 $0xFFFFFFFF  }
0xa5: {  	s26 =	simm.s32 $execute0_lowered;
	[smem:$0x3FD2] =	sst s25  }
0xa6: {  	s5 =	sshll.u32 s26, $0x1;
	_ =	strace $0x80000046;
	[dreg:$0x1] =	wrdreg $0xFFFFFFFF  }
0xa7: {  	s28 =	simm.s32 $_size_execute0_lowered;
	s3 =	sadd.s32 s3, s5;
	[dreg:$0x0] =	wrdreg $0x0  }
0xa8: {  	s5 =	sshll.u32 s28, $0x1;
	[dreg:$0x2] =	wrdreg s3  }
0xa9: {  	[dreg:$0x3] =	wrdreg s5  }
0xaa: {  	[dreg:$0x4] =	wrdreg $0xC0  }
0xab: {  	_ =	task [dreg:s7], $0x5FFFF  }
0xac: {  	[dreg:$0x1] =	wrdreg $0xFFFFFFFF  }
0xad: {  	[dreg:$0x0] =	wrdreg $0x60  }
0xae: {  	[dreg:$0x2] =	wrdreg s2  }
0xaf: {  	[dreg:$0x3] =	wrdreg s24  }
0xb0: {  	[dreg:$0x4] =	wrdreg $0x131F80  }
0xb1: {  	[dreg:$0x5] =	wrdreg $0x1CFF80  }
0xb2: {  	[dreg:$0x6] =	wrdreg $0x9  }
0xb3: {  	_ =	task.clear_ibuf [dreg:s7], $0x7FFFF;
	_ =	strace $0x90000046  }
0xb4: {  	s29 =	simm.s32 $0x9;
	_ =	strace $0x80000048  }
0xb5: {  	_ =	swait.ge [sflag:s29], $0x1  }
0xb6: {  	[sflag:s29] =	ssyncadd.s32 $0xFFFFFFFF  }
0xb7: {  	_ =	strace $0x90000048  }
0xb8: {  	_ =	sfence  }
0xb9: {  	s30 =	sld [smem:$0x0];
	_ =	sdelay $0x2  }
0xba: {  	s31 =	sshll.u32 s1, $0xD;
	s1 =	sshrl.u32 s1, $0x2  }
0xbb: {  	s3 =	sand.u32 $0x4000, s31;
	s1 =	sadd.s32 s1, s30  }
0xbc: {  	s0 =	sor.u32 s3, s0;
	s1 =	sshll.u32 s1, $0x11  }
0xbd: {  	s0 =	sor.u32 s1, s0  }
0xbe: {  	s0 =	sadd.s32 $0x8F2B, s0  }
0xbf: {  	[sflag:s0] =	ssyncadd.remote.s32 $0x1  }
0xc0: {  	_ =	sfence.sel $0xFFFF  }
0xc1: {  	[dreg:$0x0] =	wrdreg $0xFFFFFFFF;
	(pc) =	sbr.abs _section_cstart, $3  }
0xc2: {  	[dreg:$0x1] =	wrdreg $0xFFFFFFFF  }
0xc3: {  	_ =	task.clear_ibuf [dreg:s7], $0x2FFFF;
	_ =	strace $0x9FFFFFFF  }
0xc4: {  	(tm) =	ssettm $0x7FFFFFFF  }
0xc5: {  	_ =	shalt  }
tec
execute0_lowered:
.L_overlay_start_1:
0x0: {  	(tag) =	ssettag $0x1  }
0x1: {  	s8 =	rddreg [dreg:$0x0]  }
0x2: {  	s5 =	rddreg [dreg:$0x1]  }
0x3: {  	s2 =	rddreg [dreg:$0x2];
	s0 =	stileid.u32  }
0x4: {  	s1 =	srdreg.scid;
	s3 =	rddreg [dreg:$0x3]  }
0x5: {  	s4 =	simm.s32 $0x0;
	s16 =	simm.s32 $0x4F80;
	s6 =	smul.u32 $0x9E0, s0  }
0x6: {  	s17 =	simm.s32 $0x7100;
	s18 =	simm.s32 $0x1;
	s11 =	smul.u32 $0x278, s0  }
0x7: {  	s19 =	simm.s32 $0x5000;
	s7 =	sand.u32 $0x1, s1;
	s13 =	smul.u32 $0x9E00, s0  }
0x8: {  	s20 =	simm.s32 $0x9100;
	s1 =	rddreg [dreg:$0x4];
	s9 =	smul.u32 $0x13C00, s7  }
0x9: {  	s21 =	simm.s32 $0x2;
	[smem:$0x7FF] =	sst s4;
	s10 =	smul.u32 $0x4F0, s7  }
0xa: {  	_ =	strace $0x80000047;
	s31 =	ssub.s32 $0x2, s7;
	s15 =	smul.u32 $0x13880, s7  }
0xb: {  	s12 =	sadd.s32 s6, s5;
	s14 =	sshrl.u32 s31, $0x1;
	s6 =	sadd.s32 s11, s3  }
0xc: {  	s23 =	sshrl.u32 s13, $0x3;
	s25 =	sshrl.u32 s11, $0x3;
	s11 =	simm.s32 $0x3  }
0xd: {  	s9 =	sadd.s32 s9, s5;
	s10 =	sadd.s32 s10, s5;
	s14 =	ssub.s32 s31, s14  }
0xe: {  	s5 =	sadd.s32 s13, s2;
	s7 =	sadd.s32 $0x1C00, s12;
	s8 =	sadd.s32 s8, s15  }
0xf: {  	s12 =	simm.s32 $0x12F80;
	s13 =	simm.s32 $0x80;
	s15 =	simm.s32 $0x5100  }
0x10: {  	s22 =	sadd.s32 $0xC400, s9;
	s24 =	sadd.s32 $0xBA00, s10;
	s9 =	smax.u32 s14, $0x1  }
0x11: {  	s10 =	simm.s32 $0x9180;
	s14 =	simm.s32 $0x4F00;
	s22 =	sadd.s32 s23, s22  }
0x12: {  	v0 =	vimm.f32 $0.0e+00;
	v1 =	vimm.f32 $1.000000000e+00;
	s23 =	simm.s32 $0x5080;
	s24 =	sadd.s32 s25, s24;
	s25 =	simm.s32 $0x0  }
.LBB2_1:
0x13: {  	s28 =	simm.s32 $0x100;
	s26 =	simm.s32 $0x0  }
.LBB2_2:
0x14: {  	p0 =	sne.s32 s28, $0x27700;
	[tilespmem:s26+$0x91B0] =	vst v0;
	s29 =	smov.u32 s28;
	s28 =	sadd.s32 $0x100, s28  }
.Ltmp0:
0x15: {  	[tilespmem:s26+$0x91A0] =	vst v0;
	(pc) =	sbr.rel @p0 .LBB2_2-.Ltmp0, $3  }
0x16: {  	[tilespmem:s26+$0x9180] =	vst v0  }
0x17: {  	[tilespmem:s26+$0x9190] =	vst v0;
	_ =	sdelay $0x1  }
0x18: {  	s26 =	sshra.s32 s29, $0x2  }
0x19: {  	[tilespmem:s26+$0x91B0] =	vst v0  }
0x1a: {  	[tilespmem:s26+$0x91A0] =	vst v0  }
0x1b: {  	[tilespmem:s26+$0x9180] =	vst v0  }
0x1c: {  	[tilespmem:s26+$0x9190] =	vst v0  }
0x1d: {  	[tilespmem:$0x12F80] =	vst v0  }
0x1e: {  	[tilespmem:$0x12F90] =	vst v0  }
0x1f: {  	[tilespmem:$0x12FA0] =	vst v0  }
0x20: {  	[tilespmem:$0x12FB0] =	vst v0  }
0x21: {  	[tilespmem:$0x12FC0] =	vst v0  }
0x22: {  	[tilespmem:$0x12FD0] =	vst v0  }
0x23: {  	[tilespmem:$0x12FE0] =	vst v0  }
0x24: {  	[tilespmem:$0x12FF0] =	vst v0  }
0x25: {  	[tilespmem:$0x13000] =	vst v0  }
0x26: {  	[tilespmem:$0x13010] =	vst v0  }
0x27: {  	[tilespmem:$0x13020] =	vst v0  }
0x28: {  	[tilespmem:$0x13030] =	vst v0  }
0x29: {  	[tilespmem:$0x13040] =	vst v0  }
0x2a: {  	[tilespmem:$0x13050] =	vst v0  }
0x2b: {  	[tilespmem:$0x13060] =	vst v0  }
0x2c: {  	[tilespmem:$0x13070] =	vst v0  }
0x2d: {  	[tilespmem:$0x13080] =	vst v0  }
0x2e: {  	[tilespmem:$0x13090] =	vst v0  }
0x2f: {  	[tilespmem:$0x130A0] =	vst v0  }
0x30: {  	[tilespmem:$0x130B0] =	vst v0  }
0x31: {  	[tilespmem:$0x130C0] =	vst v0  }
0x32: {  	[tilespmem:$0x130D0] =	vst v0  }
0x33: {  	[tilespmem:$0x130E0] =	vst v0  }
0x34: {  	[tilespmem:$0x130F0] =	vst v0  }
0x35: {  	[tilespmem:$0x13100] =	vst v0  }
0x36: {  	[tilespmem:$0x13110] =	vst v0  }
0x37: {  	[tilespmem:$0x13120] =	vst v0  }
0x38: {  	[tilespmem:$0x13130] =	vst v0  }
0x39: {  	[tilespmem:$0x13140] =	vst v0  }
0x3a: {  	[tilespmem:$0x13150] =	vst v0  }
0x3b: {  	[tilespmem:$0x13160] =	vst v0  }
0x3c: {  	[tilespmem:$0x13170] =	vst v0  }
0x3d: {  	[tilespmem:$0x13180] =	vst v0  }
0x3e: {  	[tilespmem:$0x13190] =	vst v0  }
0x3f: {  	[tilespmem:$0x131A0] =	vst v0  }
0x40: {  	[tilespmem:$0x131B0] =	vst v0  }
0x41: {  	[tilespmem:$0x131C0] =	vst v0  }
0x42: {  	[tilespmem:$0x131D0] =	vst v0  }
0x43: {  	[tilespmem:$0x131E0] =	vst v0  }
0x44: {  	[tilespmem:$0x131F0] =	vst v0  }
0x45: {  	[tilespmem:$0x9100] =	vst v1  }
0x46: {  	[tilespmem:$0x9110] =	vst v1  }
0x47: {  	[tilespmem:$0x9120] =	vst v1  }
0x48: {  	[tilespmem:$0x9130] =	vst v1  }
0x49: {  	[tilespmem:$0x9140] =	vst v1  }
0x4a: {  	[tilespmem:$0x9150] =	vst v1  }
0x4b: {  	[tilespmem:$0x9160] =	vst v1  }
0x4c: {  	[tilespmem:$0x9170] =	vst v1  }
0x4d: {  	[spmem:s5] =	stream.linear.scatter [tilespmem:s10], [sflag:$0x3], $0x9E00, $0x38;
	[tilespmem:$0x1D270] =	vst v63  }
0x4e: {  	_ =	swait.ge [sflag:s11], $0x9E00  }
0x4f: {  	[sflag:s11] =	ssyncset.done $0x0  }
0x50: {  	[sflag:s11] =	ssyncadd.s32 $0xFFFF6200  }
0x51: {  	[spmem:s6] =	stream.linear.scatter [tilespmem:s12], [sflag:$0x3], $0x278, $0x38;
	[tilespmem:$0x1D270] =	vst v63  }
0x52: {  	_ =	swait.ge [sflag:s11], $0x278  }
0x53: {  	[sflag:s11] =	ssyncset.done $0x0  }
0x54: {  	s31 =	simm.s32 $0x0;
	[sflag:s11] =	ssyncadd.s32 $0xFFFFFD88  }
0x55: {  	[tilespmem:s31], [sflag:$0x3] =	stream.linear.gather [hbm4b:s7+s31], $0x4F00, $0x38;
	[tilespmem:$0x1D270] =	vst v63  }
0x56: {  	_ =	swait.ge [sflag:s11], $0x4F00  }
0x57: {  	[sflag:s11] =	ssyncset.done $0x0  }
0x58: {  	[sflag:s11] =	ssyncadd.s32 $0xFFFFB100  }
0x59: {  	[bflag:$0x0] =	sbarrier.arrive $0xFFFF  }
0x5a: {  	v2 =	vld [tilespmem:$0x0];
	_ =	sdelay $0x1  }
0x5b: {  	v3 =	vld [tilespmem:$0x10];
	_ =	sdelay $0x1  }
0x5c: {  	v4 =	vld [tilespmem:$0x20]  }
0x5d: {  	v5 =	vand.u32 $0x3FFF, v2  }
0x5e: {  	v61 =	vld [tilespmem:$0x30];
	v2 =	vshrl.u32 v2, $0xE;
	[tilespmem:$0x4F00] =	vst v5  }
0x5f: {  	[tilespmem:$0x5000] =	vst v2;
	v2 =	vand.u32 $0x3FFF, v3  }
0x60: {  	[tilespmem:$0x4F10] =	vst v2;
	v2 =	vshrl.u32 v3, $0xE;
	v3 =	vld [tilespmem:$0x40]  }
0x61: {  	[tilespmem:$0x5010] =	vst v2;
	v2 =	vand.u32 $0x3FFF, v4  }
0x62: {  	v62 =	vld [tilespmem:$0x50];
	[tilespmem:$0x4F20] =	vst v2;
	v2 =	vshrl.u32 v4, $0xE  }
0x63: {  	[tilespmem:$0x5020] =	vst v2;
	v2 =	vand.u32 $0x3FFF, v61  }
0x64: {  	v63 =	vld [tilespmem:$0x60];
	[tilespmem:$0x4F30] =	vst v2;
	v2 =	vshrl.u32 v61, $0xE  }
0x65: {  	[tilespmem:$0x5030] =	vst v2;
	v2 =	vand.u32 $0x3FFF, v3  }
0x66: {  	[tilespmem:$0x4F40] =	vst v2;
	v2 =	vshrl.u32 v3, $0xE;
	v3 =	vld [tilespmem:$0x70]  }
0x67: {  	[tilespmem:$0x5040] =	vst v2;
	v2 =	vand.u32 $0x3FFF, v62  }
0x68: {  	[tilespmem:$0x4F50] =	vst v2;
	v2 =	vshrl.u32 v62, $0xE  }
0x69: {  	[tilespmem:$0x5050] =	vst v2;
	v2 =	vand.u32 $0x3FFF, v63  }
0x6a: {  	[tilespmem:$0x4F60] =	vst v2;
	v2 =	vshrl.u32 v63, $0xE  }
0x6b: {  	[tilespmem:$0x5060] =	vst v2;
	v2 =	vand.u32 $0x3FFF, v3  }
0x6c: {  	[tilespmem:$0x4F70] =	vst v2;
	v2 =	vshrl.u32 v3, $0xE  }
0x6d: {  	s28 =	simm.s32 $0x0;
	[tilespmem:$0x5070] =	vst v2  }
0x6e: {  	[tilespmem:s15], [sflag:$0x1] =	stream.indirect.gather [hbm4b:s8+s13], $0x40, s14, s13, $0xb8;
	[tilespmem:$0x1D270] =	vst v63  }
0x6f: {  	v2 =	vld [tilespmem:s28+$0x80];
	_ =	sdelay $0x4  }
0x70: {  	v3 =	vand.u32 $0x3FFF, v2  }
0x71: {  	v2 =	vshrl.u32 v2, $0xE;
	[tilespmem:$0x4F80] =	vst v3  }
0x72: {  	[tilespmem:$0x5080] =	vst v2  }
0x73: {  	v2 =	vld [tilespmem:s28+$0x90];
	_ =	sdelay $0x4  }
0x74: {  	v3 =	vand.u32 $0x3FFF, v2  }
0x75: {  	v2 =	vshrl.u32 v2, $0xE;
	[tilespmem:$0x4F90] =	vst v3  }
0x76: {  	[tilespmem:$0x5090] =	vst v2  }
0x77: {  	v2 =	vld [tilespmem:s28+$0xA0];
	_ =	sdelay $0x4  }
0x78: {  	v3 =	vand.u32 $0x3FFF, v2  }
0x79: {  	v2 =	vshrl.u32 v2, $0xE;
	[tilespmem:$0x4FA0] =	vst v3  }
0x7a: {  	[tilespmem:$0x50A0] =	vst v2  }
0x7b: {  	v2 =	vld [tilespmem:s28+$0xB0];
	_ =	sdelay $0x4  }
0x7c: {  	v3 =	vand.u32 $0x3FFF, v2  }
0x7d: {  	v2 =	vshrl.u32 v2, $0xE;
	[tilespmem:$0x4FB0] =	vst v3  }
0x7e: {  	[tilespmem:$0x50B0] =	vst v2  }
0x7f: {  	v2 =	vld [tilespmem:s28+$0xC0];
	_ =	sdelay $0x4  }
0x80: {  	v3 =	vand.u32 $0x3FFF, v2  }
0x81: {  	v2 =	vshrl.u32 v2, $0xE;
	[tilespmem:$0x4FC0] =	vst v3  }
0x82: {  	[tilespmem:$0x50C0] =	vst v2  }
0x83: {  	v2 =	vld [tilespmem:s28+$0xD0];
	_ =	sdelay $0x4  }
0x84: {  	v3 =	vand.u32 $0x3FFF, v2  }
0x85: {  	v2 =	vshrl.u32 v2, $0xE;
	[tilespmem:$0x4FD0] =	vst v3  }
0x86: {  	[tilespmem:$0x50D0] =	vst v2  }
0x87: {  	v2 =	vld [tilespmem:s28+$0xE0];
	_ =	sdelay $0x4  }
0x88: {  	v3 =	vand.u32 $0x3FFF, v2  }
0x89: {  	v2 =	vshrl.u32 v2, $0xE;
	[tilespmem:$0x4FE0] =	vst v3  }
0x8a: {  	[tilespmem:$0x50E0] =	vst v2  }
0x8b: {  	v2 =	vld [tilespmem:s28+$0xF0];
	_ =	sdelay $0x4  }
0x8c: {  	v3 =	vand.u32 $0x3FFF, v2  }
0x8d: {  	v2 =	vshrl.u32 v2, $0xE;
	[tilespmem:$0x4FF0] =	vst v3  }
0x8e: {  	[tilespmem:$0x50F0] =	vst v2  }
0x8f: {  	[tilespmem:s17], [sflag:$0x2] =	stream.indirect.gather [hbm4b:s8+s13], $0x40, s16, s13, $0xb8;
	[tilespmem:$0x1D270] =	vst v63  }
0x90: {  	_ =	swait.ge [sflag:s18], $0x2000  }
0x91: {  	[sflag:s18] =	ssyncset.done $0x0  }
0x92: {  	[sflag:s18] =	ssyncadd.s32 $0xFFFFE000  }
0x93: {  	[spmem:s2] =	stream.indirect.scatter.add.f32 [tilespmem:s15], [sflag:$0x3], $0x40, s19, s13, $0xb8;
	[tilespmem:$0x1D270] =	vst v63  }
0x94: {  	_ =	swait.ge [sflag:s11], $0x2000  }
0x95: {  	[sflag:s11] =	ssyncset.done $0x0  }
0x96: {  	[sflag:s11] =	ssyncadd.s32 $0xFFFFE000  }
0x97: {  	[spmem:s3] =	stream.indirect.scatter.add.f32 [tilespmem:s20], [sflag:$0x3], $0x1, s19, s13, $0xb8;
	[tilespmem:$0x1D270] =	vst v63  }
0x98: {  	_ =	swait.ge [sflag:s11], $0x80  }
0x99: {  	[sflag:s11] =	ssyncset.done $0x0  }
0x9a: {  	[sflag:s11] =	ssyncadd.s32 $0xFFFFFF80  }
0x9b: {  	v2 =	vld [tilespmem:s28+$0x100];
	_ =	sdelay $0x4  }
0x9c: {  	v3 =	vand.u32 $0x3FFF, v2  }
0x9d: {  	v2 =	vshrl.u32 v2, $0xE;
	[tilespmem:$0x4F00] =	vst v3  }
0x9e: {  	[tilespmem:$0x5000] =	vst v2  }
0x9f: {  	v2 =	vld [tilespmem:s28+$0x110];
	_ =	sdelay $0x4  }
0xa0: {  	v3 =	vand.u32 $0x3FFF, v2  }
0xa1: {  	v2 =	vshrl.u32 v2, $0xE;
	[tilespmem:$0x4F10] =	vst v3  }
0xa2: {  	[tilespmem:$0x5010] =	vst v2  }
0xa3: {  	v2 =	vld [tilespmem:s28+$0x120];
	_ =	sdelay $0x4  }
0xa4: {  	v3 =	vand.u32 $0x3FFF, v2  }
0xa5: {  	v2 =	vshrl.u32 v2, $0xE;
	[tilespmem:$0x4F20] =	vst v3  }
0xa6: {  	[tilespmem:$0x5020] =	vst v2  }
0xa7: {  	v2 =	vld [tilespmem:s28+$0x130];
	_ =	sdelay $0x4  }
0xa8: {  	v3 =	vand.u32 $0x3FFF, v2  }
0xa9: {  	v2 =	vshrl.u32 v2, $0xE;
	[tilespmem:$0x4F30] =	vst v3  }
0xaa: {  	[tilespmem:$0x5030] =	vst v2  }
0xab: {  	v2 =	vld [tilespmem:s28+$0x140];
	_ =	sdelay $0x4  }
0xac: {  	v3 =	vand.u32 $0x3FFF, v2  }
0xad: {  	v2 =	vshrl.u32 v2, $0xE;
	[tilespmem:$0x4F40] =	vst v3  }
0xae: {  	[tilespmem:$0x5040] =	vst v2  }
0xaf: {  	v2 =	vld [tilespmem:s28+$0x150];
	_ =	sdelay $0x4  }
0xb0: {  	v3 =	vand.u32 $0x3FFF, v2  }
0xb1: {  	v2 =	vshrl.u32 v2, $0xE;
	[tilespmem:$0x4F50] =	vst v3  }
0xb2: {  	[tilespmem:$0x5050] =	vst v2  }
0xb3: {  	v2 =	vld [tilespmem:s28+$0x160];
	_ =	sdelay $0x4  }
0xb4: {  	v3 =	vand.u32 $0x3FFF, v2  }
0xb5: {  	v2 =	vshrl.u32 v2, $0xE;
	[tilespmem:$0x4F60] =	vst v3  }
0xb6: {  	[tilespmem:$0x5060] =	vst v2  }
0xb7: {  	s26 =	simm.s32 $0x400;
	v2 =	vld [tilespmem:s28+$0x170]  }
.LBB2_4:
0xb8: {  	_ =	sdelay $0x1  }
0xb9: {  	p0 =	sne.s32 s26, $0x13400;
	s28 =	smov.u32 s26;
	s26 =	sadd.s32 $0x400, s26  }
0xba: {  	_ = 	snop  }
0xbb: {  	v3 =	vand.u32 $0x3FFF, v2;
	v2 =	vshrl.u32 v2, $0xE  }
0xbc: {  	[tilespmem:$0x4F70] =	vst v3  }
0xbd: {  	[tilespmem:$0x5070] =	vst v2  }
0xbe: {  	[tilespmem:s15], [sflag:$0x1] =	stream.indirect.gather [hbm4b:s8+s13], $0x40, s14, s13, $0xb8;
	[tilespmem:$0x1D270] =	vst v63  }
0xbf: {  	_ =	swait.ge [sflag:s21], $0x2000  }
0xc0: {  	[sflag:s21] =	ssyncset.done $0x0  }
0xc1: {  	[sflag:s21] =	ssyncadd.s32 $0xFFFFE000  }
0xc2: {  	[spmem:s2] =	stream.indirect.scatter.add.f32 [tilespmem:s17], [sflag:$0x3], $0x40, s23, s13, $0xb8;
	[tilespmem:$0x1D270] =	vst v63  }
0xc3: {  	_ =	swait.ge [sflag:s11], $0x2000  }
0xc4: {  	[sflag:s11] =	ssyncset.done $0x0  }
0xc5: {  	[sflag:s11] =	ssyncadd.s32 $0xFFFFE000  }
0xc6: {  	[spmem:s3] =	stream.indirect.scatter.add.f32 [tilespmem:s20], [sflag:$0x3], $0x1, s23, s13, $0xb8;
	[tilespmem:$0x1D270] =	vst v63  }
0xc7: {  	_ =	swait.ge [sflag:s11], $0x80  }
0xc8: {  	[sflag:s11] =	ssyncset.done $0x0  }
0xc9: {  	s28 =	sshra.s32 s28, $0x2;
	[sflag:s11] =	ssyncadd.s32 $0xFFFFFF80  }
0xca: {  	v2 =	vld [tilespmem:s28+$0x80];
	_ =	sdelay $0x4  }
0xcb: {  	v3 =	vand.u32 $0x3FFF, v2;
	v2 =	vshrl.u32 v2, $0xE  }
0xcc: {  	[tilespmem:$0x4F80] =	vst v3  }
0xcd: {  	[tilespmem:$0x5080] =	vst v2  }
0xce: {  	v2 =	vld [tilespmem:s28+$0x90];
	_ =	sdelay $0x4  }
0xcf: {  	v3 =	vand.u32 $0x3FFF, v2;
	v2 =	vshrl.u32 v2, $0xE  }
0xd0: {  	[tilespmem:$0x4F90] =	vst v3  }
0xd1: {  	[tilespmem:$0x5090] =	vst v2  }
0xd2: {  	v2 =	vld [tilespmem:s28+$0xA0];
	_ =	sdelay $0x4  }
0xd3: {  	v3 =	vand.u32 $0x3FFF, v2;
	v2 =	vshrl.u32 v2, $0xE  }
0xd4: {  	[tilespmem:$0x4FA0] =	vst v3  }
0xd5: {  	[tilespmem:$0x50A0] =	vst v2  }
0xd6: {  	v2 =	vld [tilespmem:s28+$0xB0];
	_ =	sdelay $0x4  }
0xd7: {  	v3 =	vand.u32 $0x3FFF, v2;
	v2 =	vshrl.u32 v2, $0xE  }
0xd8: {  	[tilespmem:$0x4FB0] =	vst v3  }
0xd9: {  	[tilespmem:$0x50B0] =	vst v2  }
0xda: {  	v2 =	vld [tilespmem:s28+$0xC0];
	_ =	sdelay $0x4  }
0xdb: {  	v3 =	vand.u32 $0x3FFF, v2;
	v2 =	vshrl.u32 v2, $0xE  }
0xdc: {  	[tilespmem:$0x4FC0] =	vst v3  }
0xdd: {  	[tilespmem:$0x50C0] =	vst v2  }
0xde: {  	v2 =	vld [tilespmem:s28+$0xD0];
	_ =	sdelay $0x4  }
0xdf: {  	v3 =	vand.u32 $0x3FFF, v2;
	v2 =	vshrl.u32 v2, $0xE  }
0xe0: {  	[tilespmem:$0x4FD0] =	vst v3  }
0xe1: {  	[tilespmem:$0x50D0] =	vst v2  }
0xe2: {  	v2 =	vld [tilespmem:s28+$0xE0];
	_ =	sdelay $0x4  }
0xe3: {  	v3 =	vand.u32 $0x3FFF, v2;
	v2 =	vshrl.u32 v2, $0xE  }
0xe4: {  	[tilespmem:$0x4FE0] =	vst v3  }
0xe5: {  	[tilespmem:$0x50E0] =	vst v2  }
0xe6: {  	v2 =	vld [tilespmem:s28+$0xF0];
	_ =	sdelay $0x4  }
0xe7: {  	v3 =	vand.u32 $0x3FFF, v2;
	v2 =	vshrl.u32 v2, $0xE  }
0xe8: {  	[tilespmem:$0x4FF0] =	vst v3  }
0xe9: {  	[tilespmem:$0x50F0] =	vst v2  }
0xea: {  	[tilespmem:s17], [sflag:$0x2] =	stream.indirect.gather [hbm4b:s8+s13], $0x40, s16, s13, $0xb8;
	[tilespmem:$0x1D270] =	vst v63  }
0xeb: {  	_ =	swait.ge [sflag:s18], $0x2000  }
0xec: {  	[sflag:s18] =	ssyncset.done $0x0  }
0xed: {  	[sflag:s18] =	ssyncadd.s32 $0xFFFFE000  }
0xee: {  	[spmem:s2] =	stream.indirect.scatter.add.f32 [tilespmem:s15], [sflag:$0x3], $0x40, s19, s13, $0xb8;
	[tilespmem:$0x1D270] =	vst v63  }
0xef: {  	_ =	swait.ge [sflag:s11], $0x2000  }
0xf0: {  	[sflag:s11] =	ssyncset.done $0x0  }
0xf1: {  	[sflag:s11] =	ssyncadd.s32 $0xFFFFE000  }
0xf2: {  	[spmem:s3] =	stream.indirect.scatter.add.f32 [tilespmem:s20], [sflag:$0x3], $0x1, s19, s13, $0xb8;
	[tilespmem:$0x1D270] =	vst v63  }
0xf3: {  	_ =	swait.ge [sflag:s11], $0x80  }
0xf4: {  	[sflag:s11] =	ssyncset.done $0x0  }
0xf5: {  	[sflag:s11] =	ssyncadd.s32 $0xFFFFFF80  }
0xf6: {  	v2 =	vld [tilespmem:s28+$0x100];
	_ =	sdelay $0x4  }
0xf7: {  	v3 =	vand.u32 $0x3FFF, v2;
	v2 =	vshrl.u32 v2, $0xE  }
0xf8: {  	[tilespmem:$0x4F00] =	vst v3  }
0xf9: {  	[tilespmem:$0x5000] =	vst v2  }
0xfa: {  	v2 =	vld [tilespmem:s28+$0x110];
	_ =	sdelay $0x4  }
0xfb: {  	v3 =	vand.u32 $0x3FFF, v2;
	v2 =	vshrl.u32 v2, $0xE  }
0xfc: {  	[tilespmem:$0x4F10] =	vst v3  }
0xfd: {  	[tilespmem:$0x5010] =	vst v2  }
0xfe: {  	v2 =	vld [tilespmem:s28+$0x120];
	_ =	sdelay $0x4  }
0xff: {  	v3 =	vand.u32 $0x3FFF, v2;
	v2 =	vshrl.u32 v2, $0xE  }
0x100: {  	[tilespmem:$0x4F20] =	vst v3  }
0x101: {  	[tilespmem:$0x5020] =	vst v2  }
0x102: {  	v2 =	vld [tilespmem:s28+$0x130];
	_ =	sdelay $0x4  }
0x103: {  	v3 =	vand.u32 $0x3FFF, v2;
	v2 =	vshrl.u32 v2, $0xE  }
0x104: {  	[tilespmem:$0x4F30] =	vst v3  }
0x105: {  	[tilespmem:$0x5030] =	vst v2  }
0x106: {  	v2 =	vld [tilespmem:s28+$0x140];
	_ =	sdelay $0x4  }
0x107: {  	v3 =	vand.u32 $0x3FFF, v2;
	v2 =	vshrl.u32 v2, $0xE  }
0x108: {  	[tilespmem:$0x4F40] =	vst v3  }
0x109: {  	[tilespmem:$0x5040] =	vst v2  }
0x10a: {  	v2 =	vld [tilespmem:s28+$0x150];
	_ =	sdelay $0x4  }
0x10b: {  	v3 =	vand.u32 $0x3FFF, v2;
	v2 =	vshrl.u32 v2, $0xE  }
0x10c: {  	[tilespmem:$0x4F50] =	vst v3  }
0x10d: {  	[tilespmem:$0x5050] =	vst v2  }
0x10e: {  	v2 =	vld [tilespmem:s28+$0x160];
	_ =	sdelay $0x3  }
.Ltmp1:
0x10f: {  	(pc) =	sbr.rel @p0 .LBB2_4-.Ltmp1, $4  }
0x110: {  	v3 =	vand.u32 $0x3FFF, v2;
	v2 =	vshrl.u32 v2, $0xE  }
0x111: {  	[tilespmem:$0x4F60] =	vst v3  }
0x112: {  	[tilespmem:$0x5060] =	vst v2  }
0x113: {  	v2 =	vld [tilespmem:s28+$0x170]  }
0x114: {  	_ =	sdelay $0x3  }
0x115: {  	v3 =	vand.u32 $0x3FFF, v2  }
0x116: {  	v2 =	vshrl.u32 v2, $0xE;
	[tilespmem:$0x4F70] =	vst v3  }
0x117: {  	[tilespmem:$0x5070] =	vst v2  }
0x118: {  	[tilespmem:s15], [sflag:$0x1] =	stream.indirect.gather [hbm4b:s8+s13], $0x40, s14, s13, $0xb8;
	[tilespmem:$0x1D270] =	vst v63  }
0x119: {  	_ =	swait.ge [sflag:s21], $0x2000  }
0x11a: {  	[sflag:s21] =	ssyncset.done $0x0  }
0x11b: {  	[sflag:s21] =	ssyncadd.s32 $0xFFFFE000  }
0x11c: {  	[spmem:s2] =	stream.indirect.scatter.add.f32 [tilespmem:s17], [sflag:$0x3], $0x40, s23, s13, $0xb8;
	[tilespmem:$0x1D270] =	vst v63  }
0x11d: {  	_ =	swait.ge [sflag:s11], $0x2000  }
0x11e: {  	[sflag:s11] =	ssyncset.done $0x0  }
0x11f: {  	[sflag:s11] =	ssyncadd.s32 $0xFFFFE000  }
0x120: {  	[spmem:s3] =	stream.indirect.scatter.add.f32 [tilespmem:s20], [sflag:$0x3], $0x1, s23, s13, $0xb8;
	[tilespmem:$0x1D270] =	vst v63  }
0x121: {  	_ =	swait.ge [sflag:s11], $0x80  }
0x122: {  	[sflag:s11] =	ssyncset.done $0x0  }
0x123: {  	[sflag:s11] =	ssyncadd.s32 $0xFFFFFF80  }
0x124: {  	v2 =	vld [tilespmem:$0x4E80];
	_ =	sdelay $0x1  }
0x125: {  	v3 =	vld [tilespmem:$0x4E90];
	_ =	sdelay $0x1  }
0x126: {  	v4 =	vld [tilespmem:$0x4EA0]  }
0x127: {  	v5 =	vand.u32 $0x3FFF, v2  }
0x128: {  	v61 =	vld [tilespmem:$0x4EB0];
	v2 =	vshrl.u32 v2, $0xE;
	[tilespmem:$0x4F80] =	vst v5  }
0x129: {  	[tilespmem:$0x5080] =	vst v2;
	v2 =	vand.u32 $0x3FFF, v3  }
0x12a: {  	[tilespmem:$0x4F90] =	vst v2;
	v2 =	vshrl.u32 v3, $0xE;
	v3 =	vld [tilespmem:$0x4EC0]  }
0x12b: {  	[tilespmem:$0x5090] =	vst v2;
	v2 =	vand.u32 $0x3FFF, v4  }
0x12c: {  	v62 =	vld [tilespmem:$0x4ED0];
	[tilespmem:$0x4FA0] =	vst v2;
	v2 =	vshrl.u32 v4, $0xE  }
0x12d: {  	[tilespmem:$0x50A0] =	vst v2;
	v2 =	vand.u32 $0x3FFF, v61  }
0x12e: {  	v63 =	vld [tilespmem:$0x4EE0];
	[tilespmem:$0x4FB0] =	vst v2;
	v2 =	vshrl.u32 v61, $0xE  }
0x12f: {  	[tilespmem:$0x50B0] =	vst v2;
	v2 =	vand.u32 $0x3FFF, v3  }
0x130: {  	[tilespmem:$0x4FC0] =	vst v2;
	v2 =	vshrl.u32 v3, $0xE;
	v3 =	vld [tilespmem:$0x4EF0]  }
0x131: {  	[tilespmem:$0x50C0] =	vst v2;
	v2 =	vand.u32 $0x3FFF, v62  }
0x132: {  	[tilespmem:$0x4FD0] =	vst v2;
	v2 =	vshrl.u32 v62, $0xE  }
0x133: {  	[tilespmem:$0x50D0] =	vst v2;
	v2 =	vand.u32 $0x3FFF, v63  }
0x134: {  	[tilespmem:$0x4FE0] =	vst v2;
	v2 =	vshrl.u32 v63, $0xE  }
0x135: {  	[tilespmem:$0x50E0] =	vst v2;
	v2 =	vand.u32 $0x3FFF, v3  }
0x136: {  	[tilespmem:$0x4FF0] =	vst v2;
	v2 =	vshrl.u32 v3, $0xE  }
0x137: {  	[tilespmem:$0x50F0] =	vst v2  }
0x138: {  	[tilespmem:s17], [sflag:$0x2] =	stream.indirect.gather [hbm4b:s8+s13], $0x40, s16, s13, $0xb8;
	[tilespmem:$0x1D270] =	vst v63  }
0x139: {  	_ =	swait.ge [sflag:s18], $0x2000  }
0x13a: {  	[sflag:s18] =	ssyncset.done $0x0  }
0x13b: {  	[sflag:s18] =	ssyncadd.s32 $0xFFFFE000  }
0x13c: {  	[spmem:s2] =	stream.indirect.scatter.add.f32 [tilespmem:s15], [sflag:$0x3], $0x40, s19, s13, $0xb8;
	[tilespmem:$0x1D270] =	vst v63  }
0x13d: {  	_ =	swait.ge [sflag:s11], $0x2000  }
0x13e: {  	[sflag:s11] =	ssyncset.done $0x0  }
0x13f: {  	[sflag:s11] =	ssyncadd.s32 $0xFFFFE000  }
0x140: {  	[spmem:s3] =	stream.indirect.scatter.add.f32 [tilespmem:s20], [sflag:$0x3], $0x1, s19, s13, $0xb8;
	[tilespmem:$0x1D270] =	vst v63  }
0x141: {  	_ =	swait.ge [sflag:s11], $0x80  }
0x142: {  	[sflag:s11] =	ssyncset.done $0x0  }
0x143: {  	[sflag:s11] =	ssyncadd.s32 $0xFFFFFF80  }
0x144: {  	_ =	swait.ge [sflag:s21], $0x2000  }
0x145: {  	[sflag:s21] =	ssyncset.done $0x0  }
0x146: {  	[sflag:s21] =	ssyncadd.s32 $0xFFFFE000  }
0x147: {  	[spmem:s2] =	stream.indirect.scatter.add.f32 [tilespmem:s17], [sflag:$0x3], $0x40, s23, s13, $0xb8;
	[tilespmem:$0x1D270] =	vst v63  }
0x148: {  	_ =	swait.ge [sflag:s11], $0x2000  }
0x149: {  	[sflag:s11] =	ssyncset.done $0x0  }
0x14a: {  	[sflag:s11] =	ssyncadd.s32 $0xFFFFE000  }
0x14b: {  	[spmem:s3] =	stream.indirect.scatter.add.f32 [tilespmem:s20], [sflag:$0x3], $0x1, s23, s13, $0xb8;
	[tilespmem:$0x1D270] =	vst v63  }
0x14c: {  	_ =	swait.ge [sflag:s11], $0x80  }
0x14d: {  	[sflag:s11] =	ssyncset.done $0x0  }
0x14e: {  	[sflag:s11] =	ssyncadd.s32 $0xFFFFFF80  }
0x14f: {  	[bflag:$0x0] =	sbarrier.arrive $0xFFFF  }
0x150: {  	[tilespmem:s10], [sflag:$0x3] =	stream.linear.gather [spmem:s5], $0x9E00, $0x38;
	[tilespmem:$0x1D270] =	vst v63  }
0x151: {  	_ =	swait.ge [sflag:s11], $0x9E00  }
0x152: {  	[sflag:s11] =	ssyncset.done $0x0  }
0x153: {  	[sflag:s11] =	ssyncadd.s32 $0xFFFF6200  }
0x154: {  	[hbm4b:s22+s4] =	stream.linear.scatter [tilespmem:s10], [sflag:$0x3], $0x9E00, $0x38;
	[tilespmem:$0x1D270] =	vst v63  }
0x155: {  	_ =	swait.ge [sflag:s11], $0x9E00  }
0x156: {  	[sflag:s11] =	ssyncset.done $0x0  }
0x157: {  	[sflag:s11] =	ssyncadd.s32 $0xFFFF6200  }
0x158: {  	[tilespmem:s12], [sflag:$0x3] =	stream.linear.gather [spmem:s6], $0x278, $0x38;
	[tilespmem:$0x1D270] =	vst v63  }
0x159: {  	s25 =	sadd.s32 $0x1, s25;
	_ =	swait.ge [sflag:s11], $0x278  }
0x15a: {  	p0 =	sne.s32 s25, s9;
	[sflag:s11] =	ssyncset.done $0x0  }
.Ltmp2:
0x15b: {  	[sflag:s11] =	ssyncadd.s32 $0xFFFFFD88;
	(pc) =	sbr.rel @p0 .LBB2_1-.Ltmp2, $4  }
0x15c: {  	[hbm4b:s24+s4] =	stream.linear.scatter [tilespmem:s12], [sflag:$0x3], $0x278, $0x38;
	[tilespmem:$0x1D270] =	vst v63  }
0x15d: {  	_ =	swait.ge [sflag:s11], $0x278  }
0x15e: {  	[sflag:s11] =	ssyncset.done $0x0  }
0x15f: {  	[sflag:s11] =	ssyncadd.s32 $0xFFFFFD88  }
0x160: {  	_ =	sfence.sel $0x180000  }
0x161: {  	[bflag:$0x0] =	sbarrier.arrive $0xFFFF  }
0x162: {  	p0 =	sne.s32 s0, $0x0;
	_ =	strace $0x90000047  }
0x163: {  	s0 =	sadd.s32 @!p0 $0x100000, s1;
	[bflag:$0x2] =	sbarrier.arrive $0xFFFF  }
0x164: {  	[sflag:s0] =	ssyncadd.tile.s32 @!p0 $0x1;
	_ =	shalt  }
.Lfunc_end2:
_tile_overlayer_lowered:
.L_overlay_start_2:
0x165: {  	(tag) =	ssettag $0x2  }
0x166: {  	s0 =	rddreg [dreg:$0x0];
	s2 =	stileid.u32  }
0x167: {  	s1 =	rddreg [dreg:$0x1];
	p0 =	sne.s32 s2, $0x0  }
0x168: {  	s3 =	rddreg [dreg:$0x2];
	[bflag:$0x3] =	sbarrier.arrive $0xFFFF;
	s2 =	simm.s32 @!p0 $0x1C03  }
0x169: {  	[timem:s3], [sflag:s2] =	dma.local @!p0 [hbm:s0], s1  }
0x16a: {  	s0 =	simm.s32 @!p0 $0x3  }
0x16b: {  	_ =	swait.ge @!p0 [sflag:s0], s1  }
0x16c: {  	s1 =	ssub.s32 @!p0 $0x0, s1;
	[sflag:s0] =	ssyncset.done @!p0 $0x0  }
0x16d: {  	[sflag:s0] =	ssyncadd.s32 @!p0 s1  }
0x16e: {  	[bflag:$0x3] =	sbarrier.arrive $0xFFFF  }
0x16f: {  	_ =	shalt  }

// kernel: kernel.9.cloned.1.call-start
scs
__scs_entry_jumppad:
0x0: {  	(pc) =	sbr.rel $0x88, $3  }
0x1: {  	(tag) =	ssettag $0x0;
	lr =	simm.s32 $0x1  }
0x2: {  	[smem:$0x3F99] =	sst lr;
	_ =	strace $0xD0000000  }
0x3: {  	_ = 	snop  }
0x4: {  	_ = 	snop  }
0x5: {  	_ = 	snop  }
0x6: {  	_ = 	snop  }
0x7: {  	_ = 	snop  }
__scs_overlays_trampoline_lowered:
0x8: {  	[smem:$0x3FA8] =	sst s0  }
0x9: {  	[smem:$0x3FA9] =	sst s1  }
0xa: {  	[smem:$0x3FAA] =	sst s2  }
0xb: {  	[smem:$0x3FAB] =	sst s3  }
0xc: {  	[smem:$0x3FAC] =	sst s4  }
0xd: {  	[smem:$0x3FAD] =	sst s5  }
0xe: {  	[smem:$0x3FAE] =	sst s6  }
0xf: {  	[smem:$0x3FAF] =	sst s7  }
0x10: {  	[smem:$0x3FB0] =	sst s8  }
0x11: {  	[smem:$0x3FB1] =	sst s9;
	s0 =	simm.s32 @!p0 $0x0  }
0x12: {  	s1 =	sld [smem:$0x3F97];
	s0 =	simm.s32 @p0 $0x1  }
0x13: {  	[smem:$0x3FB2] =	sst s0;
	s0 =	simm.s32 @!p1 $0x0  }
0x14: {  	s2 =	sld [smem:$0x3F96];
	s0 =	simm.s32 @p1 $0x1  }
0x15: {  	[smem:$0x3FB3] =	sst s0;
	s0 =	simm.s32 @!p2 $0x0  }
0x16: {  	s3 =	sld [smem:$0x3FDB];
	s0 =	simm.s32 @p2 $0x1  }
0x17: {  	s4 =	simm.s32 $0x1BF5;
	[smem:$0x3FB5] =	sst s0  }
0x18: {  	s0 =	sld [smem:$0x3F98];
	_ =	swait.ge [sflag:s4], $0x0  }
0x19: {  	s7 =	sld [smem:$0x3F99]  }
0x1a: {  	s8 =	sadd.s32 $0xFFFFE003, lr  }
0x1b: {  	s9 =	sadd.s32 $0xFFFFFEF7, lr;
	s5 =	simm.s32 $0xFFFFFFFF;
	p2 =	slt.u32 s8, $0xFFFFF086  }
0x1c: {  	p1 =	slt.u32 s9, $0xF7A;
	s5 =	simm.s32 @!p2 $0x0  }
0x1d: {  	s5 =	simm.s32 @p1 $0x1;
	p0 =	seq.s32 s7, s2  }
0x1e: {  	s7 =	smul.u32 @!p0 $0xF7A, s2;
	p2 =	seq.s32 @!p0 s5, $0x0  }
0x1f: {  	s9 =	smul.u32 $0xF7A, s1;
	s8 =	simm.s32 @!p0 $0x1BF5;
	p2 =	por !p2, p0  }
0x20: {  	[sflag:s8] =	ssyncset.s32 @!p0 $0xFFFFF086;
	s6 =	sadd.s32 @!p0 s3, s7;
	s7 =	simm.s32 @!p0 $0x108  }
0x21: {  	s3 =	sadd.s32 s3, s9;
	s6 =	sadd.s32 @!p0 $0x88, s6;
	s7 =	simm.s32 @p2 $0x1082  }
0x22: {  	[simem:s7], [sflag:s8] =	dma.local @!p0 [hbm:s6], $0xF7A  }
0x23: {  	s9 =	sor.u32 $0xD0000000, s2;
	s6 =	simm.s32 $0x108;
	_ =	swait.ge @!p0 [sflag:s8], $0x0  }
0x24: {  	s3 =	sadd.s32 $0x88, s3;
	s6 =	simm.s32 @!p1 $0x1082;
	[sflag:s4] =	ssyncset.s32 $0xFFFFF086  }
0x25: {  	[simem:s6], [sflag:s4] =	dma.local [hbm:s3], $0xF7A  }
0x26: {  	[smem:$0x3F99] =	sst s1;
	(tag) =	ssettag s2;
	_ =	strace s9  }
0x27: {  	s1 =	sld [smem:$0x3FA9]  }
0x28: {  	s2 =	sld [smem:$0x3FAA]  }
0x29: {  	s4 =	sld [smem:$0x3FAC]  }
0x2a: {  	p0 =	seq.s32 s5, $0x0;
	s5 =	sld [smem:$0x3FAD]  }
0x2b: {  	s6 =	sld [smem:$0x3FAE]  }
0x2c: {  	s7 =	sld [smem:$0x3FAF]  }
0x2d: {  	s3 =	simm.s32 $0x108;
	s8 =	sld [smem:$0x3FB0]  }
0x2e: {  	s3 =	simm.s32 @!p0 $0x1082;
	s9 =	sld [smem:$0x3FB1]  }
0x2f: {  	lr =	sadd.s32 s0, s3;
	s0 =	sld [smem:$0x3FA8]  }
0x30: {  	s3 =	sld [smem:$0x3FAB]  }
0x31: {  	[smem:$0x3FB4] =	sst s10  }
0x32: {  	s10 =	sld [smem:$0x3FB2];
	_ =	sdelay $0x3  }
0x33: {  	p0 =	seq.s32 s10, $0x1;
	s10 =	sld [smem:$0x3FB4];
	_ =	sdelay $0x3  }
0x34: {  	[smem:$0x3FB4] =	sst s10  }
0x35: {  	s10 =	sld [smem:$0x3FB3];
	_ =	sdelay $0x3  }
0x36: {  	p1 =	seq.s32 s10, $0x1;
	s10 =	sld [smem:$0x3FB4];
	_ =	sdelay $0x3  }
0x37: {  	[smem:$0x3FB4] =	sst s10  }
0x38: {  	s10 =	sld [smem:$0x3FB5]  }
0x39: {  	_ = 	snop;
	(pc) =	sbr.ind lr, $3  }
0x3a: {  	_ = 	snop  }
0x3b: {  	_ = 	snop  }
0x3c: {  	p2 =	seq.s32 s10, $0x1;
	s10 =	sld [smem:$0x3FB4]  }
0x3d: {  	_ =	shalt  }
0x3e: {  	_ =	shalt  }
0x3f: {  	_ =	shalt  }
0x40: {  	_ =	shalt  }
0x41: {  	_ =	shalt  }
0x42: {  	_ =	shalt  }
0x43: {  	_ =	shalt  }
0x44: {  	_ =	shalt  }
0x45: {  	_ =	shalt  }
0x46: {  	_ =	shalt  }
0x47: {  	_ =	shalt  }
0x48: {  	_ =	shalt  }
0x49: {  	_ =	shalt  }
0x4a: {  	_ =	shalt  }
0x4b: {  	_ =	shalt  }
0x4c: {  	_ =	shalt  }
0x4d: {  	_ =	shalt  }
0x4e: {  	_ =	shalt  }
0x4f: {  	_ =	shalt  }
0x50: {  	_ =	shalt  }
0x51: {  	_ =	shalt  }
0x52: {  	_ =	shalt  }
0x53: {  	_ =	shalt  }
0x54: {  	_ =	shalt  }
0x55: {  	_ =	shalt  }
0x56: {  	_ =	shalt  }
0x57: {  	_ =	shalt  }
0x58: {  	_ =	shalt  }
0x59: {  	_ =	shalt  }
0x5a: {  	_ =	shalt  }
0x5b: {  	_ =	shalt  }
0x5c: {  	_ =	shalt  }
0x5d: {  	_ =	shalt  }
0x5e: {  	_ =	shalt  }
0x5f: {  	_ =	shalt  }
0x60: {  	_ =	shalt  }
0x61: {  	_ =	shalt  }
0x62: {  	_ =	shalt  }
0x63: {  	_ =	shalt  }
0x64: {  	_ =	shalt  }
0x65: {  	_ =	shalt  }
0x66: {  	_ =	shalt  }
0x67: {  	_ =	shalt  }
0x68: {  	_ =	shalt  }
0x69: {  	_ =	shalt  }
0x6a: {  	_ =	shalt  }
0x6b: {  	_ =	shalt  }
0x6c: {  	_ =	shalt  }
0x6d: {  	_ =	shalt  }
0x6e: {  	_ =	shalt  }
0x6f: {  	_ =	shalt  }
0x70: {  	_ =	shalt  }
0x71: {  	_ =	shalt  }
0x72: {  	_ =	shalt  }
0x73: {  	_ =	shalt  }
0x74: {  	_ =	shalt  }
0x75: {  	_ =	shalt  }
0x76: {  	_ =	shalt  }
0x77: {  	_ =	shalt  }
0x78: {  	_ =	shalt  }
0x79: {  	_ =	shalt  }
0x7a: {  	_ =	shalt  }
0x7b: {  	_ =	shalt  }
0x7c: {  	_ =	shalt  }
0x7d: {  	_ =	shalt  }
0x7e: {  	_ =	shalt  }
0x7f: {  	_ =	shalt  }
0x80: {  	_ =	shalt  }
0x81: {  	_ =	shalt  }
0x82: {  	_ =	shalt  }
0x83: {  	_ =	shalt  }
0x84: {  	_ =	shalt  }
0x85: {  	_ =	shalt  }
0x86: {  	_ =	shalt  }
0x87: {  	_ =	shalt  }
.Lfunc_end0:
.L_simem_size_0:
called_computation.1_lowered:
.L_overlay_start_0:
0x88: {  	s2 =	sld [smem:$0x3FD9]  }
0x89: {  	s3 =	sld [smem:$0x3FFE];
	_ =	sdelay $0x1  }
0x8a: {  	s1 =	srdreg.scid  }
0x8b: {  	s0 =	sand.u32 $0x1, s1  }
0x8c: {  	s17 =	sshll.u32 s0, $0xA;
	s2 =	sadd.s32 s3, s2  }
0x8d: {  	s2 =	sadd.s32 s2, s17  }
0x8e: {  	[smem:$0x3FC0] =	sst s2  }
0x8f: {  	_ = 	snop  }
0x90: {  	s2 =	sld [smem:$0x3FD0];
	(tm) =	ssettm $0x1  }
0x91: {  	s18 =	sld [smem:$0x3FFB];
	_ =	sdelay $0x3  }
0x92: {  	_ =	strace s18  }
0x93: {  	s3 =	sld [smem:$0x3FFC];
	_ =	sdelay $0x3  }
0x94: {  	_ =	strace s3  }
0x95: {  	s3 =	sld [smem:$0x3FFD];
	_ =	sdelay $0x3  }
0x96: {  	_ =	strace s3  }
0x97: {  	_ =	strace $0x8FFFFFFF  }
0x98: {  	s19 =	sld [smem:$0x3FDB];
	_ =	sdelay $0x1  }
0x99: {  	s4 =	simm.s32 $_scs_section_size  }
0x9a: {  	s5 =	simm.s32 $_size__tile_overlayer_lowered;
	s6 =	simm.s32 $_tile_overlayer_lowered  }
0x9b: {  	s22 =	simm.s32 $0x1BFF;
	s21 =	sshll.u32 s6, $0x1;
	s3 =	sadd.s32 s4, s19  }
0x9c: {  	s7 =	simm.s32 $0x0;
	s20 =	sshll.u32 s5, $0x1;
	s5 =	sadd.s32 s21, s3  }
0x9d: {  	[timem:s7], [sflag:s22] =	dma.local [hbm:s5], s20  }
0x9e: {  	_ =	swait.ge [sflag:s22], s20  }
0x9f: {  	s4 =	ssub.s32 $0x0, s20;
	[sflag:s22] =	ssyncset.done $0x0  }
0xa0: {  	[sflag:s22] =	ssyncadd.s32 s4;
	_ =	sdelay $0x1  }
0xa1: {  	s23 =	simm.s32 $0x1B8B  }
0xa2: {  	_ =	swait.ge [sflag:s23], $0x1  }
0xa3: {  	[sflag:s23] =	ssyncset.done $0x0  }
0xa4: {  	s25 =	simm.s32 $0x1B8E;
	s24 =	sld [smem:$0x3FFE];
	[sflag:s23] =	ssyncadd.s32 $0xFFFFFFFF  }
0xa5: {  	s26 =	simm.s32 $execute0_lowered;
	[smem:$0x3FD2] =	sst s25  }
0xa6: {  	s5 =	sshll.u32 s26, $0x1;
	_ =	strace $0x80000049;
	[dreg:$0x1] =	wrdreg $0xFFFFFFFF  }
0xa7: {  	s28 =	simm.s32 $_size_execute0_lowered;
	s3 =	sadd.s32 s3, s5;
	[dreg:$0x0] =	wrdreg $0x0  }
0xa8: {  	s5 =	sshll.u32 s28, $0x1;
	[dreg:$0x2] =	wrdreg s3  }
0xa9: {  	[dreg:$0x3] =	wrdreg s5  }
0xaa: {  	[dreg:$0x4] =	wrdreg $0xC0  }
0xab: {  	_ =	task [dreg:s7], $0x5FFFF  }
0xac: {  	[dreg:$0x1] =	wrdreg $0xFFFFFFFF  }
0xad: {  	[dreg:$0x0] =	wrdreg $0x60  }
0xae: {  	[dreg:$0x2] =	wrdreg s2  }
0xaf: {  	[dreg:$0x3] =	wrdreg s24  }
0xb0: {  	[dreg:$0x4] =	wrdreg $0x12F000  }
0xb1: {  	[dreg:$0x5] =	wrdreg $0x9  }
0xb2: {  	_ =	task.clear_ibuf [dreg:s7], $0x6FFFF;
	_ =	strace $0x90000049  }
0xb3: {  	s29 =	simm.s32 $0x9;
	_ =	strace $0x8000004B  }
0xb4: {  	_ =	swait.ge [sflag:s29], $0x1  }
0xb5: {  	[sflag:s29] =	ssyncadd.s32 $0xFFFFFFFF  }
0xb6: {  	_ =	strace $0x9000004B  }
0xb7: {  	_ =	sfence  }
0xb8: {  	s30 =	sld [smem:$0x0];
	_ =	sdelay $0x2  }
0xb9: {  	s31 =	sshll.u32 s1, $0xD;
	s1 =	sshrl.u32 s1, $0x2  }
0xba: {  	s3 =	sand.u32 $0x4000, s31;
	s1 =	sadd.s32 s1, s30  }
0xbb: {  	s0 =	sor.u32 s3, s0;
	s1 =	sshll.u32 s1, $0x11  }
0xbc: {  	s0 =	sor.u32 s1, s0  }
0xbd: {  	s0 =	sadd.s32 $0x8F2B, s0  }
0xbe: {  	[sflag:s0] =	ssyncadd.remote.s32 $0x1  }
0xbf: {  	_ =	sfence.sel $0xFFFF  }
0xc0: {  	[dreg:$0x0] =	wrdreg $0xFFFFFFFF;
	(pc) =	sbr.abs _section_cstart, $3  }
0xc1: {  	[dreg:$0x1] =	wrdreg $0xFFFFFFFF  }
0xc2: {  	_ =	task.clear_ibuf [dreg:s7], $0x2FFFF;
	_ =	strace $0x9FFFFFFF  }
0xc3: {  	(tm) =	ssettm $0x7FFFFFFF  }
tec
execute0_lowered:
.L_overlay_start_1:
0x0: {  	(tag) =	ssettag $0x1  }
0x1: {  	s6 =	rddreg [dreg:$0x0]  }
0x2: {  	s4 =	rddreg [dreg:$0x1]  }
0x3: {  	s2 =	rddreg [dreg:$0x2]  }
0x4: {  	s0 =	rddreg [dreg:$0x3];
	s1 =	stileid.u32  }
0x5: {  	s5 =	srdreg.scid;
	s3 =	simm.s32 $0x0;
	s13 =	simm.s32 $0x4F80  }
0x6: {  	s14 =	simm.s32 $0x7100;
	s15 =	simm.s32 $0x1;
	s16 =	simm.s32 $0x5000  }
0x7: {  	s17 =	simm.s32 $0x2;
	s18 =	simm.s32 $0x5080;
	s7 =	smul.u32 $0x9E0, s1  }
0x8: {  	s5 =	sand.u32 $0x1, s5;
	[smem:$0x7FF] =	sst s3;
	s10 =	smul.u32 $0x9E00, s1  }
0x9: {  	s8 =	smul.u32 $0x13C00, s5;
	_ =	strace $0x8000004A;
	s9 =	ssub.s32 $0x2, s5  }
0xa: {  	s12 =	smul.u32 $0x13880, s5;
	s7 =	sadd.s32 s7, s4;
	s11 =	sshrl.u32 s9, $0x1  }
0xb: {  	s20 =	sshrl.u32 s10, $0x3;
	s8 =	sadd.s32 s8, s4;
	s9 =	ssub.s32 s9, s11  }
0xc: {  	s4 =	sadd.s32 s10, s2;
	s5 =	sadd.s32 $0x1C00, s7;
	s6 =	sadd.s32 s6, s12  }
0xd: {  	s10 =	simm.s32 $0x80;
	s11 =	simm.s32 $0x4F00;
	s12 =	simm.s32 $0x5100  }
0xe: {  	s19 =	sadd.s32 $0xC400, s8;
	s7 =	smax.u32 s9, $0x1;
	s8 =	simm.s32 $0x9100  }
0xf: {  	v0 =	vimm.f32 $0.0e+00;
	s9 =	simm.s32 $0x3;
	s19 =	sadd.s32 s20, s19;
	s20 =	simm.s32 $0x0  }
.LBB2_1:
0x10: {  	s22 =	simm.s32 $0x100;
	s21 =	simm.s32 $0x0  }
.LBB2_2:
0x11: {  	p0 =	sne.s32 s22, $0x27700;
	[tilespmem:s21+$0x9130] =	vst v0;
	s23 =	smov.u32 s22;
	s22 =	sadd.s32 $0x100, s22  }
.Ltmp0:
0x12: {  	[tilespmem:s21+$0x9120] =	vst v0;
	(pc) =	sbr.rel @p0 .LBB2_2-.Ltmp0, $3  }
0x13: {  	[tilespmem:s21+$0x9100] =	vst v0  }
0x14: {  	[tilespmem:s21+$0x9110] =	vst v0;
	_ =	sdelay $0x1  }
0x15: {  	s21 =	sshra.s32 s23, $0x2  }
0x16: {  	[tilespmem:s21+$0x9130] =	vst v0  }
0x17: {  	[tilespmem:s21+$0x9120] =	vst v0  }
0x18: {  	[tilespmem:s21+$0x9100] =	vst v0  }
0x19: {  	[tilespmem:s21+$0x9110] =	vst v0  }
0x1a: {  	[spmem:s4] =	stream.linear.scatter [tilespmem:s8], [sflag:$0x3], $0x9E00, $0x38;
	[tilespmem:$0x1CD00] =	vst v63  }
0x1b: {  	_ =	swait.ge [sflag:s9], $0x9E00  }
0x1c: {  	[sflag:s9] =	ssyncset.done $0x0  }
0x1d: {  	s31 =	simm.s32 $0x0;
	[sflag:s9] =	ssyncadd.s32 $0xFFFF6200  }
0x1e: {  	[tilespmem:s31], [sflag:$0x3] =	stream.linear.gather [hbm4b:s5+s31], $0x4F00, $0x38;
	[tilespmem:$0x1CD00] =	vst v63  }
0x1f: {  	_ =	swait.ge [sflag:s9], $0x4F00  }
0x20: {  	[sflag:s9] =	ssyncset.done $0x0  }
0x21: {  	[sflag:s9] =	ssyncadd.s32 $0xFFFFB100  }
0x22: {  	[bflag:$0x0] =	sbarrier.arrive $0xFFFF  }
0x23: {  	v1 =	vld [tilespmem:$0x0];
	_ =	sdelay $0x1  }
0x24: {  	v2 =	vld [tilespmem:$0x10];
	_ =	sdelay $0x1  }
0x25: {  	v3 =	vld [tilespmem:$0x20]  }
0x26: {  	v4 =	vand.u32 $0x3FFF, v1  }
0x27: {  	v62 =	vld [tilespmem:$0x30];
	v1 =	vshrl.u32 v1, $0xE;
	[tilespmem:$0x4F00] =	vst v4  }
0x28: {  	[tilespmem:$0x5000] =	vst v1;
	v1 =	vand.u32 $0x3FFF, v2  }
0x29: {  	[tilespmem:$0x4F10] =	vst v1;
	v1 =	vshrl.u32 v2, $0xE;
	v2 =	vld [tilespmem:$0x40]  }
0x2a: {  	[tilespmem:$0x5010] =	vst v1;
	v1 =	vand.u32 $0x3FFF, v3  }
0x2b: {  	[tilespmem:$0x4F20] =	vst v1;
	v1 =	vshrl.u32 v3, $0xE;
	v3 =	vld [tilespmem:$0x50]  }
0x2c: {  	[tilespmem:$0x5020] =	vst v1;
	v1 =	vand.u32 $0x3FFF, v62  }
0x2d: {  	v63 =	vld [tilespmem:$0x60];
	[tilespmem:$0x4F30] =	vst v1;
	v1 =	vshrl.u32 v62, $0xE  }
0x2e: {  	[tilespmem:$0x5030] =	vst v1;
	v1 =	vand.u32 $0x3FFF, v2  }
0x2f: {  	[tilespmem:$0x4F40] =	vst v1;
	v1 =	vshrl.u32 v2, $0xE;
	v2 =	vld [tilespmem:$0x70]  }
0x30: {  	[tilespmem:$0x5040] =	vst v1;
	v1 =	vand.u32 $0x3FFF, v3  }
0x31: {  	[tilespmem:$0x4F50] =	vst v1;
	v1 =	vshrl.u32 v3, $0xE  }
0x32: {  	[tilespmem:$0x5050] =	vst v1;
	v1 =	vand.u32 $0x3FFF, v63  }
0x33: {  	[tilespmem:$0x4F60] =	vst v1;
	v1 =	vshrl.u32 v63, $0xE  }
0x34: {  	[tilespmem:$0x5060] =	vst v1;
	v1 =	vand.u32 $0x3FFF, v2  }
0x35: {  	[tilespmem:$0x4F70] =	vst v1;
	v1 =	vshrl.u32 v2, $0xE  }
0x36: {  	s21 =	simm.s32 $0x0;
	[tilespmem:$0x5070] =	vst v1  }
0x37: {  	[tilespmem:s12], [sflag:$0x1] =	stream.indirect.gather [hbm4b:s6+s10], $0x40, s11, s10, $0xb8;
	[tilespmem:$0x1CD00] =	vst v63  }
0x38: {  	v1 =	vld [tilespmem:s21+$0x80];
	_ =	sdelay $0x4  }
0x39: {  	v2 =	vand.u32 $0x3FFF, v1  }
0x3a: {  	v1 =	vshrl.u32 v1, $0xE;
	[tilespmem:$0x4F80] =	vst v2  }
0x3b: {  	[tilespmem:$0x5080] =	vst v1  }
0x3c: {  	v1 =	vld [tilespmem:s21+$0x90];
	_ =	sdelay $0x4  }
0x3d: {  	v2 =	vand.u32 $0x3FFF, v1  }
0x3e: {  	v1 =	vshrl.u32 v1, $0xE;
	[tilespmem:$0x4F90] =	vst v2  }
0x3f: {  	[tilespmem:$0x5090] =	vst v1  }
0x40: {  	v1 =	vld [tilespmem:s21+$0xA0];
	_ =	sdelay $0x4  }
0x41: {  	v2 =	vand.u32 $0x3FFF, v1  }
0x42: {  	v1 =	vshrl.u32 v1, $0xE;
	[tilespmem:$0x4FA0] =	vst v2  }
0x43: {  	[tilespmem:$0x50A0] =	vst v1  }
0x44: {  	v1 =	vld [tilespmem:s21+$0xB0];
	_ =	sdelay $0x4  }
0x45: {  	v2 =	vand.u32 $0x3FFF, v1  }
0x46: {  	v1 =	vshrl.u32 v1, $0xE;
	[tilespmem:$0x4FB0] =	vst v2  }
0x47: {  	[tilespmem:$0x50B0] =	vst v1  }
0x48: {  	v1 =	vld [tilespmem:s21+$0xC0];
	_ =	sdelay $0x4  }
0x49: {  	v2 =	vand.u32 $0x3FFF, v1  }
0x4a: {  	v1 =	vshrl.u32 v1, $0xE;
	[tilespmem:$0x4FC0] =	vst v2  }
0x4b: {  	[tilespmem:$0x50C0] =	vst v1  }
0x4c: {  	v1 =	vld [tilespmem:s21+$0xD0];
	_ =	sdelay $0x4  }
0x4d: {  	v2 =	vand.u32 $0x3FFF, v1  }
0x4e: {  	v1 =	vshrl.u32 v1, $0xE;
	[tilespmem:$0x4FD0] =	vst v2  }
0x4f: {  	[tilespmem:$0x50D0] =	vst v1  }
0x50: {  	v1 =	vld [tilespmem:s21+$0xE0];
	_ =	sdelay $0x4  }
0x51: {  	v2 =	vand.u32 $0x3FFF, v1  }
0x52: {  	v1 =	vshrl.u32 v1, $0xE;
	[tilespmem:$0x4FE0] =	vst v2  }
0x53: {  	[tilespmem:$0x50E0] =	vst v1  }
0x54: {  	v1 =	vld [tilespmem:s21+$0xF0];
	_ =	sdelay $0x4  }
0x55: {  	v2 =	vand.u32 $0x3FFF, v1  }
0x56: {  	v1 =	vshrl.u32 v1, $0xE;
	[tilespmem:$0x4FF0] =	vst v2  }
0x57: {  	[tilespmem:$0x50F0] =	vst v1  }
0x58: {  	[tilespmem:s14], [sflag:$0x2] =	stream.indirect.gather [hbm4b:s6+s10], $0x40, s13, s10, $0xb8;
	[tilespmem:$0x1CD00] =	vst v63  }
0x59: {  	_ =	swait.ge [sflag:s15], $0x2000  }
0x5a: {  	[sflag:s15] =	ssyncset.done $0x0  }
0x5b: {  	[sflag:s15] =	ssyncadd.s32 $0xFFFFE000  }
0x5c: {  	[spmem:s2] =	stream.indirect.scatter.add.f32 [tilespmem:s12], [sflag:$0x3], $0x40, s16, s10, $0xb8;
	[tilespmem:$0x1CD00] =	vst v63  }
0x5d: {  	_ =	swait.ge [sflag:s9], $0x2000  }
0x5e: {  	[sflag:s9] =	ssyncset.done $0x0  }
0x5f: {  	[sflag:s9] =	ssyncadd.s32 $0xFFFFE000  }
0x60: {  	v1 =	vld [tilespmem:s21+$0x100];
	_ =	sdelay $0x4  }
0x61: {  	v2 =	vand.u32 $0x3FFF, v1  }
0x62: {  	v1 =	vshrl.u32 v1, $0xE;
	[tilespmem:$0x4F00] =	vst v2  }
0x63: {  	[tilespmem:$0x5000] =	vst v1  }
0x64: {  	v1 =	vld [tilespmem:s21+$0x110];
	_ =	sdelay $0x4  }
0x65: {  	v2 =	vand.u32 $0x3FFF, v1  }
0x66: {  	v1 =	vshrl.u32 v1, $0xE;
	[tilespmem:$0x4F10] =	vst v2  }
0x67: {  	[tilespmem:$0x5010] =	vst v1  }
0x68: {  	v1 =	vld [tilespmem:s21+$0x120];
	_ =	sdelay $0x4  }
0x69: {  	v2 =	vand.u32 $0x3FFF, v1  }
0x6a: {  	v1 =	vshrl.u32 v1, $0xE;
	[tilespmem:$0x4F20] =	vst v2  }
0x6b: {  	[tilespmem:$0x5020] =	vst v1  }
0x6c: {  	v1 =	vld [tilespmem:s21+$0x130];
	_ =	sdelay $0x4  }
0x6d: {  	v2 =	vand.u32 $0x3FFF, v1  }
0x6e: {  	v1 =	vshrl.u32 v1, $0xE;
	[tilespmem:$0x4F30] =	vst v2  }
0x6f: {  	[tilespmem:$0x5030] =	vst v1  }
0x70: {  	v1 =	vld [tilespmem:s21+$0x140];
	_ =	sdelay $0x4  }
0x71: {  	v2 =	vand.u32 $0x3FFF, v1  }
0x72: {  	v1 =	vshrl.u32 v1, $0xE;
	[tilespmem:$0x4F40] =	vst v2  }
0x73: {  	[tilespmem:$0x5040] =	vst v1  }
0x74: {  	v1 =	vld [tilespmem:s21+$0x150];
	_ =	sdelay $0x4  }
0x75: {  	v2 =	vand.u32 $0x3FFF, v1  }
0x76: {  	v1 =	vshrl.u32 v1, $0xE;
	[tilespmem:$0x4F50] =	vst v2  }
0x77: {  	[tilespmem:$0x5050] =	vst v1  }
0x78: {  	v1 =	vld [tilespmem:s21+$0x160];
	_ =	sdelay $0x4  }
0x79: {  	v2 =	vand.u32 $0x3FFF, v1  }
0x7a: {  	s22 =	simm.s32 $0x400;
	v1 =	vshrl.u32 v1, $0xE;
	[tilespmem:$0x4F60] =	vst v2  }
.LBB2_4:
0x7b: {  	p0 =	sne.s32 s22, $0x13400;
	[tilespmem:$0x5060] =	vst v1;
	s23 =	smov.u32 s22;
	s22 =	sadd.s32 $0x400, s22  }
0x7c: {  	v1 =	vld [tilespmem:s21+$0x170];
	_ =	sdelay $0x4  }
0x7d: {  	v2 =	vand.u32 $0x3FFF, v1;
	v1 =	vshrl.u32 v1, $0xE  }
0x7e: {  	[tilespmem:$0x4F70] =	vst v2  }
0x7f: {  	[tilespmem:$0x5070] =	vst v1  }
0x80: {  	[tilespmem:s12], [sflag:$0x1] =	stream.indirect.gather [hbm4b:s6+s10], $0x40, s11, s10, $0xb8;
	[tilespmem:$0x1CD00] =	vst v63  }
0x81: {  	_ =	swait.ge [sflag:s17], $0x2000  }
0x82: {  	[sflag:s17] =	ssyncset.done $0x0  }
0x83: {  	[sflag:s17] =	ssyncadd.s32 $0xFFFFE000  }
0x84: {  	[spmem:s2] =	stream.indirect.scatter.add.f32 [tilespmem:s14], [sflag:$0x3], $0x40, s18, s10, $0xb8;
	[tilespmem:$0x1CD00] =	vst v63  }
0x85: {  	_ =	swait.ge [sflag:s9], $0x2000  }
0x86: {  	[sflag:s9] =	ssyncset.done $0x0  }
0x87: {  	s21 =	sshra.s32 s23, $0x2;
	[sflag:s9] =	ssyncadd.s32 $0xFFFFE000  }
0x88: {  	v1 =	vld [tilespmem:s21+$0x80];
	_ =	sdelay $0x4  }
0x89: {  	v2 =	vand.u32 $0x3FFF, v1;
	v1 =	vshrl.u32 v1, $0xE  }
0x8a: {  	[tilespmem:$0x4F80] =	vst v2  }
0x8b: {  	[tilespmem:$0x5080] =	vst v1  }
0x8c: {  	v1 =	vld [tilespmem:s21+$0x90];
	_ =	sdelay $0x4  }
0x8d: {  	v2 =	vand.u32 $0x3FFF, v1;
	v1 =	vshrl.u32 v1, $0xE  }
0x8e: {  	[tilespmem:$0x4F90] =	vst v2  }
0x8f: {  	[tilespmem:$0x5090] =	vst v1  }
0x90: {  	v1 =	vld [tilespmem:s21+$0xA0];
	_ =	sdelay $0x4  }
0x91: {  	v2 =	vand.u32 $0x3FFF, v1;
	v1 =	vshrl.u32 v1, $0xE  }
0x92: {  	[tilespmem:$0x4FA0] =	vst v2  }
0x93: {  	[tilespmem:$0x50A0] =	vst v1  }
0x94: {  	v1 =	vld [tilespmem:s21+$0xB0];
	_ =	sdelay $0x4  }
0x95: {  	v2 =	vand.u32 $0x3FFF, v1;
	v1 =	vshrl.u32 v1, $0xE  }
0x96: {  	[tilespmem:$0x4FB0] =	vst v2  }
0x97: {  	[tilespmem:$0x50B0] =	vst v1  }
0x98: {  	v1 =	vld [tilespmem:s21+$0xC0];
	_ =	sdelay $0x4  }
0x99: {  	v2 =	vand.u32 $0x3FFF, v1;
	v1 =	vshrl.u32 v1, $0xE  }
0x9a: {  	[tilespmem:$0x4FC0] =	vst v2  }
0x9b: {  	[tilespmem:$0x50C0] =	vst v1  }
0x9c: {  	v1 =	vld [tilespmem:s21+$0xD0];
	_ =	sdelay $0x4  }
0x9d: {  	v2 =	vand.u32 $0x3FFF, v1;
	v1 =	vshrl.u32 v1, $0xE  }
0x9e: {  	[tilespmem:$0x4FD0] =	vst v2  }
0x9f: {  	[tilespmem:$0x50D0] =	vst v1  }
0xa0: {  	v1 =	vld [tilespmem:s21+$0xE0];
	_ =	sdelay $0x4  }
0xa1: {  	v2 =	vand.u32 $0x3FFF, v1;
	v1 =	vshrl.u32 v1, $0xE  }
0xa2: {  	[tilespmem:$0x4FE0] =	vst v2  }
0xa3: {  	[tilespmem:$0x50E0] =	vst v1  }
0xa4: {  	v1 =	vld [tilespmem:s21+$0xF0];
	_ =	sdelay $0x4  }
0xa5: {  	v2 =	vand.u32 $0x3FFF, v1;
	v1 =	vshrl.u32 v1, $0xE  }
0xa6: {  	[tilespmem:$0x4FF0] =	vst v2  }
0xa7: {  	[tilespmem:$0x50F0] =	vst v1  }
0xa8: {  	[tilespmem:s14], [sflag:$0x2] =	stream.indirect.gather [hbm4b:s6+s10], $0x40, s13, s10, $0xb8;
	[tilespmem:$0x1CD00] =	vst v63  }
0xa9: {  	_ =	swait.ge [sflag:s15], $0x2000  }
0xaa: {  	[sflag:s15] =	ssyncset.done $0x0  }
0xab: {  	[sflag:s15] =	ssyncadd.s32 $0xFFFFE000  }
0xac: {  	[spmem:s2] =	stream.indirect.scatter.add.f32 [tilespmem:s12], [sflag:$0x3], $0x40, s16, s10, $0xb8;
	[tilespmem:$0x1CD00] =	vst v63  }
0xad: {  	_ =	swait.ge [sflag:s9], $0x2000  }
0xae: {  	[sflag:s9] =	ssyncset.done $0x0  }
0xaf: {  	[sflag:s9] =	ssyncadd.s32 $0xFFFFE000  }
0xb0: {  	v1 =	vld [tilespmem:s21+$0x100];
	_ =	sdelay $0x4  }
0xb1: {  	v2 =	vand.u32 $0x3FFF, v1;
	v1 =	vshrl.u32 v1, $0xE  }
0xb2: {  	[tilespmem:$0x4F00] =	vst v2  }
0xb3: {  	[tilespmem:$0x5000] =	vst v1  }
0xb4: {  	v1 =	vld [tilespmem:s21+$0x110];
	_ =	sdelay $0x4  }
0xb5: {  	v2 =	vand.u32 $0x3FFF, v1;
	v1 =	vshrl.u32 v1, $0xE  }
0xb6: {  	[tilespmem:$0x4F10] =	vst v2  }
0xb7: {  	[tilespmem:$0x5010] =	vst v1  }
0xb8: {  	v1 =	vld [tilespmem:s21+$0x120];
	_ =	sdelay $0x4  }
0xb9: {  	v2 =	vand.u32 $0x3FFF, v1;
	v1 =	vshrl.u32 v1, $0xE  }
0xba: {  	[tilespmem:$0x4F20] =	vst v2  }
0xbb: {  	[tilespmem:$0x5020] =	vst v1  }
0xbc: {  	v1 =	vld [tilespmem:s21+$0x130];
	_ =	sdelay $0x4  }
0xbd: {  	v2 =	vand.u32 $0x3FFF, v1;
	v1 =	vshrl.u32 v1, $0xE  }
0xbe: {  	[tilespmem:$0x4F30] =	vst v2  }
0xbf: {  	[tilespmem:$0x5030] =	vst v1  }
0xc0: {  	v1 =	vld [tilespmem:s21+$0x140];
	_ =	sdelay $0x4  }
0xc1: {  	v2 =	vand.u32 $0x3FFF, v1;
	v1 =	vshrl.u32 v1, $0xE  }
0xc2: {  	[tilespmem:$0x4F40] =	vst v2  }
0xc3: {  	[tilespmem:$0x5040] =	vst v1  }
0xc4: {  	v1 =	vld [tilespmem:s21+$0x150];
	_ =	sdelay $0x4  }
0xc5: {  	v2 =	vand.u32 $0x3FFF, v1;
	v1 =	vshrl.u32 v1, $0xE  }
0xc6: {  	[tilespmem:$0x4F50] =	vst v2  }
0xc7: {  	[tilespmem:$0x5050] =	vst v1  }
0xc8: {  	v1 =	vld [tilespmem:s21+$0x160];
	_ =	sdelay $0x1  }
.Ltmp1:
0xc9: {  	(pc) =	sbr.rel @p0 .LBB2_4-.Ltmp1, $3  }
0xca: {  	_ =	sdelay $0x1  }
0xcb: {  	v2 =	vand.u32 $0x3FFF, v1;
	v1 =	vshrl.u32 v1, $0xE  }
0xcc: {  	[tilespmem:$0x4F60] =	vst v2  }
0xcd: {  	[tilespmem:$0x5060] =	vst v1  }
0xce: {  	v1 =	vld [tilespmem:s21+$0x170];
	_ =	sdelay $0x4  }
0xcf: {  	v2 =	vand.u32 $0x3FFF, v1  }
0xd0: {  	v1 =	vshrl.u32 v1, $0xE;
	[tilespmem:$0x4F70] =	vst v2  }
0xd1: {  	[tilespmem:$0x5070] =	vst v1  }
0xd2: {  	[tilespmem:s12], [sflag:$0x1] =	stream.indirect.gather [hbm4b:s6+s10], $0x40, s11, s10, $0xb8;
	[tilespmem:$0x1CD00] =	vst v63  }
0xd3: {  	_ =	swait.ge [sflag:s17], $0x2000  }
0xd4: {  	[sflag:s17] =	ssyncset.done $0x0  }
0xd5: {  	[sflag:s17] =	ssyncadd.s32 $0xFFFFE000  }
0xd6: {  	[spmem:s2] =	stream.indirect.scatter.add.f32 [tilespmem:s14], [sflag:$0x3], $0x40, s18, s10, $0xb8;
	[tilespmem:$0x1CD00] =	vst v63  }
0xd7: {  	_ =	swait.ge [sflag:s9], $0x2000  }
0xd8: {  	[sflag:s9] =	ssyncset.done $0x0  }
0xd9: {  	[sflag:s9] =	ssyncadd.s32 $0xFFFFE000  }
0xda: {  	v1 =	vld [tilespmem:$0x4E80];
	_ =	sdelay $0x1  }
0xdb: {  	v2 =	vld [tilespmem:$0x4E90];
	_ =	sdelay $0x1  }
0xdc: {  	v3 =	vld [tilespmem:$0x4EA0]  }
0xdd: {  	v4 =	vand.u32 $0x3FFF, v1  }
0xde: {  	v62 =	vld [tilespmem:$0x4EB0];
	v1 =	vshrl.u32 v1, $0xE;
	[tilespmem:$0x4F80] =	vst v4  }
0xdf: {  	[tilespmem:$0x5080] =	vst v1;
	v1 =	vand.u32 $0x3FFF, v2  }
0xe0: {  	[tilespmem:$0x4F90] =	vst v1;
	v1 =	vshrl.u32 v2, $0xE;
	v2 =	vld [tilespmem:$0x4EC0]  }
0xe1: {  	[tilespmem:$0x5090] =	vst v1;
	v1 =	vand.u32 $0x3FFF, v3  }
0xe2: {  	[tilespmem:$0x4FA0] =	vst v1;
	v1 =	vshrl.u32 v3, $0xE;
	v3 =	vld [tilespmem:$0x4ED0]  }
0xe3: {  	[tilespmem:$0x50A0] =	vst v1;
	v1 =	vand.u32 $0x3FFF, v62  }
0xe4: {  	v63 =	vld [tilespmem:$0x4EE0];
	[tilespmem:$0x4FB0] =	vst v1;
	v1 =	vshrl.u32 v62, $0xE  }
0xe5: {  	[tilespmem:$0x50B0] =	vst v1;
	v1 =	vand.u32 $0x3FFF, v2  }
0xe6: {  	[tilespmem:$0x4FC0] =	vst v1;
	v1 =	vshrl.u32 v2, $0xE;
	v2 =	vld [tilespmem:$0x4EF0]  }
0xe7: {  	[tilespmem:$0x50C0] =	vst v1;
	v1 =	vand.u32 $0x3FFF, v3  }
0xe8: {  	[tilespmem:$0x4FD0] =	vst v1;
	v1 =	vshrl.u32 v3, $0xE  }
0xe9: {  	[tilespmem:$0x50D0] =	vst v1;
	v1 =	vand.u32 $0x3FFF, v63  }
0xea: {  	[tilespmem:$0x4FE0] =	vst v1;
	v1 =	vshrl.u32 v63, $0xE  }
0xeb: {  	[tilespmem:$0x50E0] =	vst v1;
	v1 =	vand.u32 $0x3FFF, v2  }
0xec: {  	[tilespmem:$0x4FF0] =	vst v1;
	v1 =	vshrl.u32 v2, $0xE  }
0xed: {  	[tilespmem:$0x50F0] =	vst v1  }
0xee: {  	[tilespmem:s14], [sflag:$0x2] =	stream.indirect.gather [hbm4b:s6+s10], $0x40, s13, s10, $0xb8;
	[tilespmem:$0x1CD00] =	vst v63  }
0xef: {  	_ =	swait.ge [sflag:s15], $0x2000  }
0xf0: {  	[sflag:s15] =	ssyncset.done $0x0  }
0xf1: {  	[sflag:s15] =	ssyncadd.s32 $0xFFFFE000  }
0xf2: {  	[spmem:s2] =	stream.indirect.scatter.add.f32 [tilespmem:s12], [sflag:$0x3], $0x40, s16, s10, $0xb8;
	[tilespmem:$0x1CD00] =	vst v63  }
0xf3: {  	_ =	swait.ge [sflag:s9], $0x2000  }
0xf4: {  	[sflag:s9] =	ssyncset.done $0x0  }
0xf5: {  	[sflag:s9] =	ssyncadd.s32 $0xFFFFE000  }
0xf6: {  	_ =	swait.ge [sflag:s17], $0x2000  }
0xf7: {  	[sflag:s17] =	ssyncset.done $0x0  }
0xf8: {  	[sflag:s17] =	ssyncadd.s32 $0xFFFFE000  }
0xf9: {  	[spmem:s2] =	stream.indirect.scatter.add.f32 [tilespmem:s14], [sflag:$0x3], $0x40, s18, s10, $0xb8;
	[tilespmem:$0x1CD00] =	vst v63  }
0xfa: {  	_ =	swait.ge [sflag:s9], $0x2000  }
0xfb: {  	[sflag:s9] =	ssyncset.done $0x0  }
0xfc: {  	[sflag:s9] =	ssyncadd.s32 $0xFFFFE000  }
0xfd: {  	[bflag:$0x0] =	sbarrier.arrive $0xFFFF  }
0xfe: {  	[tilespmem:s8], [sflag:$0x3] =	stream.linear.gather [spmem:s4], $0x9E00, $0x38;
	[tilespmem:$0x1CD00] =	vst v63  }
0xff: {  	s20 =	sadd.s32 $0x1, s20;
	_ =	swait.ge [sflag:s9], $0x9E00  }
0x100: {  	p0 =	sne.s32 s20, s7;
	[sflag:s9] =	ssyncset.done $0x0  }
.Ltmp2:
0x101: {  	[sflag:s9] =	ssyncadd.s32 $0xFFFF6200;
	(pc) =	sbr.rel @p0 .LBB2_1-.Ltmp2, $4  }
0x102: {  	[hbm4b:s19+s3] =	stream.linear.scatter [tilespmem:s8], [sflag:$0x3], $0x9E00, $0x38;
	[tilespmem:$0x1CD00] =	vst v63  }
0x103: {  	_ =	swait.ge [sflag:s9], $0x9E00  }
0x104: {  	[sflag:s9] =	ssyncset.done $0x0  }
0x105: {  	[sflag:s9] =	ssyncadd.s32 $0xFFFF6200  }
0x106: {  	_ =	sfence.sel $0x180000  }
0x107: {  	[bflag:$0x0] =	sbarrier.arrive $0xFFFF  }
0x108: {  	p0 =	sne.s32 s1, $0x0;
	_ =	strace $0x9000004A  }
0x109: {  	s0 =	sadd.s32 @!p0 $0x100000, s0;
	[bflag:$0x2] =	sbarrier.arrive $0xFFFF  }
0x10a: {  	[sflag:s0] =	ssyncadd.tile.s32 @!p0 $0x1;
	_ =	shalt  }
.Lfunc_end2:
_tile_overlayer_lowered:
.L_overlay_start_2:
0x10b: {  	(tag) =	ssettag $0x2  }
0x10c: {  	s0 =	rddreg [dreg:$0x0];
	s2 =	stileid.u32  }
0x10d: {  	s1 =	rddreg [dreg:$0x1];
	p0 =	sne.s32 s2, $0x0  }
0x10e: {  	s3 =	rddreg [dreg:$0x2];
	[bflag:$0x3] =	sbarrier.arrive $0xFFFF;
	s2 =	simm.s32 @!p0 $0x1C03  }
0x10f: {  	[timem:s3], [sflag:s2] =	dma.local @!p0 [hbm:s0], s1  }
0x110: {  	s0 =	simm.s32 @!p0 $0x3  }
0x111: {  	_ =	swait.ge @!p0 [sflag:s0], s1  }
0x112: {  	s1 =	ssub.s32 @!p0 $0x0, s1;
	[sflag:s0] =	ssyncset.done @!p0 $0x0  }
0x113: {  	[sflag:s0] =	ssyncadd.s32 @!p0 s1  }
0x114: {  	[bflag:$0x3] =	sbarrier.arrive $0xFFFF  }
0x115: {  	_ =	shalt  }

</sc_bundles>
